<compile_context>
chip_gen: v7x
topology: tpu7x:2x2x1
jax: 0.10.2.dev20260603
libtpu: 0.0.44.dev20260713+nightly
codegen_flags: <defaults>
</compile_context>

<pallas_src>
import functools

import jax
import jax.numpy as jnp
from jax import lax
from jax.experimental import pallas as pl
from jax.experimental.pallas import tpu as pltpu
from jax.experimental.pallas import tpu_sc as plsc

N_NODES = 100000
N_EDGES = 6400000
LANES = 128
N_ROWS = N_EDGES // LANES
G = 8
GD = 8
N_GROUPS = N_ROWS // G
N_GROUPS_D = N_ROWS // GD
NC = 2
NS = 16
NW = NC * NS
R_A = 6256
R_LAST = N_NODES - (NS - 1) * R_A


def _striped(sid, copy_fn):
    r0 = pl.multiple_of(sid * R_A, 8)

    @pl.when(sid < NS - 1)
    def _():
        copy_fn(r0, R_A)

    @pl.when(sid == NS - 1)
    def _():
        copy_fn((NS - 1) * R_A, R_LAST)


def _sc_mesh():
    return plsc.VectorSubcoreMesh(core_axis_name="c", subcore_axis_name="s")


_SC_PARAMS = pltpu.CompilerParams(use_tc_tiling_on_sc=False)


def _make_agg_kernel(width):

    @functools.partial(
        pl.kernel,
        out_type=jax.ShapeDtypeStruct((NC, N_NODES, width), jnp.float32),
        mesh=_sc_mesh(),
        scratch_types=[
            [pltpu.VMEM((LANES,), jnp.int32) for _ in range(G)],
            [pltpu.VMEM((LANES,), jnp.int32) for _ in range(G)],
            pltpu.VMEM((G, LANES, width), jnp.float32),
            pltpu.VMEM_SHARED((N_NODES, width), jnp.float32),
            pltpu.SemaphoreType.DMA,
            pltpu.SemaphoreType.DMA,
        ],
        compiler_params=_SC_PARAMS,
    )
    def agg(g_hbm, src_hbm, dst_hbm, z_hbm, out_hbm,
            sidx1, didx1, rows, acc, sem, semi):
        cid = lax.axis_index("c")
        sid = lax.axis_index("s")
        w = sid * NC + cid

        _striped(sid, lambda o, n: pltpu.sync_copy(
            z_hbm.at[pl.ds(o, n)], acc.at[pl.ds(o, n)]))
        plsc.subcore_barrier()

        def body(i, carry):
            t = w + i * NW

            @pl.when(t < N_GROUPS)
            def _():
                e0 = pl.multiple_of(t * (G * LANES), 8)
                idx_dmas = []
                for j in range(G):
                    idx_dmas.append(pltpu.async_copy(
                        src_hbm.at[pl.ds(e0 + j * LANES, LANES)],
                        sidx1[j], semi))
                    idx_dmas.append(pltpu.async_copy(
                        dst_hbm.at[pl.ds(e0 + j * LANES, LANES)],
                        didx1[j], semi))
                for d in idx_dmas:
                    d.wait()
                gats = [pltpu.async_copy(
                    g_hbm.at[sidx1[j]], rows.at[j], sem) for j in range(G)]
                for d in gats:
                    d.wait()
                for j in range(G):
                    pltpu.sync_copy(rows.at[j], acc.at[didx1[j]], add=True)
            return carry

        n_iter = (N_GROUPS - 1) // NW + 1
        lax.fori_loop(0, n_iter, body, 0)

        plsc.subcore_barrier()
        _striped(sid, lambda o, n: pltpu.sync_copy(
            acc.at[pl.ds(o, n)], out_hbm.at[cid, pl.ds(o, n)]))

    return agg


def _make_deg_kernel():

    @functools.partial(
        pl.kernel,
        out_type=jax.ShapeDtypeStruct((NC, N_NODES, 1), jnp.float32),
        mesh=_sc_mesh(),
        scratch_types=[
            [pltpu.VMEM((LANES,), jnp.int32) for _ in range(GD)],
            pltpu.VMEM((GD, LANES, 1), jnp.float32),
            pltpu.VMEM_SHARED((N_NODES, 1), jnp.float32),
            pltpu.SemaphoreType.DMA,
        ],
        compiler_params=_SC_PARAMS,
    )
    def deg(dst_hbm, z_hbm, o_hbm, out_hbm, didx1, ones, acc, semi):
        cid = lax.axis_index("c")
        sid = lax.axis_index("s")
        w = sid * NC + cid

        pltpu.sync_copy(o_hbm, ones)
        _striped(sid, lambda o, n: pltpu.sync_copy(
            z_hbm.at[pl.ds(o, n)], acc.at[pl.ds(o, n)]))
        plsc.subcore_barrier()

        def body(i, carry):
            t = w + i * NW

            @pl.when(t < N_GROUPS_D)
            def _():
                e0 = pl.multiple_of(t * (GD * LANES), 8)
                idx_dmas = [pltpu.async_copy(
                    dst_hbm.at[pl.ds(e0 + j * LANES, LANES)],
                    didx1[j], semi) for j in range(GD)]
                for d in idx_dmas:
                    d.wait()
                for j in range(GD):
                    pltpu.sync_copy(ones.at[j], acc.at[didx1[j]], add=True)
            return carry

        n_iter = (N_GROUPS_D - 1) // NW + 1
        lax.fori_loop(0, n_iter, body, 0)

        plsc.subcore_barrier()
        _striped(sid, lambda o, n: pltpu.sync_copy(
            acc.at[pl.ds(o, n)], out_hbm.at[cid, pl.ds(o, n)]))

    return deg


_BLK = 4000
_GRID = N_NODES // _BLK


def _d1_body(degp, x, W1, g1, dis):
    d = degp[0] + degp[1] + 1.0
    r = lax.rsqrt(d)
    h = jnp.dot(x[...], W1[...], preferred_element_type=jnp.float32)
    g1[...] = h * r
    dis[...] = r


def _d2_body(s1, g1, dis, W2, b1, g2):
    r = dis[...]
    agg = (s1[0] + s1[1] + g1[...]) * r
    h1 = jnp.maximum(agg + b1[...], 0.0)
    g2[...] = jnp.dot(h1, W2[...], preferred_element_type=jnp.float32) * r


def _d3_body(s2, g2, dis, b2, fcW, fcb, out):
    r = dis[...]
    h2 = jnp.maximum((s2[0] + s2[1] + g2[...]) * r + b2[...], 0.0)
    z = jnp.dot(h2, fcW[...], preferred_element_type=jnp.float32) + fcb[...]
    out[...] = jax.nn.sigmoid(z)


def _row_spec(width):
    return pl.BlockSpec((_BLK, width), lambda i: (i, 0))


def _part_spec(width):
    return pl.BlockSpec((NC, _BLK, width), lambda i: (0, i, 0))


def _full_spec(a, b):
    return pl.BlockSpec((a, b), lambda i: (0, 0))


def kernel(x, edge_index, W1, b1, W2, b2, fcW, fcb):
    src = edge_index[0].astype(jnp.int32)
    dst = edge_index[1].astype(jnp.int32)
    z1 = jnp.zeros((N_NODES, 1), jnp.float32)
    z16 = jnp.zeros((N_NODES, 16), jnp.float32)
    z8 = jnp.zeros((N_NODES, 8), jnp.float32)

    ones_rows = jnp.ones((GD, LANES, 1), jnp.float32)
    degp = _make_deg_kernel()(dst, z1, ones_rows)

    d1 = pl.pallas_call(
        _d1_body,
        grid=(_GRID,),
        in_specs=[_part_spec(1), _row_spec(12), _full_spec(12, 16)],
        out_specs=[_row_spec(16), _row_spec(1)],
        out_shape=[
            jax.ShapeDtypeStruct((N_NODES, 16), jnp.float32),
            jax.ShapeDtypeStruct((N_NODES, 1), jnp.float32),
        ],
    )
    g1, dis = d1(degp, x, W1)

    s1 = _make_agg_kernel(16)(g1, src, dst, z16)

    d2 = pl.pallas_call(
        _d2_body,
        grid=(_GRID,),
        in_specs=[_part_spec(16), _row_spec(16), _row_spec(1),
                  _full_spec(16, 8), _full_spec(1, 16)],
        out_specs=_row_spec(8),
        out_shape=jax.ShapeDtypeStruct((N_NODES, 8), jnp.float32),
    )
    g2 = d2(s1, g1, dis, W2, b1.reshape(1, 16))

    s2 = _make_agg_kernel(8)(g2, src, dst, z8)

    d3 = pl.pallas_call(
        _d3_body,
        grid=(_GRID,),
        in_specs=[_part_spec(8), _row_spec(8), _row_spec(1),
                  _full_spec(1, 8), _full_spec(8, 1), _full_spec(1, 1)],
        out_specs=_row_spec(1),
        out_shape=jax.ShapeDtypeStruct((N_NODES, 1), jnp.float32),
    )
    out = d3(s2, g2, dis, b2.reshape(1, 8), fcW, fcb.reshape(1, 1))
    return out

# --- scband reference (transcript-rebuilt; emitter-appended) ---
"""Pipeline reference for scband-net-74174085202653 (READ-ONLY COPY).

The authoritative reference and input builder live on the scoring server;
editing this copy changes nothing except your own understanding.
"""

import jax, jax.numpy as jnp
import numpy as np

N_NODES = 100000
N_EDGES = 6400000


def gcn_conv(x, edge_index, W, b):
    num_nodes = x.shape[0]
    src = edge_index[0]
    dst = edge_index[1]
    # add self-loops (PyG GCNConv default)
    loop = jnp.arange(num_nodes, dtype=edge_index.dtype)
    src = jnp.concatenate([src, loop])
    dst = jnp.concatenate([dst, loop])
    # symmetric normalization: deg computed on A + I using dst (in-degree)
    deg = jnp.zeros((num_nodes,), dtype=x.dtype).at[dst].add(1.0)
    deg_inv_sqrt = jnp.where(deg > 0, jax.lax.rsqrt(deg), 0.0)
    norm = deg_inv_sqrt[src] * deg_inv_sqrt[dst]
    h = x @ W
    msg = h[src] * norm[:, None]
    out = jnp.zeros((num_nodes, W.shape[1]), dtype=x.dtype).at[dst].add(msg)
    return out + b


def setup_inputs(seed: int = 0) -> dict:
    key = jax.random.key(seed)
    k = jax.random.split(key, 8)
    x = jax.random.normal(k[0], (N_NODES, 12), dtype=jnp.float32)
    edge_index = jax.random.randint(k[1], (2, N_EDGES), 0, N_NODES, dtype=jnp.int64)
    # GCNConv(12, 16)
    W1 = jax.random.normal(k[2], (12, 16), dtype=jnp.float32) * (1.0 / np.sqrt(12))
    b1 = jnp.zeros((16,), dtype=jnp.float32)
    # GCNConv(16, 8)
    W2 = jax.random.normal(k[3], (16, 8), dtype=jnp.float32) * (1.0 / np.sqrt(16))
    b2 = jnp.zeros((8,), dtype=jnp.float32)
    # Linear(8, 1)
    fcW = jax.random.normal(k[4], (8, 1), dtype=jnp.float32) * (1.0 / np.sqrt(8))
    fcb = jnp.zeros((1,), dtype=jnp.float32)
    return {"x": x, "edge_index": edge_index, "W1": W1, "b1": b1, "W2": W2, "b2": b2, "fcW": fcW, "fcb": fcb}


def reference(x, edge_index, W1, b1, W2, b2, fcW, fcb):
    h = jax.nn.relu(gcn_conv(x, edge_index, W1, b1))
    h = jax.nn.relu(gcn_conv(h, edge_index, W2, b2))
    out = jax.nn.sigmoid(h @ fcW + fcb)
    return out

if __name__ == "__main__":
    import jax
    _d = setup_inputs()
    print(jax.jit(kernel)(*tuple(_d.values())))

</pallas_src>

<mosaic_0001>
#map = affine_map<(d0, d1) -> (0, 0)>
#map1 = affine_map<(d0, d1) -> (0)>
#map2 = affine_map<(d0, d1) -> (0, 0, 0)>
module attributes {stable_mosaic.version = 14 : i64} {
  func.func @agg(%arg0: i32, %arg1: i32, %arg2: memref<100000x8xf32, #tpu.memory_space<hbm>>, %arg3: memref<6400000xi32, #tpu.memory_space<hbm>>, %arg4: memref<6400000xi32, #tpu.memory_space<hbm>>, %arg5: memref<100000x8xf32, #tpu.memory_space<hbm>>, %arg6: memref<2x100000x8xf32, #tpu.memory_space<hbm>>, %arg7: memref<128xi32, #tpu.memory_space<vmem>>, %arg8: memref<128xi32, #tpu.memory_space<vmem>>, %arg9: memref<128xi32, #tpu.memory_space<vmem>>, %arg10: memref<128xi32, #tpu.memory_space<vmem>>, %arg11: memref<128xi32, #tpu.memory_space<vmem>>, %arg12: memref<128xi32, #tpu.memory_space<vmem>>, %arg13: memref<128xi32, #tpu.memory_space<vmem>>, %arg14: memref<128xi32, #tpu.memory_space<vmem>>, %arg15: memref<128xi32, #tpu.memory_space<vmem>>, %arg16: memref<128xi32, #tpu.memory_space<vmem>>, %arg17: memref<128xi32, #tpu.memory_space<vmem>>, %arg18: memref<128xi32, #tpu.memory_space<vmem>>, %arg19: memref<128xi32, #tpu.memory_space<vmem>>, %arg20: memref<128xi32, #tpu.memory_space<vmem>>, %arg21: memref<128xi32, #tpu.memory_space<vmem>>, %arg22: memref<128xi32, #tpu.memory_space<vmem>>, %arg23: memref<8x128x8xf32, #tpu.memory_space<vmem>>, %arg24: memref<100000x8xf32, #tpu.memory_space<vmem_shared>>, %arg25: memref<!tpu.dma_semaphore, #tpu.memory_space<semaphore_mem>>, %arg26: memref<!tpu.dma_semaphore, #tpu.memory_space<semaphore_mem>>) attributes {dimension_semantics = [#tpu.dimension_semantics<core_parallel>, #tpu.dimension_semantics<subcore_parallel>], iteration_bounds = array<i64: 2, 16>, scalar_prefetch = 0 : i64, scratch_operands = 20 : i64, tpu.core_type = #tpu.core_type<sc_vector_subcore>, window_params = [{transform_indices = #map}, {transform_indices = #map1}, {transform_indices = #map1}, {transform_indices = #map}, {transform_indices = #map2}]} {
    %mul3A = arith.constant 2 : i32
    %mul3A_0 = arith.muli %arg1, %mul3A : i32
    %add3A = arith.addi %mul3A_0, %arg0 : i32
    %mul3A_1 = arith.constant 6256 : i32
    %mul3A_2 = arith.muli %arg1, %mul3A_1 : i32
    %multiple_of3A = tpu.assume_multiple %mul3A_2, 8 : i32
    %lt3A = arith.constant 15 : i32
    %lt3A_3 = arith.cmpi slt, %arg1, %lt3A : i32
    %convert_element_type3A = arith.extui %lt3A_3 : i1 to i32
    %cond3A = arith.constant 0 : i32
    %cond3A_4 = arith.cmpi ne, %convert_element_type3A, %cond3A : i32
    scf.if %cond3A_4 {
      "tpu.region"() ({
        %run_scoped3A = tpu.sem_alloc : memref<!tpu.dma_semaphore, #tpu.memory_space<semaphore_mem>>
        %dma_start3A = arith.constant 0 : i32
        %dma_start3A_28 = tpu.memref_slice %arg24[%multiple_of3A, %dma_start3A] : memref<100000x8xf32, #tpu.memory_space<vmem_shared>> -> memref<6256x8xf32, #tpu.memory_space<vmem_shared>>
        %dma_start3A_29 = arith.constant 0 : i32
        %dma_start3A_30 = tpu.memref_slice %arg5[%multiple_of3A, %dma_start3A_29] : memref<100000x8xf32, #tpu.memory_space<hbm>> -> memref<6256x8xf32, #tpu.memory_space<hbm>>
        tpu.enqueue_dma source(%dma_start3A_30 : memref<6256x8xf32, #tpu.memory_space<hbm>>) target(%dma_start3A_28 : memref<6256x8xf32, #tpu.memory_space<vmem_shared>>) target_semaphore(%run_scoped3A : memref<!tpu.dma_semaphore, #tpu.memory_space<semaphore_mem>>)
        %dma_wait3A = arith.constant 0 : i32
        %dma_wait3A_31 = tpu.memref_slice %arg24[%multiple_of3A, %dma_wait3A] : memref<100000x8xf32, #tpu.memory_space<vmem_shared>> -> memref<6256x8xf32, #tpu.memory_space<vmem_shared>>
        %dma_wait3A_32 = arith.constant 0 : i32
        %dma_wait3A_33 = tpu.memref_slice %arg5[%multiple_of3A, %dma_wait3A_32] : memref<100000x8xf32, #tpu.memory_space<hbm>> -> memref<6256x8xf32, #tpu.memory_space<hbm>>
        tpu.wait_dma2 semaphore(%run_scoped3A : memref<!tpu.dma_semaphore, #tpu.memory_space<semaphore_mem>>) src(%dma_wait3A_33 : memref<6256x8xf32, #tpu.memory_space<hbm>>) dst(%dma_wait3A_31 : memref<6256x8xf32, #tpu.memory_space<vmem_shared>>)
        tpu.yield
      }) : () -> ()
    } else {
    }
    %eq3A = arith.constant 15 : i32
    %eq3A_5 = arith.cmpi eq, %arg1, %eq3A : i32
    %convert_element_type3A_6 = arith.extui %eq3A_5 : i1 to i32
    %cond3A_7 = arith.constant 0 : i32
    %cond3A_8 = arith.cmpi ne, %convert_element_type3A_6, %cond3A_7 : i32
    scf.if %cond3A_8 {
      "tpu.region"() ({
        %run_scoped3A = tpu.sem_alloc : memref<!tpu.dma_semaphore, #tpu.memory_space<semaphore_mem>>
        %dma_start3A = arith.constant 93840 : i32
        %dma_start3A_28 = arith.constant 0 : i32
        %dma_start3A_29 = tpu.memref_slice %arg24[%dma_start3A, %dma_start3A_28] : memref<100000x8xf32, #tpu.memory_space<vmem_shared>> -> memref<6160x8xf32, #tpu.memory_space<vmem_shared>>
        %dma_start3A_30 = arith.constant 93840 : i32
        %dma_start3A_31 = arith.constant 0 : i32
        %dma_start3A_32 = tpu.memref_slice %arg5[%dma_start3A_30, %dma_start3A_31] : memref<100000x8xf32, #tpu.memory_space<hbm>> -> memref<6160x8xf32, #tpu.memory_space<hbm>>
        tpu.enqueue_dma source(%dma_start3A_32 : memref<6160x8xf32, #tpu.memory_space<hbm>>) target(%dma_start3A_29 : memref<6160x8xf32, #tpu.memory_space<vmem_shared>>) target_semaphore(%run_scoped3A : memref<!tpu.dma_semaphore, #tpu.memory_space<semaphore_mem>>)
        %dma_wait3A = arith.constant 93840 : i32
        %dma_wait3A_33 = arith.constant 0 : i32
        %dma_wait3A_34 = tpu.memref_slice %arg24[%dma_wait3A, %dma_wait3A_33] : memref<100000x8xf32, #tpu.memory_space<vmem_shared>> -> memref<6160x8xf32, #tpu.memory_space<vmem_shared>>
        %dma_wait3A_35 = arith.constant 93840 : i32
        %dma_wait3A_36 = arith.constant 0 : i32
        %dma_wait3A_37 = tpu.memref_slice %arg5[%dma_wait3A_35, %dma_wait3A_36] : memref<100000x8xf32, #tpu.memory_space<hbm>> -> memref<6160x8xf32, #tpu.memory_space<hbm>>
        tpu.wait_dma2 semaphore(%run_scoped3A : memref<!tpu.dma_semaphore, #tpu.memory_space<semaphore_mem>>) src(%dma_wait3A_37 : memref<6160x8xf32, #tpu.memory_space<hbm>>) dst(%dma_wait3A_34 : memref<6160x8xf32, #tpu.memory_space<vmem_shared>>)
        tpu.yield
      }) : () -> ()
    } else {
    }
    %barrier3A = arith.constant 0 : index
    tpu.barrier barrier_id(%barrier3A)
    %scan3A = arith.constant 0 : i32
    %scan3A_9 = arith.constant 0 : i32
    %scan3A_10 = arith.constant 196 : i32
    %scan3A_11 = arith.addi %scan3A_9, %scan3A_10 : i32
    %scan3A_12 = arith.constant 1 : i32
    scf.for %scan3A_28 = %scan3A_9 to %scan3A_11 step %scan3A_12  : i32 {
      %mul3A_29 = arith.constant 32 : i32
      %mul3A_30 = arith.muli %scan3A_28, %mul3A_29 : i32
      %add3A_31 = arith.addi %add3A, %mul3A_30 : i32
      %lt3A_32 = arith.constant 6250 : i32
      %lt3A_33 = arith.cmpi slt, %add3A_31, %lt3A_32 : i32
      %convert_element_type3A_34 = arith.extui %lt3A_33 : i1 to i32
      %cond3A_35 = arith.constant 0 : i32
      %cond3A_36 = arith.cmpi ne, %convert_element_type3A_34, %cond3A_35 : i32
      scf.if %cond3A_36 {
        %mul3A_37 = arith.constant 1024 : i32
        %mul3A_38 = arith.muli %add3A_31, %mul3A_37 : i32
        %multiple_of3A_39 = tpu.assume_multiple %mul3A_38, 8 : i32
        %add3A_40 = arith.constant 0 : i32
        %add3A_41 = arith.addi %multiple_of3A_39, %add3A_40 : i32
        %dma_start3A = tpu.memref_slice %arg3[%add3A_41] : memref<6400000xi32, #tpu.memory_space<hbm>> -> memref<128xi32, #tpu.memory_space<hbm>>
        %dma_start3A_42 = tpu.memref_slice %arg3[%add3A_41] : memref<6400000xi32, #tpu.memory_space<hbm>> -> memref<128xi32, #tpu.memory_space<hbm>>
        tpu.enqueue_dma source(%dma_start3A_42 : memref<128xi32, #tpu.memory_space<hbm>>) target(%arg7 : memref<128xi32, #tpu.memory_space<vmem>>) target_semaphore(%arg26 : memref<!tpu.dma_semaphore, #tpu.memory_space<semaphore_mem>>)
        %add3A_43 = arith.constant 0 : i32
        %add3A_44 = arith.addi %multiple_of3A_39, %add3A_43 : i32
        %dma_start3A_45 = tpu.memref_slice %arg4[%add3A_44] : memref<6400000xi32, #tpu.memory_space<hbm>> -> memref<128xi32, #tpu.memory_space<hbm>>
        %dma_start3A_46 = tpu.memref_slice %arg4[%add3A_44] : memref<6400000xi32, #tpu.memory_space<hbm>> -> memref<128xi32, #tpu.memory_space<hbm>>
        tpu.enqueue_dma source(%dma_start3A_46 : memref<128xi32, #tpu.memory_space<hbm>>) target(%arg15 : memref<128xi32, #tpu.memory_space<vmem>>) target_semaphore(%arg26 : memref<!tpu.dma_semaphore, #tpu.memory_space<semaphore_mem>>)
        %add3A_47 = arith.constant 128 : i32
        %add3A_48 = arith.addi %multiple_of3A_39, %add3A_47 : i32
        %dma_start3A_49 = tpu.memref_slice %arg3[%add3A_48] : memref<6400000xi32, #tpu.memory_space<hbm>> -> memref<128xi32, #tpu.memory_space<hbm>>
        %dma_start3A_50 = tpu.memref_slice %arg3[%add3A_48] : memref<6400000xi32, #tpu.memory_space<hbm>> -> memref<128xi32, #tpu.memory_space<hbm>>
        tpu.enqueue_dma source(%dma_start3A_50 : memref<128xi32, #tpu.memory_space<hbm>>) target(%arg8 : memref<128xi32, #tpu.memory_space<vmem>>) target_semaphore(%arg26 : memref<!tpu.dma_semaphore, #tpu.memory_space<semaphore_mem>>)
        %add3A_51 = arith.constant 128 : i32
        %add3A_52 = arith.addi %multiple_of3A_39, %add3A_51 : i32
        %dma_start3A_53 = tpu.memref_slice %arg4[%add3A_52] : memref<6400000xi32, #tpu.memory_space<hbm>> -> memref<128xi32, #tpu.memory_space<hbm>>
        %dma_start3A_54 = tpu.memref_slice %arg4[%add3A_52] : memref<6400000xi32, #tpu.memory_space<hbm>> -> memref<128xi32, #tpu.memory_space<hbm>>
        tpu.enqueue_dma source(%dma_start3A_54 : memref<128xi32, #tpu.memory_space<hbm>>) target(%arg16 : memref<128xi32, #tpu.memory_space<vmem>>) target_semaphore(%arg26 : memref<!tpu.dma_semaphore, #tpu.memory_space<semaphore_mem>>)
        %add3A_55 = arith.constant 256 : i32
        %add3A_56 = arith.addi %multiple_of3A_39, %add3A_55 : i32
        %dma_start3A_57 = tpu.memref_slice %arg3[%add3A_56] : memref<6400000xi32, #tpu.memory_space<hbm>> -> memref<128xi32, #tpu.memory_space<hbm>>
        %dma_start3A_58 = tpu.memref_slice %arg3[%add3A_56] : memref<6400000xi32, #tpu.memory_space<hbm>> -> memref<128xi32, #tpu.memory_space<hbm>>
        tpu.enqueue_dma source(%dma_start3A_58 : memref<128xi32, #tpu.memory_space<hbm>>) target(%arg9 : memref<128xi32, #tpu.memory_space<vmem>>) target_semaphore(%arg26 : memref<!tpu.dma_semaphore, #tpu.memory_space<semaphore_mem>>)
        %add3A_59 = arith.constant 256 : i32
        %add3A_60 = arith.addi %multiple_of3A_39, %add3A_59 : i32
        %dma_start3A_61 = tpu.memref_slice %arg4[%add3A_60] : memref<6400000xi32, #tpu.memory_space<hbm>> -> memref<128xi32, #tpu.memory_space<hbm>>
        %dma_start3A_62 = tpu.memref_slice %arg4[%add3A_60] : memref<6400000xi32, #tpu.memory_space<hbm>> -> memref<128xi32, #tpu.memory_space<hbm>>
        tpu.enqueue_dma source(%dma_start3A_62 : memref<128xi32, #tpu.memory_space<hbm>>) target(%arg17 : memref<128xi32, #tpu.memory_space<vmem>>) target_semaphore(%arg26 : memref<!tpu.dma_semaphore, #tpu.memory_space<semaphore_mem>>)
        %add3A_63 = arith.constant 384 : i32
        %add3A_64 = arith.addi %multiple_of3A_39, %add3A_63 : i32
        %dma_start3A_65 = tpu.memref_slice %arg3[%add3A_64] : memref<6400000xi32, #tpu.memory_space<hbm>> -> memref<128xi32, #tpu.memory_space<hbm>>
        %dma_start3A_66 = tpu.memref_slice %arg3[%add3A_64] : memref<6400000xi32, #tpu.memory_space<hbm>> -> memref<128xi32, #tpu.memory_space<hbm>>
        tpu.enqueue_dma source(%dma_start3A_66 : memref<128xi32, #tpu.memory_space<hbm>>) target(%arg10 : memref<128xi32, #tpu.memory_space<vmem>>) target_semaphore(%arg26 : memref<!tpu.dma_semaphore, #tpu.memory_space<semaphore_mem>>)
        %add3A_67 = arith.constant 384 : i32
        %add3A_68 = arith.addi %multiple_of3A_39, %add3A_67 : i32
        %dma_start3A_69 = tpu.memref_slice %arg4[%add3A_68] : memref<6400000xi32, #tpu.memory_space<hbm>> -> memref<128xi32, #tpu.memory_space<hbm>>
        %dma_start3A_70 = tpu.memref_slice %arg4[%add3A_68] : memref<6400000xi32, #tpu.memory_space<hbm>> -> memref<128xi32, #tpu.memory_space<hbm>>
        tpu.enqueue_dma source(%dma_start3A_70 : memref<128xi32, #tpu.memory_space<hbm>>) target(%arg18 : memref<128xi32, #tpu.memory_space<vmem>>) target_semaphore(%arg26 : memref<!tpu.dma_semaphore, #tpu.memory_space<semaphore_mem>>)
        %add3A_71 = arith.constant 512 : i32
        %add3A_72 = arith.addi %multiple_of3A_39, %add3A_71 : i32
        %dma_start3A_73 = tpu.memref_slice %arg3[%add3A_72] : memref<6400000xi32, #tpu.memory_space<hbm>> -> memref<128xi32, #tpu.memory_space<hbm>>
        %dma_start3A_74 = tpu.memref_slice %arg3[%add3A_72] : memref<6400000xi32, #tpu.memory_space<hbm>> -> memref<128xi32, #tpu.memory_space<hbm>>
        tpu.enqueue_dma source(%dma_start3A_74 : memref<128xi32, #tpu.memory_space<hbm>>) target(%arg11 : memref<128xi32, #tpu.memory_space<vmem>>) target_semaphore(%arg26 : memref<!tpu.dma_semaphore, #tpu.memory_space<semaphore_mem>>)
        %add3A_75 = arith.constant 512 : i32
        %add3A_76 = arith.addi %multiple_of3A_39, %add3A_75 : i32
        %dma_start3A_77 = tpu.memref_slice %arg4[%add3A_76] : memref<6400000xi32, #tpu.memory_space<hbm>> -> memref<128xi32, #tpu.memory_space<hbm>>
        %dma_start3A_78 = tpu.memref_slice %arg4[%add3A_76] : memref<6400000xi32, #tpu.memory_space<hbm>> -> memref<128xi32, #tpu.memory_space<hbm>>
        tpu.enqueue_dma source(%dma_start3A_78 : memref<128xi32, #tpu.memory_space<hbm>>) target(%arg19 : memref<128xi32, #tpu.memory_space<vmem>>) target_semaphore(%arg26 : memref<!tpu.dma_semaphore, #tpu.memory_space<semaphore_mem>>)
        %add3A_79 = arith.constant 640 : i32
        %add3A_80 = arith.addi %multiple_of3A_39, %add3A_79 : i32
        %dma_start3A_81 = tpu.memref_slice %arg3[%add3A_80] : memref<6400000xi32, #tpu.memory_space<hbm>> -> memref<128xi32, #tpu.memory_space<hbm>>
        %dma_start3A_82 = tpu.memref_slice %arg3[%add3A_80] : memref<6400000xi32, #tpu.memory_space<hbm>> -> memref<128xi32, #tpu.memory_space<hbm>>
        tpu.enqueue_dma source(%dma_start3A_82 : memref<128xi32, #tpu.memory_space<hbm>>) target(%arg12 : memref<128xi32, #tpu.memory_space<vmem>>) target_semaphore(%arg26 : memref<!tpu.dma_semaphore, #tpu.memory_space<semaphore_mem>>)
        %add3A_83 = arith.constant 640 : i32
        %add3A_84 = arith.addi %multiple_of3A_39, %add3A_83 : i32
        %dma_start3A_85 = tpu.memref_slice %arg4[%add3A_84] : memref<6400000xi32, #tpu.memory_space<hbm>> -> memref<128xi32, #tpu.memory_space<hbm>>
        %dma_start3A_86 = tpu.memref_slice %arg4[%add3A_84] : memref<6400000xi32, #tpu.memory_space<hbm>> -> memref<128xi32, #tpu.memory_space<hbm>>
        tpu.enqueue_dma source(%dma_start3A_86 : memref<128xi32, #tpu.memory_space<hbm>>) target(%arg20 : memref<128xi32, #tpu.memory_space<vmem>>) target_semaphore(%arg26 : memref<!tpu.dma_semaphore, #tpu.memory_space<semaphore_mem>>)
        %add3A_87 = arith.constant 768 : i32
        %add3A_88 = arith.addi %multiple_of3A_39, %add3A_87 : i32
        %dma_start3A_89 = tpu.memref_slice %arg3[%add3A_88] : memref<6400000xi32, #tpu.memory_space<hbm>> -> memref<128xi32, #tpu.memory_space<hbm>>
        %dma_start3A_90 = tpu.memref_slice %arg3[%add3A_88] : memref<6400000xi32, #tpu.memory_space<hbm>> -> memref<128xi32, #tpu.memory_space<hbm>>
        tpu.enqueue_dma source(%dma_start3A_90 : memref<128xi32, #tpu.memory_space<hbm>>) target(%arg13 : memref<128xi32, #tpu.memory_space<vmem>>) target_semaphore(%arg26 : memref<!tpu.dma_semaphore, #tpu.memory_space<semaphore_mem>>)
        %add3A_91 = arith.constant 768 : i32
        %add3A_92 = arith.addi %multiple_of3A_39, %add3A_91 : i32
        %dma_start3A_93 = tpu.memref_slice %arg4[%add3A_92] : memref<6400000xi32, #tpu.memory_space<hbm>> -> memref<128xi32, #tpu.memory_space<hbm>>
        %dma_start3A_94 = tpu.memref_slice %arg4[%add3A_92] : memref<6400000xi32, #tpu.memory_space<hbm>> -> memref<128xi32, #tpu.memory_space<hbm>>
        tpu.enqueue_dma source(%dma_start3A_94 : memref<128xi32, #tpu.memory_space<hbm>>) target(%arg21 : memref<128xi32, #tpu.memory_space<vmem>>) target_semaphore(%arg26 : memref<!tpu.dma_semaphore, #tpu.memory_space<semaphore_mem>>)
        %add3A_95 = arith.constant 896 : i32
        %add3A_96 = arith.addi %multiple_of3A_39, %add3A_95 : i32
        %dma_start3A_97 = tpu.memref_slice %arg3[%add3A_96] : memref<6400000xi32, #tpu.memory_space<hbm>> -> memref<128xi32, #tpu.memory_space<hbm>>
        %dma_start3A_98 = tpu.memref_slice %arg3[%add3A_96] : memref<6400000xi32, #tpu.memory_space<hbm>> -> memref<128xi32, #tpu.memory_space<hbm>>
        tpu.enqueue_dma source(%dma_start3A_98 : memref<128xi32, #tpu.memory_space<hbm>>) target(%arg14 : memref<128xi32, #tpu.memory_space<vmem>>) target_semaphore(%arg26 : memref<!tpu.dma_semaphore, #tpu.memory_space<semaphore_mem>>)
        %add3A_99 = arith.constant 896 : i32
        %add3A_100 = arith.addi %multiple_of3A_39, %add3A_99 : i32
        %dma_start3A_101 = tpu.memref_slice %arg4[%add3A_100] : memref<6400000xi32, #tpu.memory_space<hbm>> -> memref<128xi32, #tpu.memory_space<hbm>>
        %dma_start3A_102 = tpu.memref_slice %arg4[%add3A_100] : memref<6400000xi32, #tpu.memory_space<hbm>> -> memref<128xi32, #tpu.memory_space<hbm>>
        tpu.enqueue_dma source(%dma_start3A_102 : memref<128xi32, #tpu.memory_space<hbm>>) target(%arg22 : memref<128xi32, #tpu.memory_space<vmem>>) target_semaphore(%arg26 : memref<!tpu.dma_semaphore, #tpu.memory_space<semaphore_mem>>)
        %dma_wait3A = tpu.memref_slice %arg3[%add3A_41] : memref<6400000xi32, #tpu.memory_space<hbm>> -> memref<128xi32, #tpu.memory_space<hbm>>
        %dma_wait3A_103 = tpu.memref_slice %arg3[%add3A_41] : memref<6400000xi32, #tpu.memory_space<hbm>> -> memref<128xi32, #tpu.memory_space<hbm>>
        tpu.wait_dma2 semaphore(%arg26 : memref<!tpu.dma_semaphore, #tpu.memory_space<semaphore_mem>>) src(%dma_wait3A_103 : memref<128xi32, #tpu.memory_space<hbm>>) dst(%arg7 : memref<128xi32, #tpu.memory_space<vmem>>)
        %dma_wait3A_104 = tpu.memref_slice %arg4[%add3A_44] : memref<6400000xi32, #tpu.memory_space<hbm>> -> memref<128xi32, #tpu.memory_space<hbm>>
        %dma_wait3A_105 = tpu.memref_slice %arg4[%add3A_44] : memref<6400000xi32, #tpu.memory_space<hbm>> -> memref<128xi32, #tpu.memory_space<hbm>>
        tpu.wait_dma2 semaphore(%arg26 : memref<!tpu.dma_semaphore, #tpu.memory_space<semaphore_mem>>) src(%dma_wait3A_105 : memref<128xi32, #tpu.memory_space<hbm>>) dst(%arg15 : memref<128xi32, #tpu.memory_space<vmem>>)
        %dma_wait3A_106 = tpu.memref_slice %arg3[%add3A_48] : memref<6400000xi32, #tpu.memory_space<hbm>> -> memref<128xi32, #tpu.memory_space<hbm>>
        %dma_wait3A_107 = tpu.memref_slice %arg3[%add3A_48] : memref<6400000xi32, #tpu.memory_space<hbm>> -> memref<128xi32, #tpu.memory_space<hbm>>
        tpu.wait_dma2 semaphore(%arg26 : memref<!tpu.dma_semaphore, #tpu.memory_space<semaphore_mem>>) src(%dma_wait3A_107 : memref<128xi32, #tpu.memory_space<hbm>>) dst(%arg8 : memref<128xi32, #tpu.memory_space<vmem>>)
        %dma_wait3A_108 = tpu.memref_slice %arg4[%add3A_52] : memref<6400000xi32, #tpu.memory_space<hbm>> -> memref<128xi32, #tpu.memory_space<hbm>>
        %dma_wait3A_109 = tpu.memref_slice %arg4[%add3A_52] : memref<6400000xi32, #tpu.memory_space<hbm>> -> memref<128xi32, #tpu.memory_space<hbm>>
        tpu.wait_dma2 semaphore(%arg26 : memref<!tpu.dma_semaphore, #tpu.memory_space<semaphore_mem>>) src(%dma_wait3A_109 : memref<128xi32, #tpu.memory_space<hbm>>) dst(%arg16 : memref<128xi32, #tpu.memory_space<vmem>>)
        %dma_wait3A_110 = tpu.memref_slice %arg3[%add3A_56] : memref<6400000xi32, #tpu.memory_space<hbm>> -> memref<128xi32, #tpu.memory_space<hbm>>
        %dma_wait3A_111 = tpu.memref_slice %arg3[%add3A_56] : memref<6400000xi32, #tpu.memory_space<hbm>> -> memref<128xi32, #tpu.memory_space<hbm>>
        tpu.wait_dma2 semaphore(%arg26 : memref<!tpu.dma_semaphore, #tpu.memory_space<semaphore_mem>>) src(%dma_wait3A_111 : memref<128xi32, #tpu.memory_space<hbm>>) dst(%arg9 : memref<128xi32, #tpu.memory_space<vmem>>)
        %dma_wait3A_112 = tpu.memref_slice %arg4[%add3A_60] : memref<6400000xi32, #tpu.memory_space<hbm>> -> memref<128xi32, #tpu.memory_space<hbm>>
        %dma_wait3A_113 = tpu.memref_slice %arg4[%add3A_60] : memref<6400000xi32, #tpu.memory_space<hbm>> -> memref<128xi32, #tpu.memory_space<hbm>>
        tpu.wait_dma2 semaphore(%arg26 : memref<!tpu.dma_semaphore, #tpu.memory_space<semaphore_mem>>) src(%dma_wait3A_113 : memref<128xi32, #tpu.memory_space<hbm>>) dst(%arg17 : memref<128xi32, #tpu.memory_space<vmem>>)
        %dma_wait3A_114 = tpu.memref_slice %arg3[%add3A_64] : memref<6400000xi32, #tpu.memory_space<hbm>> -> memref<128xi32, #tpu.memory_space<hbm>>
        %dma_wait3A_115 = tpu.memref_slice %arg3[%add3A_64] : memref<6400000xi32, #tpu.memory_space<hbm>> -> memref<128xi32, #tpu.memory_space<hbm>>
        tpu.wait_dma2 semaphore(%arg26 : memref<!tpu.dma_semaphore, #tpu.memory_space<semaphore_mem>>) src(%dma_wait3A_115 : memref<128xi32, #tpu.memory_space<hbm>>) dst(%arg10 : memref<128xi32, #tpu.memory_space<vmem>>)
        %dma_wait3A_116 = tpu.memref_slice %arg4[%add3A_68] : memref<6400000xi32, #tpu.memory_space<hbm>> -> memref<128xi32, #tpu.memory_space<hbm>>
        %dma_wait3A_117 = tpu.memref_slice %arg4[%add3A_68] : memref<6400000xi32, #tpu.memory_space<hbm>> -> memref<128xi32, #tpu.memory_space<hbm>>
        tpu.wait_dma2 semaphore(%arg26 : memref<!tpu.dma_semaphore, #tpu.memory_space<semaphore_mem>>) src(%dma_wait3A_117 : memref<128xi32, #tpu.memory_space<hbm>>) dst(%arg18 : memref<128xi32, #tpu.memory_space<vmem>>)
        %dma_wait3A_118 = tpu.memref_slice %arg3[%add3A_72] : memref<6400000xi32, #tpu.memory_space<hbm>> -> memref<128xi32, #tpu.memory_space<hbm>>
        %dma_wait3A_119 = tpu.memref_slice %arg3[%add3A_72] : memref<6400000xi32, #tpu.memory_space<hbm>> -> memref<128xi32, #tpu.memory_space<hbm>>
        tpu.wait_dma2 semaphore(%arg26 : memref<!tpu.dma_semaphore, #tpu.memory_space<semaphore_mem>>) src(%dma_wait3A_119 : memref<128xi32, #tpu.memory_space<hbm>>) dst(%arg11 : memref<128xi32, #tpu.memory_space<vmem>>)
        %dma_wait3A_120 = tpu.memref_slice %arg4[%add3A_76] : memref<6400000xi32, #tpu.memory_space<hbm>> -> memref<128xi32, #tpu.memory_space<hbm>>
        %dma_wait3A_121 = tpu.memref_slice %arg4[%add3A_76] : memref<6400000xi32, #tpu.memory_space<hbm>> -> memref<128xi32, #tpu.memory_space<hbm>>
        tpu.wait_dma2 semaphore(%arg26 : memref<!tpu.dma_semaphore, #tpu.memory_space<semaphore_mem>>) src(%dma_wait3A_121 : memref<128xi32, #tpu.memory_space<hbm>>) dst(%arg19 : memref<128xi32, #tpu.memory_space<vmem>>)
        %dma_wait3A_122 = tpu.memref_slice %arg3[%add3A_80] : memref<6400000xi32, #tpu.memory_space<hbm>> -> memref<128xi32, #tpu.memory_space<hbm>>
        %dma_wait3A_123 = tpu.memref_slice %arg3[%add3A_80] : memref<6400000xi32, #tpu.memory_space<hbm>> -> memref<128xi32, #tpu.memory_space<hbm>>
        tpu.wait_dma2 semaphore(%arg26 : memref<!tpu.dma_semaphore, #tpu.memory_space<semaphore_mem>>) src(%dma_wait3A_123 : memref<128xi32, #tpu.memory_space<hbm>>) dst(%arg12 : memref<128xi32, #tpu.memory_space<vmem>>)
        %dma_wait3A_124 = tpu.memref_slice %arg4[%add3A_84] : memref<6400000xi32, #tpu.memory_space<hbm>> -> memref<128xi32, #tpu.memory_space<hbm>>
        %dma_wait3A_125 = tpu.memref_slice %arg4[%add3A_84] : memref<6400000xi32, #tpu.memory_space<hbm>> -> memref<128xi32, #tpu.memory_space<hbm>>
        tpu.wait_dma2 semaphore(%arg26 : memref<!tpu.dma_semaphore, #tpu.memory_space<semaphore_mem>>) src(%dma_wait3A_125 : memref<128xi32, #tpu.memory_space<hbm>>) dst(%arg20 : memref<128xi32, #tpu.memory_space<vmem>>)
        %dma_wait3A_126 = tpu.memref_slice %arg3[%add3A_88] : memref<6400000xi32, #tpu.memory_space<hbm>> -> memref<128xi32, #tpu.memory_space<hbm>>
        %dma_wait3A_127 = tpu.memref_slice %arg3[%add3A_88] : memref<6400000xi32, #tpu.memory_space<hbm>> -> memref<128xi32, #tpu.memory_space<hbm>>
        tpu.wait_dma2 semaphore(%arg26 : memref<!tpu.dma_semaphore, #tpu.memory_space<semaphore_mem>>) src(%dma_wait3A_127 : memref<128xi32, #tpu.memory_space<hbm>>) dst(%arg13 : memref<128xi32, #tpu.memory_space<vmem>>)
        %dma_wait3A_128 = tpu.memref_slice %arg4[%add3A_92] : memref<6400000xi32, #tpu.memory_space<hbm>> -> memref<128xi32, #tpu.memory_space<hbm>>
        %dma_wait3A_129 = tpu.memref_slice %arg4[%add3A_92] : memref<6400000xi32, #tpu.memory_space<hbm>> -> memref<128xi32, #tpu.memory_space<hbm>>
        tpu.wait_dma2 semaphore(%arg26 : memref<!tpu.dma_semaphore, #tpu.memory_space<semaphore_mem>>) src(%dma_wait3A_129 : memref<128xi32, #tpu.memory_space<hbm>>) dst(%arg21 : memref<128xi32, #tpu.memory_space<vmem>>)
        %dma_wait3A_130 = tpu.memref_slice %arg3[%add3A_96] : memref<6400000xi32, #tpu.memory_space<hbm>> -> memref<128xi32, #tpu.memory_space<hbm>>
        %dma_wait3A_131 = tpu.memref_slice %arg3[%add3A_96] : memref<6400000xi32, #tpu.memory_space<hbm>> -> memref<128xi32, #tpu.memory_space<hbm>>
        tpu.wait_dma2 semaphore(%arg26 : memref<!tpu.dma_semaphore, #tpu.memory_space<semaphore_mem>>) src(%dma_wait3A_131 : memref<128xi32, #tpu.memory_space<hbm>>) dst(%arg14 : memref<128xi32, #tpu.memory_space<vmem>>)
        %dma_wait3A_132 = tpu.memref_slice %arg4[%add3A_100] : memref<6400000xi32, #tpu.memory_space<hbm>> -> memref<128xi32, #tpu.memory_space<hbm>>
        %dma_wait3A_133 = tpu.memref_slice %arg4[%add3A_100] : memref<6400000xi32, #tpu.memory_space<hbm>> -> memref<128xi32, #tpu.memory_space<hbm>>
        tpu.wait_dma2 semaphore(%arg26 : memref<!tpu.dma_semaphore, #tpu.memory_space<semaphore_mem>>) src(%dma_wait3A_133 : memref<128xi32, #tpu.memory_space<hbm>>) dst(%arg22 : memref<128xi32, #tpu.memory_space<vmem>>)
        %dma_start3A_134 = arith.constant 0 : i32
        %dma_start3A_135 = arith.constant 0 : i32
        %dma_start3A_136 = arith.constant 0 : i32
        %dma_start3A_137 = tpu.memref_slice %arg23[%dma_start3A_134, %dma_start3A_135, %dma_start3A_136] : memref<8x128x8xf32, #tpu.memory_space<vmem>> -> memref<1x128x8xf32, #tpu.memory_space<vmem>>
        %dma_start3A_138 = tpu.memref_squeeze %dma_start3A_137 : memref<1x128x8xf32, #tpu.memory_space<vmem>> -> memref<128x8xf32, #tpu.memory_space<vmem>>
        %dma_start3A_139 = arith.constant 0 : i32
        %dma_start3A_140 = arith.constant 0 : i32
        %dma_start3A_141 = tpu.memref_slice %arg2[%dma_start3A_139, %dma_start3A_140] : memref<100000x8xf32, #tpu.memory_space<hbm>> -> memref<100000x8xf32, #tpu.memory_space<hbm>>
        tpu.enqueue_indirect_dma source(%dma_start3A_141 : memref<100000x8xf32, #tpu.memory_space<hbm>>) target(%dma_start3A_138 : memref<128x8xf32, #tpu.memory_space<vmem>>) offsets(%arg7 : memref<128xi32, #tpu.memory_space<vmem>>) semaphore(%arg25 : memref<!tpu.dma_semaphore, #tpu.memory_space<semaphore_mem>>)
        %dma_start3A_142 = arith.constant 1 : i32
        %dma_start3A_143 = arith.constant 0 : i32
        %dma_start3A_144 = arith.constant 0 : i32
        %dma_start3A_145 = tpu.memref_slice %arg23[%dma_start3A_142, %dma_start3A_143, %dma_start3A_144] : memref<8x128x8xf32, #tpu.memory_space<vmem>> -> memref<1x128x8xf32, #tpu.memory_space<vmem>>
        %dma_start3A_146 = tpu.memref_squeeze %dma_start3A_145 : memref<1x128x8xf32, #tpu.memory_space<vmem>> -> memref<128x8xf32, #tpu.memory_space<vmem>>
        %dma_start3A_147 = arith.constant 0 : i32
        %dma_start3A_148 = arith.constant 0 : i32
        %dma_start3A_149 = tpu.memref_slice %arg2[%dma_start3A_147, %dma_start3A_148] : memref<100000x8xf32, #tpu.memory_space<hbm>> -> memref<100000x8xf32, #tpu.memory_space<hbm>>
        tpu.enqueue_indirect_dma source(%dma_start3A_149 : memref<100000x8xf32, #tpu.memory_space<hbm>>) target(%dma_start3A_146 : memref<128x8xf32, #tpu.memory_space<vmem>>) offsets(%arg8 : memref<128xi32, #tpu.memory_space<vmem>>) semaphore(%arg25 : memref<!tpu.dma_semaphore, #tpu.memory_space<semaphore_mem>>)
        %dma_start3A_150 = arith.constant 2 : i32
        %dma_start3A_151 = arith.constant 0 : i32
        %dma_start3A_152 = arith.constant 0 : i32
        %dma_start3A_153 = tpu.memref_slice %arg23[%dma_start3A_150, %dma_start3A_151, %dma_start3A_152] : memref<8x128x8xf32, #tpu.memory_space<vmem>> -> memref<1x128x8xf32, #tpu.memory_space<vmem>>
        %dma_start3A_154 = tpu.memref_squeeze %dma_start3A_153 : memref<1x128x8xf32, #tpu.memory_space<vmem>> -> memref<128x8xf32, #tpu.memory_space<vmem>>
        %dma_start3A_155 = arith.constant 0 : i32
        %dma_start3A_156 = arith.constant 0 : i32
        %dma_start3A_157 = tpu.memref_slice %arg2[%dma_start3A_155, %dma_start3A_156] : memref<100000x8xf32, #tpu.memory_space<hbm>> -> memref<100000x8xf32, #tpu.memory_space<hbm>>
        tpu.enqueue_indirect_dma source(%dma_start3A_157 : memref<100000x8xf32, #tpu.memory_space<hbm>>) target(%dma_start3A_154 : memref<128x8xf32, #tpu.memory_space<vmem>>) offsets(%arg9 : memref<128xi32, #tpu.memory_space<vmem>>) semaphore(%arg25 : memref<!tpu.dma_semaphore, #tpu.memory_space<semaphore_mem>>)
        %dma_start3A_158 = arith.constant 3 : i32
        %dma_start3A_159 = arith.constant 0 : i32
        %dma_start3A_160 = arith.constant 0 : i32
        %dma_start3A_161 = tpu.memref_slice %arg23[%dma_start3A_158, %dma_start3A_159, %dma_start3A_160] : memref<8x128x8xf32, #tpu.memory_space<vmem>> -> memref<1x128x8xf32, #tpu.memory_space<vmem>>
        %dma_start3A_162 = tpu.memref_squeeze %dma_start3A_161 : memref<1x128x8xf32, #tpu.memory_space<vmem>> -> memref<128x8xf32, #tpu.memory_space<vmem>>
        %dma_start3A_163 = arith.constant 0 : i32
        %dma_start3A_164 = arith.constant 0 : i32
        %dma_start3A_165 = tpu.memref_slice %arg2[%dma_start3A_163, %dma_start3A_164] : memref<100000x8xf32, #tpu.memory_space<hbm>> -> memref<100000x8xf32, #tpu.memory_space<hbm>>
        tpu.enqueue_indirect_dma source(%dma_start3A_165 : memref<100000x8xf32, #tpu.memory_space<hbm>>) target(%dma_start3A_162 : memref<128x8xf32, #tpu.memory_space<vmem>>) offsets(%arg10 : memref<128xi32, #tpu.memory_space<vmem>>) semaphore(%arg25 : memref<!tpu.dma_semaphore, #tpu.memory_space<semaphore_mem>>)
        %dma_start3A_166 = arith.constant 4 : i32
        %dma_start3A_167 = arith.constant 0 : i32
        %dma_start3A_168 = arith.constant 0 : i32
        %dma_start3A_169 = tpu.memref_slice %arg23[%dma_start3A_166, %dma_start3A_167, %dma_start3A_168] : memref<8x128x8xf32, #tpu.memory_space<vmem>> -> memref<1x128x8xf32, #tpu.memory_space<vmem>>
        %dma_start3A_170 = tpu.memref_squeeze %dma_start3A_169 : memref<1x128x8xf32, #tpu.memory_space<vmem>> -> memref<128x8xf32, #tpu.memory_space<vmem>>
        %dma_start3A_171 = arith.constant 0 : i32
        %dma_start3A_172 = arith.constant 0 : i32
        %dma_start3A_173 = tpu.memref_slice %arg2[%dma_start3A_171, %dma_start3A_172] : memref<100000x8xf32, #tpu.memory_space<hbm>> -> memref<100000x8xf32, #tpu.memory_space<hbm>>
        tpu.enqueue_indirect_dma source(%dma_start3A_173 : memref<100000x8xf32, #tpu.memory_space<hbm>>) target(%dma_start3A_170 : memref<128x8xf32, #tpu.memory_space<vmem>>) offsets(%arg11 : memref<128xi32, #tpu.memory_space<vmem>>) semaphore(%arg25 : memref<!tpu.dma_semaphore, #tpu.memory_space<semaphore_mem>>)
        %dma_start3A_174 = arith.constant 5 : i32
        %dma_start3A_175 = arith.constant 0 : i32
        %dma_start3A_176 = arith.constant 0 : i32
        %dma_start3A_177 = tpu.memref_slice %arg23[%dma_start3A_174, %dma_start3A_175, %dma_start3A_176] : memref<8x128x8xf32, #tpu.memory_space<vmem>> -> memref<1x128x8xf32, #tpu.memory_space<vmem>>
        %dma_start3A_178 = tpu.memref_squeeze %dma_start3A_177 : memref<1x128x8xf32, #tpu.memory_space<vmem>> -> memref<128x8xf32, #tpu.memory_space<vmem>>
        %dma_start3A_179 = arith.constant 0 : i32
        %dma_start3A_180 = arith.constant 0 : i32
        %dma_start3A_181 = tpu.memref_slice %arg2[%dma_start3A_179, %dma_start3A_180] : memref<100000x8xf32, #tpu.memory_space<hbm>> -> memref<100000x8xf32, #tpu.memory_space<hbm>>
        tpu.enqueue_indirect_dma source(%dma_start3A_181 : memref<100000x8xf32, #tpu.memory_space<hbm>>) target(%dma_start3A_178 : memref<128x8xf32, #tpu.memory_space<vmem>>) offsets(%arg12 : memref<128xi32, #tpu.memory_space<vmem>>) semaphore(%arg25 : memref<!tpu.dma_semaphore, #tpu.memory_space<semaphore_mem>>)
        %dma_start3A_182 = arith.constant 6 : i32
        %dma_start3A_183 = arith.constant 0 : i32
        %dma_start3A_184 = arith.constant 0 : i32
        %dma_start3A_185 = tpu.memref_slice %arg23[%dma_start3A_182, %dma_start3A_183, %dma_start3A_184] : memref<8x128x8xf32, #tpu.memory_space<vmem>> -> memref<1x128x8xf32, #tpu.memory_space<vmem>>
        %dma_start3A_186 = tpu.memref_squeeze %dma_start3A_185 : memref<1x128x8xf32, #tpu.memory_space<vmem>> -> memref<128x8xf32, #tpu.memory_space<vmem>>
        %dma_start3A_187 = arith.constant 0 : i32
        %dma_start3A_188 = arith.constant 0 : i32
        %dma_start3A_189 = tpu.memref_slice %arg2[%dma_start3A_187, %dma_start3A_188] : memref<100000x8xf32, #tpu.memory_space<hbm>> -> memref<100000x8xf32, #tpu.memory_space<hbm>>
        tpu.enqueue_indirect_dma source(%dma_start3A_189 : memref<100000x8xf32, #tpu.memory_space<hbm>>) target(%dma_start3A_186 : memref<128x8xf32, #tpu.memory_space<vmem>>) offsets(%arg13 : memref<128xi32, #tpu.memory_space<vmem>>) semaphore(%arg25 : memref<!tpu.dma_semaphore, #tpu.memory_space<semaphore_mem>>)
        %dma_start3A_190 = arith.constant 7 : i32
        %dma_start3A_191 = arith.constant 0 : i32
        %dma_start3A_192 = arith.constant 0 : i32
        %dma_start3A_193 = tpu.memref_slice %arg23[%dma_start3A_190, %dma_start3A_191, %dma_start3A_192] : memref<8x128x8xf32, #tpu.memory_space<vmem>> -> memref<1x128x8xf32, #tpu.memory_space<vmem>>
        %dma_start3A_194 = tpu.memref_squeeze %dma_start3A_193 : memref<1x128x8xf32, #tpu.memory_space<vmem>> -> memref<128x8xf32, #tpu.memory_space<vmem>>
        %dma_start3A_195 = arith.constant 0 : i32
        %dma_start3A_196 = arith.constant 0 : i32
        %dma_start3A_197 = tpu.memref_slice %arg2[%dma_start3A_195, %dma_start3A_196] : memref<100000x8xf32, #tpu.memory_space<hbm>> -> memref<100000x8xf32, #tpu.memory_space<hbm>>
        tpu.enqueue_indirect_dma source(%dma_start3A_197 : memref<100000x8xf32, #tpu.memory_space<hbm>>) target(%dma_start3A_194 : memref<128x8xf32, #tpu.memory_space<vmem>>) offsets(%arg14 : memref<128xi32, #tpu.memory_space<vmem>>) semaphore(%arg25 : memref<!tpu.dma_semaphore, #tpu.memory_space<semaphore_mem>>)
        %dma_wait3A_198 = arith.constant 0 : i32
        %dma_wait3A_199 = arith.constant 0 : i32
        %dma_wait3A_200 = arith.constant 0 : i32
        %dma_wait3A_201 = tpu.memref_slice %arg23[%dma_wait3A_198, %dma_wait3A_199, %dma_wait3A_200] : memref<8x128x8xf32, #tpu.memory_space<vmem>> -> memref<1x128x8xf32, #tpu.memory_space<vmem>>
        %dma_wait3A_202 = tpu.memref_squeeze %dma_wait3A_201 : memref<1x128x8xf32, #tpu.memory_space<vmem>> -> memref<128x8xf32, #tpu.memory_space<vmem>>
        %dma_wait3A_203 = arith.constant 0 : i32
        %dma_wait3A_204 = arith.constant 0 : i32
        %dma_wait3A_205 = tpu.memref_slice %arg2[%dma_wait3A_203, %dma_wait3A_204] : memref<100000x8xf32, #tpu.memory_space<hbm>> -> memref<100000x8xf32, #tpu.memory_space<hbm>>
        tpu.wait_indirect_dma semaphore(%arg25 : memref<!tpu.dma_semaphore, #tpu.memory_space<semaphore_mem>>) src(%dma_wait3A_205 : memref<100000x8xf32, #tpu.memory_space<hbm>>) dst(%dma_wait3A_202 : memref<128x8xf32, #tpu.memory_space<vmem>>)
        %dma_wait3A_206 = arith.constant 1 : i32
        %dma_wait3A_207 = arith.constant 0 : i32
        %dma_wait3A_208 = arith.constant 0 : i32
        %dma_wait3A_209 = tpu.memref_slice %arg23[%dma_wait3A_206, %dma_wait3A_207, %dma_wait3A_208] : memref<8x128x8xf32, #tpu.memory_space<vmem>> -> memref<1x128x8xf32, #tpu.memory_space<vmem>>
        %dma_wait3A_210 = tpu.memref_squeeze %dma_wait3A_209 : memref<1x128x8xf32, #tpu.memory_space<vmem>> -> memref<128x8xf32, #tpu.memory_space<vmem>>
        %dma_wait3A_211 = arith.constant 0 : i32
        %dma_wait3A_212 = arith.constant 0 : i32
        %dma_wait3A_213 = tpu.memref_slice %arg2[%dma_wait3A_211, %dma_wait3A_212] : memref<100000x8xf32, #tpu.memory_space<hbm>> -> memref<100000x8xf32, #tpu.memory_space<hbm>>
        tpu.wait_indirect_dma semaphore(%arg25 : memref<!tpu.dma_semaphore, #tpu.memory_space<semaphore_mem>>) src(%dma_wait3A_213 : memref<100000x8xf32, #tpu.memory_space<hbm>>) dst(%dma_wait3A_210 : memref<128x8xf32, #tpu.memory_space<vmem>>)
        %dma_wait3A_214 = arith.constant 2 : i32
        %dma_wait3A_215 = arith.constant 0 : i32
        %dma_wait3A_216 = arith.constant 0 : i32
        %dma_wait3A_217 = tpu.memref_slice %arg23[%dma_wait3A_214, %dma_wait3A_215, %dma_wait3A_216] : memref<8x128x8xf32, #tpu.memory_space<vmem>> -> memref<1x128x8xf32, #tpu.memory_space<vmem>>
        %dma_wait3A_218 = tpu.memref_squeeze %dma_wait3A_217 : memref<1x128x8xf32, #tpu.memory_space<vmem>> -> memref<128x8xf32, #tpu.memory_space<vmem>>
        %dma_wait3A_219 = arith.constant 0 : i32
        %dma_wait3A_220 = arith.constant 0 : i32
        %dma_wait3A_221 = tpu.memref_slice %arg2[%dma_wait3A_219, %dma_wait3A_220] : memref<100000x8xf32, #tpu.memory_space<hbm>> -> memref<100000x8xf32, #tpu.memory_space<hbm>>
        tpu.wait_indirect_dma semaphore(%arg25 : memref<!tpu.dma_semaphore, #tpu.memory_space<semaphore_mem>>) src(%dma_wait3A_221 : memref<100000x8xf32, #tpu.memory_space<hbm>>) dst(%dma_wait3A_218 : memref<128x8xf32, #tpu.memory_space<vmem>>)
        %dma_wait3A_222 = arith.constant 3 : i32
        %dma_wait3A_223 = arith.constant 0 : i32
        %dma_wait3A_224 = arith.constant 0 : i32
        %dma_wait3A_225 = tpu.memref_slice %arg23[%dma_wait3A_222, %dma_wait3A_223, %dma_wait3A_224] : memref<8x128x8xf32, #tpu.memory_space<vmem>> -> memref<1x128x8xf32, #tpu.memory_space<vmem>>
        %dma_wait3A_226 = tpu.memref_squeeze %dma_wait3A_225 : memref<1x128x8xf32, #tpu.memory_space<vmem>> -> memref<128x8xf32, #tpu.memory_space<vmem>>
        %dma_wait3A_227 = arith.constant 0 : i32
        %dma_wait3A_228 = arith.constant 0 : i32
        %dma_wait3A_229 = tpu.memref_slice %arg2[%dma_wait3A_227, %dma_wait3A_228] : memref<100000x8xf32, #tpu.memory_space<hbm>> -> memref<100000x8xf32, #tpu.memory_space<hbm>>
        tpu.wait_indirect_dma semaphore(%arg25 : memref<!tpu.dma_semaphore, #tpu.memory_space<semaphore_mem>>) src(%dma_wait3A_229 : memref<100000x8xf32, #tpu.memory_space<hbm>>) dst(%dma_wait3A_226 : memref<128x8xf32, #tpu.memory_space<vmem>>)
        %dma_wait3A_230 = arith.constant 4 : i32
        %dma_wait3A_231 = arith.constant 0 : i32
        %dma_wait3A_232 = arith.constant 0 : i32
        %dma_wait3A_233 = tpu.memref_slice %arg23[%dma_wait3A_230, %dma_wait3A_231, %dma_wait3A_232] : memref<8x128x8xf32, #tpu.memory_space<vmem>> -> memref<1x128x8xf32, #tpu.memory_space<vmem>>
        %dma_wait3A_234 = tpu.memref_squeeze %dma_wait3A_233 : memref<1x128x8xf32, #tpu.memory_space<vmem>> -> memref<128x8xf32, #tpu.memory_space<vmem>>
        %dma_wait3A_235 = arith.constant 0 : i32
        %dma_wait3A_236 = arith.constant 0 : i32
        %dma_wait3A_237 = tpu.memref_slice %arg2[%dma_wait3A_235, %dma_wait3A_236] : memref<100000x8xf32, #tpu.memory_space<hbm>> -> memref<100000x8xf32, #tpu.memory_space<hbm>>
        tpu.wait_indirect_dma semaphore(%arg25 : memref<!tpu.dma_semaphore, #tpu.memory_space<semaphore_mem>>) src(%dma_wait3A_237 : memref<100000x8xf32, #tpu.memory_space<hbm>>) dst(%dma_wait3A_234 : memref<128x8xf32, #tpu.memory_space<vmem>>)
        %dma_wait3A_238 = arith.constant 5 : i32
        %dma_wait3A_239 = arith.constant 0 : i32
        %dma_wait3A_240 = arith.constant 0 : i32
        %dma_wait3A_241 = tpu.memref_slice %arg23[%dma_wait3A_238, %dma_wait3A_239, %dma_wait3A_240] : memref<8x128x8xf32, #tpu.memory_space<vmem>> -> memref<1x128x8xf32, #tpu.memory_space<vmem>>
        %dma_wait3A_242 = tpu.memref_squeeze %dma_wait3A_241 : memref<1x128x8xf32, #tpu.memory_space<vmem>> -> memref<128x8xf32, #tpu.memory_space<vmem>>
        %dma_wait3A_243 = arith.constant 0 : i32
        %dma_wait3A_244 = arith.constant 0 : i32
        %dma_wait3A_245 = tpu.memref_slice %arg2[%dma_wait3A_243, %dma_wait3A_244] : memref<100000x8xf32, #tpu.memory_space<hbm>> -> memref<100000x8xf32, #tpu.memory_space<hbm>>
        tpu.wait_indirect_dma semaphore(%arg25 : memref<!tpu.dma_semaphore, #tpu.memory_space<semaphore_mem>>) src(%dma_wait3A_245 : memref<100000x8xf32, #tpu.memory_space<hbm>>) dst(%dma_wait3A_242 : memref<128x8xf32, #tpu.memory_space<vmem>>)
        %dma_wait3A_246 = arith.constant 6 : i32
        %dma_wait3A_247 = arith.constant 0 : i32
        %dma_wait3A_248 = arith.constant 0 : i32
        %dma_wait3A_249 = tpu.memref_slice %arg23[%dma_wait3A_246, %dma_wait3A_247, %dma_wait3A_248] : memref<8x128x8xf32, #tpu.memory_space<vmem>> -> memref<1x128x8xf32, #tpu.memory_space<vmem>>
        %dma_wait3A_250 = tpu.memref_squeeze %dma_wait3A_249 : memref<1x128x8xf32, #tpu.memory_space<vmem>> -> memref<128x8xf32, #tpu.memory_space<vmem>>
        %dma_wait3A_251 = arith.constant 0 : i32
        %dma_wait3A_252 = arith.constant 0 : i32
        %dma_wait3A_253 = tpu.memref_slice %arg2[%dma_wait3A_251, %dma_wait3A_252] : memref<100000x8xf32, #tpu.memory_space<hbm>> -> memref<100000x8xf32, #tpu.memory_space<hbm>>
        tpu.wait_indirect_dma semaphore(%arg25 : memref<!tpu.dma_semaphore, #tpu.memory_space<semaphore_mem>>) src(%dma_wait3A_253 : memref<100000x8xf32, #tpu.memory_space<hbm>>) dst(%dma_wait3A_250 : memref<128x8xf32, #tpu.memory_space<vmem>>)
        %dma_wait3A_254 = arith.constant 7 : i32
        %dma_wait3A_255 = arith.constant 0 : i32
        %dma_wait3A_256 = arith.constant 0 : i32
        %dma_wait3A_257 = tpu.memref_slice %arg23[%dma_wait3A_254, %dma_wait3A_255, %dma_wait3A_256] : memref<8x128x8xf32, #tpu.memory_space<vmem>> -> memref<1x128x8xf32, #tpu.memory_space<vmem>>
        %dma_wait3A_258 = tpu.memref_squeeze %dma_wait3A_257 : memref<1x128x8xf32, #tpu.memory_space<vmem>> -> memref<128x8xf32, #tpu.memory_space<vmem>>
        %dma_wait3A_259 = arith.constant 0 : i32
        %dma_wait3A_260 = arith.constant 0 : i32
        %dma_wait3A_261 = tpu.memref_slice %arg2[%dma_wait3A_259, %dma_wait3A_260] : memref<100000x8xf32, #tpu.memory_space<hbm>> -> memref<100000x8xf32, #tpu.memory_space<hbm>>
        tpu.wait_indirect_dma semaphore(%arg25 : memref<!tpu.dma_semaphore, #tpu.memory_space<semaphore_mem>>) src(%dma_wait3A_261 : memref<100000x8xf32, #tpu.memory_space<hbm>>) dst(%dma_wait3A_258 : memref<128x8xf32, #tpu.memory_space<vmem>>)
        %run_scoped3A = arith.constant 0 : i32
        "tpu.region"() ({
          %run_scoped3A_269 = tpu.sem_alloc : memref<!tpu.dma_semaphore, #tpu.memory_space<semaphore_mem>>
          %dma_start3A_270 = arith.constant 0 : i32
          %dma_start3A_271 = arith.constant 0 : i32
          %dma_start3A_272 = tpu.memref_slice %arg23[%run_scoped3A, %dma_start3A_270, %dma_start3A_271] : memref<8x128x8xf32, #tpu.memory_space<vmem>> -> memref<1x128x8xf32, #tpu.memory_space<vmem>>
          %dma_start3A_273 = tpu.memref_squeeze %dma_start3A_272 : memref<1x128x8xf32, #tpu.memory_space<vmem>> -> memref<128x8xf32, #tpu.memory_space<vmem>>
          %dma_start3A_274 = arith.constant 0 : i32
          %dma_start3A_275 = arith.constant 0 : i32
          %dma_start3A_276 = tpu.memref_slice %arg24[%dma_start3A_274, %dma_start3A_275] : memref<100000x8xf32, #tpu.memory_space<vmem_shared>> -> memref<100000x8xf32, #tpu.memory_space<vmem_shared>>
          tpu.enqueue_indirect_dma source(%dma_start3A_273 : memref<128x8xf32, #tpu.memory_space<vmem>>) target(%dma_start3A_276 : memref<100000x8xf32, #tpu.memory_space<vmem_shared>>) offsets(%arg15 : memref<128xi32, #tpu.memory_space<vmem>>) semaphore(%run_scoped3A_269 : memref<!tpu.dma_semaphore, #tpu.memory_space<semaphore_mem>>) {add = true}
          %dma_wait3A_277 = arith.constant 0 : i32
          %dma_wait3A_278 = arith.constant 0 : i32
          %dma_wait3A_279 = tpu.memref_slice %arg23[%run_scoped3A, %dma_wait3A_277, %dma_wait3A_278] : memref<8x128x8xf32, #tpu.memory_space<vmem>> -> memref<1x128x8xf32, #tpu.memory_space<vmem>>
          %dma_wait3A_280 = tpu.memref_squeeze %dma_wait3A_279 : memref<1x128x8xf32, #tpu.memory_space<vmem>> -> memref<128x8xf32, #tpu.memory_space<vmem>>
          %dma_wait3A_281 = arith.constant 0 : i32
          %dma_wait3A_282 = arith.constant 0 : i32
          %dma_wait3A_283 = tpu.memref_slice %arg24[%dma_wait3A_281, %dma_wait3A_282] : memref<100000x8xf32, #tpu.memory_space<vmem_shared>> -> memref<100000x8xf32, #tpu.memory_space<vmem_shared>>
          tpu.wait_indirect_dma semaphore(%run_scoped3A_269 : memref<!tpu.dma_semaphore, #tpu.memory_space<semaphore_mem>>) src(%dma_wait3A_280 : memref<128x8xf32, #tpu.memory_space<vmem>>) dst(%dma_wait3A_283 : memref<100000x8xf32, #tpu.memory_space<vmem_shared>>)
          tpu.yield
        }) : () -> ()
        %run_scoped3A_262 = arith.constant 1 : i32
        "tpu.region"() ({
          %run_scoped3A_269 = tpu.sem_alloc : memref<!tpu.dma_semaphore, #tpu.memory_space<semaphore_mem>>
          %dma_start3A_270 = arith.constant 0 : i32
          %dma_start3A_271 = arith.constant 0 : i32
          %dma_start3A_272 = tpu.memref_slice %arg23[%run_scoped3A_262, %dma_start3A_270, %dma_start3A_271] : memref<8x128x8xf32, #tpu.memory_space<vmem>> -> memref<1x128x8xf32, #tpu.memory_space<vmem>>
          %dma_start3A_273 = tpu.memref_squeeze %dma_start3A_272 : memref<1x128x8xf32, #tpu.memory_space<vmem>> -> memref<128x8xf32, #tpu.memory_space<vmem>>
          %dma_start3A_274 = arith.constant 0 : i32
          %dma_start3A_275 = arith.constant 0 : i32
          %dma_start3A_276 = tpu.memref_slice %arg24[%dma_start3A_274, %dma_start3A_275] : memref<100000x8xf32, #tpu.memory_space<vmem_shared>> -> memref<100000x8xf32, #tpu.memory_space<vmem_shared>>
          tpu.enqueue_indirect_dma source(%dma_start3A_273 : memref<128x8xf32, #tpu.memory_space<vmem>>) target(%dma_start3A_276 : memref<100000x8xf32, #tpu.memory_space<vmem_shared>>) offsets(%arg16 : memref<128xi32, #tpu.memory_space<vmem>>) semaphore(%run_scoped3A_269 : memref<!tpu.dma_semaphore, #tpu.memory_space<semaphore_mem>>) {add = true}
          %dma_wait3A_277 = arith.constant 0 : i32
          %dma_wait3A_278 = arith.constant 0 : i32
          %dma_wait3A_279 = tpu.memref_slice %arg23[%run_scoped3A_262, %dma_wait3A_277, %dma_wait3A_278] : memref<8x128x8xf32, #tpu.memory_space<vmem>> -> memref<1x128x8xf32, #tpu.memory_space<vmem>>
          %dma_wait3A_280 = tpu.memref_squeeze %dma_wait3A_279 : memref<1x128x8xf32, #tpu.memory_space<vmem>> -> memref<128x8xf32, #tpu.memory_space<vmem>>
          %dma_wait3A_281 = arith.constant 0 : i32
          %dma_wait3A_282 = arith.constant 0 : i32
          %dma_wait3A_283 = tpu.memref_slice %arg24[%dma_wait3A_281, %dma_wait3A_282] : memref<100000x8xf32, #tpu.memory_space<vmem_shared>> -> memref<100000x8xf32, #tpu.memory_space<vmem_shared>>
          tpu.wait_indirect_dma semaphore(%run_scoped3A_269 : memref<!tpu.dma_semaphore, #tpu.memory_space<semaphore_mem>>) src(%dma_wait3A_280 : memref<128x8xf32, #tpu.memory_space<vmem>>) dst(%dma_wait3A_283 : memref<100000x8xf32, #tpu.memory_space<vmem_shared>>)
          tpu.yield
        }) : () -> ()
        %run_scoped3A_263 = arith.constant 2 : i32
        "tpu.region"() ({
          %run_scoped3A_269 = tpu.sem_alloc : memref<!tpu.dma_semaphore, #tpu.memory_space<semaphore_mem>>
          %dma_start3A_270 = arith.constant 0 : i32
          %dma_start3A_271 = arith.constant 0 : i32
          %dma_start3A_272 = tpu.memref_slice %arg23[%run_scoped3A_263, %dma_start3A_270, %dma_start3A_271] : memref<8x128x8xf32, #tpu.memory_space<vmem>> -> memref<1x128x8xf32, #tpu.memory_space<vmem>>
          %dma_start3A_273 = tpu.memref_squeeze %dma_start3A_272 : memref<1x128x8xf32, #tpu.memory_space<vmem>> -> memref<128x8xf32, #tpu.memory_space<vmem>>
          %dma_start3A_274 = arith.constant 0 : i32
          %dma_start3A_275 = arith.constant 0 : i32
          %dma_start3A_276 = tpu.memref_slice %arg24[%dma_start3A_274, %dma_start3A_275] : memref<100000x8xf32, #tpu.memory_space<vmem_shared>> -> memref<100000x8xf32, #tpu.memory_space<vmem_shared>>
          tpu.enqueue_indirect_dma source(%dma_start3A_273 : memref<128x8xf32, #tpu.memory_space<vmem>>) target(%dma_start3A_276 : memref<100000x8xf32, #tpu.memory_space<vmem_shared>>) offsets(%arg17 : memref<128xi32, #tpu.memory_space<vmem>>) semaphore(%run_scoped3A_269 : memref<!tpu.dma_semaphore, #tpu.memory_space<semaphore_mem>>) {add = true}
          %dma_wait3A_277 = arith.constant 0 : i32
          %dma_wait3A_278 = arith.constant 0 : i32
          %dma_wait3A_279 = tpu.memref_slice %arg23[%run_scoped3A_263, %dma_wait3A_277, %dma_wait3A_278] : memref<8x128x8xf32, #tpu.memory_space<vmem>> -> memref<1x128x8xf32, #tpu.memory_space<vmem>>
          %dma_wait3A_280 = tpu.memref_squeeze %dma_wait3A_279 : memref<1x128x8xf32, #tpu.memory_space<vmem>> -> memref<128x8xf32, #tpu.memory_space<vmem>>
          %dma_wait3A_281 = arith.constant 0 : i32
          %dma_wait3A_282 = arith.constant 0 : i32
          %dma_wait3A_283 = tpu.memref_slice %arg24[%dma_wait3A_281, %dma_wait3A_282] : memref<100000x8xf32, #tpu.memory_space<vmem_shared>> -> memref<100000x8xf32, #tpu.memory_space<vmem_shared>>
          tpu.wait_indirect_dma semaphore(%run_scoped3A_269 : memref<!tpu.dma_semaphore, #tpu.memory_space<semaphore_mem>>) src(%dma_wait3A_280 : memref<128x8xf32, #tpu.memory_space<vmem>>) dst(%dma_wait3A_283 : memref<100000x8xf32, #tpu.memory_space<vmem_shared>>)
          tpu.yield
        }) : () -> ()
        %run_scoped3A_264 = arith.constant 3 : i32
        "tpu.region"() ({
          %run_scoped3A_269 = tpu.sem_alloc : memref<!tpu.dma_semaphore, #tpu.memory_space<semaphore_mem>>
          %dma_start3A_270 = arith.constant 0 : i32
          %dma_start3A_271 = arith.constant 0 : i32
          %dma_start3A_272 = tpu.memref_slice %arg23[%run_scoped3A_264, %dma_start3A_270, %dma_start3A_271] : memref<8x128x8xf32, #tpu.memory_space<vmem>> -> memref<1x128x8xf32, #tpu.memory_space<vmem>>
          %dma_start3A_273 = tpu.memref_squeeze %dma_start3A_272 : memref<1x128x8xf32, #tpu.memory_space<vmem>> -> memref<128x8xf32, #tpu.memory_space<vmem>>
          %dma_start3A_274 = arith.constant 0 : i32
          %dma_start3A_275 = arith.constant 0 : i32
          %dma_start3A_276 = tpu.memref_slice %arg24[%dma_start3A_274, %dma_start3A_275] : memref<100000x8xf32, #tpu.memory_space<vmem_shared>> -> memref<100000x8xf32, #tpu.memory_space<vmem_shared>>
          tpu.enqueue_indirect_dma source(%dma_start3A_273 : memref<128x8xf32, #tpu.memory_space<vmem>>) target(%dma_start3A_276 : memref<100000x8xf32, #tpu.memory_space<vmem_shared>>) offsets(%arg18 : memref<128xi32, #tpu.memory_space<vmem>>) semaphore(%run_scoped3A_269 : memref<!tpu.dma_semaphore, #tpu.memory_space<semaphore_mem>>) {add = true}
          %dma_wait3A_277 = arith.constant 0 : i32
          %dma_wait3A_278 = arith.constant 0 : i32
          %dma_wait3A_279 = tpu.memref_slice %arg23[%run_scoped3A_264, %dma_wait3A_277, %dma_wait3A_278] : memref<8x128x8xf32, #tpu.memory_space<vmem>> -> memref<1x128x8xf32, #tpu.memory_space<vmem>>
          %dma_wait3A_280 = tpu.memref_squeeze %dma_wait3A_279 : memref<1x128x8xf32, #tpu.memory_space<vmem>> -> memref<128x8xf32, #tpu.memory_space<vmem>>
          %dma_wait3A_281 = arith.constant 0 : i32
          %dma_wait3A_282 = arith.constant 0 : i32
          %dma_wait3A_283 = tpu.memref_slice %arg24[%dma_wait3A_281, %dma_wait3A_282] : memref<100000x8xf32, #tpu.memory_space<vmem_shared>> -> memref<100000x8xf32, #tpu.memory_space<vmem_shared>>
          tpu.wait_indirect_dma semaphore(%run_scoped3A_269 : memref<!tpu.dma_semaphore, #tpu.memory_space<semaphore_mem>>) src(%dma_wait3A_280 : memref<128x8xf32, #tpu.memory_space<vmem>>) dst(%dma_wait3A_283 : memref<100000x8xf32, #tpu.memory_space<vmem_shared>>)
          tpu.yield
        }) : () -> ()
        %run_scoped3A_265 = arith.constant 4 : i32
        "tpu.region"() ({
          %run_scoped3A_269 = tpu.sem_alloc : memref<!tpu.dma_semaphore, #tpu.memory_space<semaphore_mem>>
          %dma_start3A_270 = arith.constant 0 : i32
          %dma_start3A_271 = arith.constant 0 : i32
          %dma_start3A_272 = tpu.memref_slice %arg23[%run_scoped3A_265, %dma_start3A_270, %dma_start3A_271] : memref<8x128x8xf32, #tpu.memory_space<vmem>> -> memref<1x128x8xf32, #tpu.memory_space<vmem>>
          %dma_start3A_273 = tpu.memref_squeeze %dma_start3A_272 : memref<1x128x8xf32, #tpu.memory_space<vmem>> -> memref<128x8xf32, #tpu.memory_space<vmem>>
          %dma_start3A_274 = arith.constant 0 : i32
          %dma_start3A_275 = arith.constant 0 : i32
          %dma_start3A_276 = tpu.memref_slice %arg24[%dma_start3A_274, %dma_start3A_275] : memref<100000x8xf32, #tpu.memory_space<vmem_shared>> -> memref<100000x8xf32, #tpu.memory_space<vmem_shared>>
          tpu.enqueue_indirect_dma source(%dma_start3A_273 : memref<128x8xf32, #tpu.memory_space<vmem>>) target(%dma_start3A_276 : memref<100000x8xf32, #tpu.memory_space<vmem_shared>>) offsets(%arg19 : memref<128xi32, #tpu.memory_space<vmem>>) semaphore(%run_scoped3A_269 : memref<!tpu.dma_semaphore, #tpu.memory_space<semaphore_mem>>) {add = true}
          %dma_wait3A_277 = arith.constant 0 : i32
          %dma_wait3A_278 = arith.constant 0 : i32
          %dma_wait3A_279 = tpu.memref_slice %arg23[%run_scoped3A_265, %dma_wait3A_277, %dma_wait3A_278] : memref<8x128x8xf32, #tpu.memory_space<vmem>> -> memref<1x128x8xf32, #tpu.memory_space<vmem>>
          %dma_wait3A_280 = tpu.memref_squeeze %dma_wait3A_279 : memref<1x128x8xf32, #tpu.memory_space<vmem>> -> memref<128x8xf32, #tpu.memory_space<vmem>>
          %dma_wait3A_281 = arith.constant 0 : i32
          %dma_wait3A_282 = arith.constant 0 : i32
          %dma_wait3A_283 = tpu.memref_slice %arg24[%dma_wait3A_281, %dma_wait3A_282] : memref<100000x8xf32, #tpu.memory_space<vmem_shared>> -> memref<100000x8xf32, #tpu.memory_space<vmem_shared>>
          tpu.wait_indirect_dma semaphore(%run_scoped3A_269 : memref<!tpu.dma_semaphore, #tpu.memory_space<semaphore_mem>>) src(%dma_wait3A_280 : memref<128x8xf32, #tpu.memory_space<vmem>>) dst(%dma_wait3A_283 : memref<100000x8xf32, #tpu.memory_space<vmem_shared>>)
          tpu.yield
        }) : () -> ()
        %run_scoped3A_266 = arith.constant 5 : i32
        "tpu.region"() ({
          %run_scoped3A_269 = tpu.sem_alloc : memref<!tpu.dma_semaphore, #tpu.memory_space<semaphore_mem>>
          %dma_start3A_270 = arith.constant 0 : i32
          %dma_start3A_271 = arith.constant 0 : i32
          %dma_start3A_272 = tpu.memref_slice %arg23[%run_scoped3A_266, %dma_start3A_270, %dma_start3A_271] : memref<8x128x8xf32, #tpu.memory_space<vmem>> -> memref<1x128x8xf32, #tpu.memory_space<vmem>>
          %dma_start3A_273 = tpu.memref_squeeze %dma_start3A_272 : memref<1x128x8xf32, #tpu.memory_space<vmem>> -> memref<128x8xf32, #tpu.memory_space<vmem>>
          %dma_start3A_274 = arith.constant 0 : i32
          %dma_start3A_275 = arith.constant 0 : i32
          %dma_start3A_276 = tpu.memref_slice %arg24[%dma_start3A_274, %dma_start3A_275] : memref<100000x8xf32, #tpu.memory_space<vmem_shared>> -> memref<100000x8xf32, #tpu.memory_space<vmem_shared>>
          tpu.enqueue_indirect_dma source(%dma_start3A_273 : memref<128x8xf32, #tpu.memory_space<vmem>>) target(%dma_start3A_276 : memref<100000x8xf32, #tpu.memory_space<vmem_shared>>) offsets(%arg20 : memref<128xi32, #tpu.memory_space<vmem>>) semaphore(%run_scoped3A_269 : memref<!tpu.dma_semaphore, #tpu.memory_space<semaphore_mem>>) {add = true}
          %dma_wait3A_277 = arith.constant 0 : i32
          %dma_wait3A_278 = arith.constant 0 : i32
          %dma_wait3A_279 = tpu.memref_slice %arg23[%run_scoped3A_266, %dma_wait3A_277, %dma_wait3A_278] : memref<8x128x8xf32, #tpu.memory_space<vmem>> -> memref<1x128x8xf32, #tpu.memory_space<vmem>>
          %dma_wait3A_280 = tpu.memref_squeeze %dma_wait3A_279 : memref<1x128x8xf32, #tpu.memory_space<vmem>> -> memref<128x8xf32, #tpu.memory_space<vmem>>
          %dma_wait3A_281 = arith.constant 0 : i32
          %dma_wait3A_282 = arith.constant 0 : i32
          %dma_wait3A_283 = tpu.memref_slice %arg24[%dma_wait3A_281, %dma_wait3A_282] : memref<100000x8xf32, #tpu.memory_space<vmem_shared>> -> memref<100000x8xf32, #tpu.memory_space<vmem_shared>>
          tpu.wait_indirect_dma semaphore(%run_scoped3A_269 : memref<!tpu.dma_semaphore, #tpu.memory_space<semaphore_mem>>) src(%dma_wait3A_280 : memref<128x8xf32, #tpu.memory_space<vmem>>) dst(%dma_wait3A_283 : memref<100000x8xf32, #tpu.memory_space<vmem_shared>>)
          tpu.yield
        }) : () -> ()
        %run_scoped3A_267 = arith.constant 6 : i32
        "tpu.region"() ({
          %run_scoped3A_269 = tpu.sem_alloc : memref<!tpu.dma_semaphore, #tpu.memory_space<semaphore_mem>>
          %dma_start3A_270 = arith.constant 0 : i32
          %dma_start3A_271 = arith.constant 0 : i32
          %dma_start3A_272 = tpu.memref_slice %arg23[%run_scoped3A_267, %dma_start3A_270, %dma_start3A_271] : memref<8x128x8xf32, #tpu.memory_space<vmem>> -> memref<1x128x8xf32, #tpu.memory_space<vmem>>
          %dma_start3A_273 = tpu.memref_squeeze %dma_start3A_272 : memref<1x128x8xf32, #tpu.memory_space<vmem>> -> memref<128x8xf32, #tpu.memory_space<vmem>>
          %dma_start3A_274 = arith.constant 0 : i32
          %dma_start3A_275 = arith.constant 0 : i32
          %dma_start3A_276 = tpu.memref_slice %arg24[%dma_start3A_274, %dma_start3A_275] : memref<100000x8xf32, #tpu.memory_space<vmem_shared>> -> memref<100000x8xf32, #tpu.memory_space<vmem_shared>>
          tpu.enqueue_indirect_dma source(%dma_start3A_273 : memref<128x8xf32, #tpu.memory_space<vmem>>) target(%dma_start3A_276 : memref<100000x8xf32, #tpu.memory_space<vmem_shared>>) offsets(%arg21 : memref<128xi32, #tpu.memory_space<vmem>>) semaphore(%run_scoped3A_269 : memref<!tpu.dma_semaphore, #tpu.memory_space<semaphore_mem>>) {add = true}
          %dma_wait3A_277 = arith.constant 0 : i32
          %dma_wait3A_278 = arith.constant 0 : i32
          %dma_wait3A_279 = tpu.memref_slice %arg23[%run_scoped3A_267, %dma_wait3A_277, %dma_wait3A_278] : memref<8x128x8xf32, #tpu.memory_space<vmem>> -> memref<1x128x8xf32, #tpu.memory_space<vmem>>
          %dma_wait3A_280 = tpu.memref_squeeze %dma_wait3A_279 : memref<1x128x8xf32, #tpu.memory_space<vmem>> -> memref<128x8xf32, #tpu.memory_space<vmem>>
          %dma_wait3A_281 = arith.constant 0 : i32
          %dma_wait3A_282 = arith.constant 0 : i32
          %dma_wait3A_283 = tpu.memref_slice %arg24[%dma_wait3A_281, %dma_wait3A_282] : memref<100000x8xf32, #tpu.memory_space<vmem_shared>> -> memref<100000x8xf32, #tpu.memory_space<vmem_shared>>
          tpu.wait_indirect_dma semaphore(%run_scoped3A_269 : memref<!tpu.dma_semaphore, #tpu.memory_space<semaphore_mem>>) src(%dma_wait3A_280 : memref<128x8xf32, #tpu.memory_space<vmem>>) dst(%dma_wait3A_283 : memref<100000x8xf32, #tpu.memory_space<vmem_shared>>)
          tpu.yield
        }) : () -> ()
        %run_scoped3A_268 = arith.constant 7 : i32
        "tpu.region"() ({
          %run_scoped3A_269 = tpu.sem_alloc : memref<!tpu.dma_semaphore, #tpu.memory_space<semaphore_mem>>
          %dma_start3A_270 = arith.constant 0 : i32
          %dma_start3A_271 = arith.constant 0 : i32
          %dma_start3A_272 = tpu.memref_slice %arg23[%run_scoped3A_268, %dma_start3A_270, %dma_start3A_271] : memref<8x128x8xf32, #tpu.memory_space<vmem>> -> memref<1x128x8xf32, #tpu.memory_space<vmem>>
          %dma_start3A_273 = tpu.memref_squeeze %dma_start3A_272 : memref<1x128x8xf32, #tpu.memory_space<vmem>> -> memref<128x8xf32, #tpu.memory_space<vmem>>
          %dma_start3A_274 = arith.constant 0 : i32
          %dma_start3A_275 = arith.constant 0 : i32
          %dma_start3A_276 = tpu.memref_slice %arg24[%dma_start3A_274, %dma_start3A_275] : memref<100000x8xf32, #tpu.memory_space<vmem_shared>> -> memref<100000x8xf32, #tpu.memory_space<vmem_shared>>
          tpu.enqueue_indirect_dma source(%dma_start3A_273 : memref<128x8xf32, #tpu.memory_space<vmem>>) target(%dma_start3A_276 : memref<100000x8xf32, #tpu.memory_space<vmem_shared>>) offsets(%arg22 : memref<128xi32, #tpu.memory_space<vmem>>) semaphore(%run_scoped3A_269 : memref<!tpu.dma_semaphore, #tpu.memory_space<semaphore_mem>>) {add = true}
          %dma_wait3A_277 = arith.constant 0 : i32
          %dma_wait3A_278 = arith.constant 0 : i32
          %dma_wait3A_279 = tpu.memref_slice %arg23[%run_scoped3A_268, %dma_wait3A_277, %dma_wait3A_278] : memref<8x128x8xf32, #tpu.memory_space<vmem>> -> memref<1x128x8xf32, #tpu.memory_space<vmem>>
          %dma_wait3A_280 = tpu.memref_squeeze %dma_wait3A_279 : memref<1x128x8xf32, #tpu.memory_space<vmem>> -> memref<128x8xf32, #tpu.memory_space<vmem>>
          %dma_wait3A_281 = arith.constant 0 : i32
          %dma_wait3A_282 = arith.constant 0 : i32
          %dma_wait3A_283 = tpu.memref_slice %arg24[%dma_wait3A_281, %dma_wait3A_282] : memref<100000x8xf32, #tpu.memory_space<vmem_shared>> -> memref<100000x8xf32, #tpu.memory_space<vmem_shared>>
          tpu.wait_indirect_dma semaphore(%run_scoped3A_269 : memref<!tpu.dma_semaphore, #tpu.memory_space<semaphore_mem>>) src(%dma_wait3A_280 : memref<128x8xf32, #tpu.memory_space<vmem>>) dst(%dma_wait3A_283 : memref<100000x8xf32, #tpu.memory_space<vmem_shared>>)
          tpu.yield
        }) : () -> ()
      } else {
      }
    }
    %scan3A_13 = arith.constant 196 : i32
    %barrier3A_14 = arith.constant 0 : index
    tpu.barrier barrier_id(%barrier3A_14)
    %mul3A_15 = arith.constant 6256 : i32
    %mul3A_16 = arith.muli %arg1, %mul3A_15 : i32
    %multiple_of3A_17 = tpu.assume_multiple %mul3A_16, 8 : i32
    %lt3A_18 = arith.constant 15 : i32
    %lt3A_19 = arith.cmpi slt, %arg1, %lt3A_18 : i32
    %convert_element_type3A_20 = arith.extui %lt3A_19 : i1 to i32
    %cond3A_21 = arith.constant 0 : i32
    %cond3A_22 = arith.cmpi ne, %convert_element_type3A_20, %cond3A_21 : i32
    scf.if %cond3A_22 {
      "tpu.region"() ({
        %run_scoped3A = tpu.sem_alloc : memref<!tpu.dma_semaphore, #tpu.memory_space<semaphore_mem>>
        %dma_start3A = arith.constant 0 : i32
        %dma_start3A_28 = tpu.memref_slice %arg6[%arg0, %multiple_of3A_17, %dma_start3A] : memref<2x100000x8xf32, #tpu.memory_space<hbm>> -> memref<1x6256x8xf32, #tpu.memory_space<hbm>>
        %dma_start3A_29 = tpu.memref_squeeze %dma_start3A_28 : memref<1x6256x8xf32, #tpu.memory_space<hbm>> -> memref<6256x8xf32, #tpu.memory_space<hbm>>
        %dma_start3A_30 = arith.constant 0 : i32
        %dma_start3A_31 = tpu.memref_slice %arg24[%multiple_of3A_17, %dma_start3A_30] : memref<100000x8xf32, #tpu.memory_space<vmem_shared>> -> memref<6256x8xf32, #tpu.memory_space<vmem_shared>>
        tpu.enqueue_dma source(%dma_start3A_31 : memref<6256x8xf32, #tpu.memory_space<vmem_shared>>) target(%dma_start3A_29 : memref<6256x8xf32, #tpu.memory_space<hbm>>) target_semaphore(%run_scoped3A : memref<!tpu.dma_semaphore, #tpu.memory_space<semaphore_mem>>)
        %dma_wait3A = arith.constant 0 : i32
        %dma_wait3A_32 = tpu.memref_slice %arg6[%arg0, %multiple_of3A_17, %dma_wait3A] : memref<2x100000x8xf32, #tpu.memory_space<hbm>> -> memref<1x6256x8xf32, #tpu.memory_space<hbm>>
        %dma_wait3A_33 = tpu.memref_squeeze %dma_wait3A_32 : memref<1x6256x8xf32, #tpu.memory_space<hbm>> -> memref<6256x8xf32, #tpu.memory_space<hbm>>
        %dma_wait3A_34 = arith.constant 0 : i32
        %dma_wait3A_35 = tpu.memref_slice %arg24[%multiple_of3A_17, %dma_wait3A_34] : memref<100000x8xf32, #tpu.memory_space<vmem_shared>> -> memref<6256x8xf32, #tpu.memory_space<vmem_shared>>
        tpu.wait_dma2 semaphore(%run_scoped3A : memref<!tpu.dma_semaphore, #tpu.memory_space<semaphore_mem>>) src(%dma_wait3A_35 : memref<6256x8xf32, #tpu.memory_space<vmem_shared>>) dst(%dma_wait3A_33 : memref<6256x8xf32, #tpu.memory_space<hbm>>)
        tpu.yield
      }) : () -> ()
    } else {
    }
    %eq3A_23 = arith.constant 15 : i32
    %eq3A_24 = arith.cmpi eq, %arg1, %eq3A_23 : i32
    %convert_element_type3A_25 = arith.extui %eq3A_24 : i1 to i32
    %cond3A_26 = arith.constant 0 : i32
    %cond3A_27 = arith.cmpi ne, %convert_element_type3A_25, %cond3A_26 : i32
    scf.if %cond3A_27 {
      "tpu.region"() ({
        %run_scoped3A = tpu.sem_alloc : memref<!tpu.dma_semaphore, #tpu.memory_space<semaphore_mem>>
        %dma_start3A = arith.constant 93840 : i32
        %dma_start3A_28 = arith.constant 0 : i32
        %dma_start3A_29 = tpu.memref_slice %arg6[%arg0, %dma_start3A, %dma_start3A_28] : memref<2x100000x8xf32, #tpu.memory_space<hbm>> -> memref<1x6160x8xf32, #tpu.memory_space<hbm>>
        %dma_start3A_30 = tpu.memref_squeeze %dma_start3A_29 : memref<1x6160x8xf32, #tpu.memory_space<hbm>> -> memref<6160x8xf32, #tpu.memory_space<hbm>>
        %dma_start3A_31 = arith.constant 93840 : i32
        %dma_start3A_32 = arith.constant 0 : i32
        %dma_start3A_33 = tpu.memref_slice %arg24[%dma_start3A_31, %dma_start3A_32] : memref<100000x8xf32, #tpu.memory_space<vmem_shared>> -> memref<6160x8xf32, #tpu.memory_space<vmem_shared>>
        tpu.enqueue_dma source(%dma_start3A_33 : memref<6160x8xf32, #tpu.memory_space<vmem_shared>>) target(%dma_start3A_30 : memref<6160x8xf32, #tpu.memory_space<hbm>>) target_semaphore(%run_scoped3A : memref<!tpu.dma_semaphore, #tpu.memory_space<semaphore_mem>>)
        %dma_wait3A = arith.constant 93840 : i32
        %dma_wait3A_34 = arith.constant 0 : i32
        %dma_wait3A_35 = tpu.memref_slice %arg6[%arg0, %dma_wait3A, %dma_wait3A_34] : memref<2x100000x8xf32, #tpu.memory_space<hbm>> -> memref<1x6160x8xf32, #tpu.memory_space<hbm>>
        %dma_wait3A_36 = tpu.memref_squeeze %dma_wait3A_35 : memref<1x6160x8xf32, #tpu.memory_space<hbm>> -> memref<6160x8xf32, #tpu.memory_space<hbm>>
        %dma_wait3A_37 = arith.constant 93840 : i32
        %dma_wait3A_38 = arith.constant 0 : i32
        %dma_wait3A_39 = tpu.memref_slice %arg24[%dma_wait3A_37, %dma_wait3A_38] : memref<100000x8xf32, #tpu.memory_space<vmem_shared>> -> memref<6160x8xf32, #tpu.memory_space<vmem_shared>>
        tpu.wait_dma2 semaphore(%run_scoped3A : memref<!tpu.dma_semaphore, #tpu.memory_space<semaphore_mem>>) src(%dma_wait3A_39 : memref<6160x8xf32, #tpu.memory_space<vmem_shared>>) dst(%dma_wait3A_36 : memref<6160x8xf32, #tpu.memory_space<hbm>>)
        tpu.yield
      }) : () -> ()
    } else {
    }
    return
  }
}

#map = affine_map<(d0, d1) -> (0)>
#map1 = affine_map<(d0, d1) -> (0, 0)>
#map2 = affine_map<(d0, d1) -> (0, 0, 0)>
module attributes {stable_mosaic.version = 14 : i64} {
  func.func @deg(%arg0: i32, %arg1: i32, %arg2: memref<6400000xi32, #tpu.memory_space<hbm>>, %arg3: memref<100000x1xf32, #tpu.memory_space<hbm>>, %arg4: memref<8x128x1xf32, #tpu.memory_space<hbm>>, %arg5: memref<2x100000x1xf32, #tpu.memory_space<hbm>>, %arg6: memref<128xi32, #tpu.memory_space<vmem>>, %arg7: memref<128xi32, #tpu.memory_space<vmem>>, %arg8: memref<128xi32, #tpu.memory_space<vmem>>, %arg9: memref<128xi32, #tpu.memory_space<vmem>>, %arg10: memref<128xi32, #tpu.memory_space<vmem>>, %arg11: memref<128xi32, #tpu.memory_space<vmem>>, %arg12: memref<128xi32, #tpu.memory_space<vmem>>, %arg13: memref<128xi32, #tpu.memory_space<vmem>>, %arg14: memref<8x128x1xf32, #tpu.memory_space<vmem>>, %arg15: memref<100000x1xf32, #tpu.memory_space<vmem_shared>>, %arg16: memref<!tpu.dma_semaphore, #tpu.memory_space<semaphore_mem>>) attributes {dimension_semantics = [#tpu.dimension_semantics<core_parallel>, #tpu.dimension_semantics<subcore_parallel>], iteration_bounds = array<i64: 2, 16>, scalar_prefetch = 0 : i64, scratch_operands = 11 : i64, tpu.core_type = #tpu.core_type<sc_vector_subcore>, window_params = [{transform_indices = #map}, {transform_indices = #map1}, {transform_indices = #map2}, {transform_indices = #map2}]} {
    %mul3A = arith.constant 2 : i32
    %mul3A_0 = arith.muli %arg1, %mul3A : i32
    %add3A = arith.addi %mul3A_0, %arg0 : i32
    "tpu.region"() ({
      %run_scoped3A = tpu.sem_alloc : memref<!tpu.dma_semaphore, #tpu.memory_space<semaphore_mem>>
      tpu.enqueue_dma source(%arg4 : memref<8x128x1xf32, #tpu.memory_space<hbm>>) target(%arg14 : memref<8x128x1xf32, #tpu.memory_space<vmem>>) target_semaphore(%run_scoped3A : memref<!tpu.dma_semaphore, #tpu.memory_space<semaphore_mem>>)
      tpu.wait_dma2 semaphore(%run_scoped3A : memref<!tpu.dma_semaphore, #tpu.memory_space<semaphore_mem>>) src(%arg4 : memref<8x128x1xf32, #tpu.memory_space<hbm>>) dst(%arg14 : memref<8x128x1xf32, #tpu.memory_space<vmem>>)
      tpu.yield
    }) : () -> ()
    %mul3A_1 = arith.constant 6256 : i32
    %mul3A_2 = arith.muli %arg1, %mul3A_1 : i32
    %multiple_of3A = tpu.assume_multiple %mul3A_2, 8 : i32
    %lt3A = arith.constant 15 : i32
    %lt3A_3 = arith.cmpi slt, %arg1, %lt3A : i32
    %convert_element_type3A = arith.extui %lt3A_3 : i1 to i32
    %cond3A = arith.constant 0 : i32
    %cond3A_4 = arith.cmpi ne, %convert_element_type3A, %cond3A : i32
    scf.if %cond3A_4 {
      "tpu.region"() ({
        %run_scoped3A = tpu.sem_alloc : memref<!tpu.dma_semaphore, #tpu.memory_space<semaphore_mem>>
        %dma_start3A = arith.constant 0 : i32
        %dma_start3A_28 = tpu.memref_slice %arg15[%multiple_of3A, %dma_start3A] : memref<100000x1xf32, #tpu.memory_space<vmem_shared>> -> memref<6256x1xf32, #tpu.memory_space<vmem_shared>>
        %dma_start3A_29 = arith.constant 0 : i32
        %dma_start3A_30 = tpu.memref_slice %arg3[%multiple_of3A, %dma_start3A_29] : memref<100000x1xf32, #tpu.memory_space<hbm>> -> memref<6256x1xf32, #tpu.memory_space<hbm>>
        tpu.enqueue_dma source(%dma_start3A_30 : memref<6256x1xf32, #tpu.memory_space<hbm>>) target(%dma_start3A_28 : memref<6256x1xf32, #tpu.memory_space<vmem_shared>>) target_semaphore(%run_scoped3A : memref<!tpu.dma_semaphore, #tpu.memory_space<semaphore_mem>>)
        %dma_wait3A = arith.constant 0 : i32
        %dma_wait3A_31 = tpu.memref_slice %arg15[%multiple_of3A, %dma_wait3A] : memref<100000x1xf32, #tpu.memory_space<vmem_shared>> -> memref<6256x1xf32, #tpu.memory_space<vmem_shared>>
        %dma_wait3A_32 = arith.constant 0 : i32
        %dma_wait3A_33 = tpu.memref_slice %arg3[%multiple_of3A, %dma_wait3A_32] : memref<100000x1xf32, #tpu.memory_space<hbm>> -> memref<6256x1xf32, #tpu.memory_space<hbm>>
        tpu.wait_dma2 semaphore(%run_scoped3A : memref<!tpu.dma_semaphore, #tpu.memory_space<semaphore_mem>>) src(%dma_wait3A_33 : memref<6256x1xf32, #tpu.memory_space<hbm>>) dst(%dma_wait3A_31 : memref<6256x1xf32, #tpu.memory_space<vmem_shared>>)
        tpu.yield
      }) : () -> ()
    } else {
    }
    %eq3A = arith.constant 15 : i32
    %eq3A_5 = arith.cmpi eq, %arg1, %eq3A : i32
    %convert_element_type3A_6 = arith.extui %eq3A_5 : i1 to i32
    %cond3A_7 = arith.constant 0 : i32
    %cond3A_8 = arith.cmpi ne, %convert_element_type3A_6, %cond3A_7 : i32
    scf.if %cond3A_8 {
      "tpu.region"() ({
        %run_scoped3A = tpu.sem_alloc : memref<!tpu.dma_semaphore, #tpu.memory_space<semaphore_mem>>
        %dma_start3A = arith.constant 93840 : i32
        %dma_start3A_28 = arith.constant 0 : i32
        %dma_start3A_29 = tpu.memref_slice %arg15[%dma_start3A, %dma_start3A_28] : memref<100000x1xf32, #tpu.memory_space<vmem_shared>> -> memref<6160x1xf32, #tpu.memory_space<vmem_shared>>
        %dma_start3A_30 = arith.constant 93840 : i32
        %dma_start3A_31 = arith.constant 0 : i32
        %dma_start3A_32 = tpu.memref_slice %arg3[%dma_start3A_30, %dma_start3A_31] : memref<100000x1xf32, #tpu.memory_space<hbm>> -> memref<6160x1xf32, #tpu.memory_space<hbm>>
        tpu.enqueue_dma source(%dma_start3A_32 : memref<6160x1xf32, #tpu.memory_space<hbm>>) target(%dma_start3A_29 : memref<6160x1xf32, #tpu.memory_space<vmem_shared>>) target_semaphore(%run_scoped3A : memref<!tpu.dma_semaphore, #tpu.memory_space<semaphore_mem>>)
        %dma_wait3A = arith.constant 93840 : i32
        %dma_wait3A_33 = arith.constant 0 : i32
        %dma_wait3A_34 = tpu.memref_slice %arg15[%dma_wait3A, %dma_wait3A_33] : memref<100000x1xf32, #tpu.memory_space<vmem_shared>> -> memref<6160x1xf32, #tpu.memory_space<vmem_shared>>
        %dma_wait3A_35 = arith.constant 93840 : i32
        %dma_wait3A_36 = arith.constant 0 : i32
        %dma_wait3A_37 = tpu.memref_slice %arg3[%dma_wait3A_35, %dma_wait3A_36] : memref<100000x1xf32, #tpu.memory_space<hbm>> -> memref<6160x1xf32, #tpu.memory_space<hbm>>
        tpu.wait_dma2 semaphore(%run_scoped3A : memref<!tpu.dma_semaphore, #tpu.memory_space<semaphore_mem>>) src(%dma_wait3A_37 : memref<6160x1xf32, #tpu.memory_space<hbm>>) dst(%dma_wait3A_34 : memref<6160x1xf32, #tpu.memory_space<vmem_shared>>)
        tpu.yield
      }) : () -> ()
    } else {
    }
    %barrier3A = arith.constant 0 : index
    tpu.barrier barrier_id(%barrier3A)
    %scan3A = arith.constant 0 : i32
    %scan3A_9 = arith.constant 0 : i32
    %scan3A_10 = arith.constant 196 : i32
    %scan3A_11 = arith.addi %scan3A_9, %scan3A_10 : i32
    %scan3A_12 = arith.constant 1 : i32
    scf.for %scan3A_28 = %scan3A_9 to %scan3A_11 step %scan3A_12  : i32 {
      %mul3A_29 = arith.constant 32 : i32
      %mul3A_30 = arith.muli %scan3A_28, %mul3A_29 : i32
      %add3A_31 = arith.addi %add3A, %mul3A_30 : i32
      %lt3A_32 = arith.constant 6250 : i32
      %lt3A_33 = arith.cmpi slt, %add3A_31, %lt3A_32 : i32
      %convert_element_type3A_34 = arith.extui %lt3A_33 : i1 to i32
      %cond3A_35 = arith.constant 0 : i32
      %cond3A_36 = arith.cmpi ne, %convert_element_type3A_34, %cond3A_35 : i32
      scf.if %cond3A_36 {
        %mul3A_37 = arith.constant 1024 : i32
        %mul3A_38 = arith.muli %add3A_31, %mul3A_37 : i32
        %multiple_of3A_39 = tpu.assume_multiple %mul3A_38, 8 : i32
        %add3A_40 = arith.constant 0 : i32
        %add3A_41 = arith.addi %multiple_of3A_39, %add3A_40 : i32
        %dma_start3A = tpu.memref_slice %arg2[%add3A_41] : memref<6400000xi32, #tpu.memory_space<hbm>> -> memref<128xi32, #tpu.memory_space<hbm>>
        %dma_start3A_42 = tpu.memref_slice %arg2[%add3A_41] : memref<6400000xi32, #tpu.memory_space<hbm>> -> memref<128xi32, #tpu.memory_space<hbm>>
        tpu.enqueue_dma source(%dma_start3A_42 : memref<128xi32, #tpu.memory_space<hbm>>) target(%arg6 : memref<128xi32, #tpu.memory_space<vmem>>) target_semaphore(%arg16 : memref<!tpu.dma_semaphore, #tpu.memory_space<semaphore_mem>>)
        %add3A_43 = arith.constant 128 : i32
        %add3A_44 = arith.addi %multiple_of3A_39, %add3A_43 : i32
        %dma_start3A_45 = tpu.memref_slice %arg2[%add3A_44] : memref<6400000xi32, #tpu.memory_space<hbm>> -> memref<128xi32, #tpu.memory_space<hbm>>
        %dma_start3A_46 = tpu.memref_slice %arg2[%add3A_44] : memref<6400000xi32, #tpu.memory_space<hbm>> -> memref<128xi32, #tpu.memory_space<hbm>>
        tpu.enqueue_dma source(%dma_start3A_46 : memref<128xi32, #tpu.memory_space<hbm>>) target(%arg7 : memref<128xi32, #tpu.memory_space<vmem>>) target_semaphore(%arg16 : memref<!tpu.dma_semaphore, #tpu.memory_space<semaphore_mem>>)
        %add3A_47 = arith.constant 256 : i32
        %add3A_48 = arith.addi %multiple_of3A_39, %add3A_47 : i32
        %dma_start3A_49 = tpu.memref_slice %arg2[%add3A_48] : memref<6400000xi32, #tpu.memory_space<hbm>> -> memref<128xi32, #tpu.memory_space<hbm>>
        %dma_start3A_50 = tpu.memref_slice %arg2[%add3A_48] : memref<6400000xi32, #tpu.memory_space<hbm>> -> memref<128xi32, #tpu.memory_space<hbm>>
        tpu.enqueue_dma source(%dma_start3A_50 : memref<128xi32, #tpu.memory_space<hbm>>) target(%arg8 : memref<128xi32, #tpu.memory_space<vmem>>) target_semaphore(%arg16 : memref<!tpu.dma_semaphore, #tpu.memory_space<semaphore_mem>>)
        %add3A_51 = arith.constant 384 : i32
        %add3A_52 = arith.addi %multiple_of3A_39, %add3A_51 : i32
        %dma_start3A_53 = tpu.memref_slice %arg2[%add3A_52] : memref<6400000xi32, #tpu.memory_space<hbm>> -> memref<128xi32, #tpu.memory_space<hbm>>
        %dma_start3A_54 = tpu.memref_slice %arg2[%add3A_52] : memref<6400000xi32, #tpu.memory_space<hbm>> -> memref<128xi32, #tpu.memory_space<hbm>>
        tpu.enqueue_dma source(%dma_start3A_54 : memref<128xi32, #tpu.memory_space<hbm>>) target(%arg9 : memref<128xi32, #tpu.memory_space<vmem>>) target_semaphore(%arg16 : memref<!tpu.dma_semaphore, #tpu.memory_space<semaphore_mem>>)
        %add3A_55 = arith.constant 512 : i32
        %add3A_56 = arith.addi %multiple_of3A_39, %add3A_55 : i32
        %dma_start3A_57 = tpu.memref_slice %arg2[%add3A_56] : memref<6400000xi32, #tpu.memory_space<hbm>> -> memref<128xi32, #tpu.memory_space<hbm>>
        %dma_start3A_58 = tpu.memref_slice %arg2[%add3A_56] : memref<6400000xi32, #tpu.memory_space<hbm>> -> memref<128xi32, #tpu.memory_space<hbm>>
        tpu.enqueue_dma source(%dma_start3A_58 : memref<128xi32, #tpu.memory_space<hbm>>) target(%arg10 : memref<128xi32, #tpu.memory_space<vmem>>) target_semaphore(%arg16 : memref<!tpu.dma_semaphore, #tpu.memory_space<semaphore_mem>>)
        %add3A_59 = arith.constant 640 : i32
        %add3A_60 = arith.addi %multiple_of3A_39, %add3A_59 : i32
        %dma_start3A_61 = tpu.memref_slice %arg2[%add3A_60] : memref<6400000xi32, #tpu.memory_space<hbm>> -> memref<128xi32, #tpu.memory_space<hbm>>
        %dma_start3A_62 = tpu.memref_slice %arg2[%add3A_60] : memref<6400000xi32, #tpu.memory_space<hbm>> -> memref<128xi32, #tpu.memory_space<hbm>>
        tpu.enqueue_dma source(%dma_start3A_62 : memref<128xi32, #tpu.memory_space<hbm>>) target(%arg11 : memref<128xi32, #tpu.memory_space<vmem>>) target_semaphore(%arg16 : memref<!tpu.dma_semaphore, #tpu.memory_space<semaphore_mem>>)
        %add3A_63 = arith.constant 768 : i32
        %add3A_64 = arith.addi %multiple_of3A_39, %add3A_63 : i32
        %dma_start3A_65 = tpu.memref_slice %arg2[%add3A_64] : memref<6400000xi32, #tpu.memory_space<hbm>> -> memref<128xi32, #tpu.memory_space<hbm>>
        %dma_start3A_66 = tpu.memref_slice %arg2[%add3A_64] : memref<6400000xi32, #tpu.memory_space<hbm>> -> memref<128xi32, #tpu.memory_space<hbm>>
        tpu.enqueue_dma source(%dma_start3A_66 : memref<128xi32, #tpu.memory_space<hbm>>) target(%arg12 : memref<128xi32, #tpu.memory_space<vmem>>) target_semaphore(%arg16 : memref<!tpu.dma_semaphore, #tpu.memory_space<semaphore_mem>>)
        %add3A_67 = arith.constant 896 : i32
        %add3A_68 = arith.addi %multiple_of3A_39, %add3A_67 : i32
        %dma_start3A_69 = tpu.memref_slice %arg2[%add3A_68] : memref<6400000xi32, #tpu.memory_space<hbm>> -> memref<128xi32, #tpu.memory_space<hbm>>
        %dma_start3A_70 = tpu.memref_slice %arg2[%add3A_68] : memref<6400000xi32, #tpu.memory_space<hbm>> -> memref<128xi32, #tpu.memory_space<hbm>>
        tpu.enqueue_dma source(%dma_start3A_70 : memref<128xi32, #tpu.memory_space<hbm>>) target(%arg13 : memref<128xi32, #tpu.memory_space<vmem>>) target_semaphore(%arg16 : memref<!tpu.dma_semaphore, #tpu.memory_space<semaphore_mem>>)
        %dma_wait3A = tpu.memref_slice %arg2[%add3A_41] : memref<6400000xi32, #tpu.memory_space<hbm>> -> memref<128xi32, #tpu.memory_space<hbm>>
        %dma_wait3A_71 = tpu.memref_slice %arg2[%add3A_41] : memref<6400000xi32, #tpu.memory_space<hbm>> -> memref<128xi32, #tpu.memory_space<hbm>>
        tpu.wait_dma2 semaphore(%arg16 : memref<!tpu.dma_semaphore, #tpu.memory_space<semaphore_mem>>) src(%dma_wait3A_71 : memref<128xi32, #tpu.memory_space<hbm>>) dst(%arg6 : memref<128xi32, #tpu.memory_space<vmem>>)
        %dma_wait3A_72 = tpu.memref_slice %arg2[%add3A_44] : memref<6400000xi32, #tpu.memory_space<hbm>> -> memref<128xi32, #tpu.memory_space<hbm>>
        %dma_wait3A_73 = tpu.memref_slice %arg2[%add3A_44] : memref<6400000xi32, #tpu.memory_space<hbm>> -> memref<128xi32, #tpu.memory_space<hbm>>
        tpu.wait_dma2 semaphore(%arg16 : memref<!tpu.dma_semaphore, #tpu.memory_space<semaphore_mem>>) src(%dma_wait3A_73 : memref<128xi32, #tpu.memory_space<hbm>>) dst(%arg7 : memref<128xi32, #tpu.memory_space<vmem>>)
        %dma_wait3A_74 = tpu.memref_slice %arg2[%add3A_48] : memref<6400000xi32, #tpu.memory_space<hbm>> -> memref<128xi32, #tpu.memory_space<hbm>>
        %dma_wait3A_75 = tpu.memref_slice %arg2[%add3A_48] : memref<6400000xi32, #tpu.memory_space<hbm>> -> memref<128xi32, #tpu.memory_space<hbm>>
        tpu.wait_dma2 semaphore(%arg16 : memref<!tpu.dma_semaphore, #tpu.memory_space<semaphore_mem>>) src(%dma_wait3A_75 : memref<128xi32, #tpu.memory_space<hbm>>) dst(%arg8 : memref<128xi32, #tpu.memory_space<vmem>>)
        %dma_wait3A_76 = tpu.memref_slice %arg2[%add3A_52] : memref<6400000xi32, #tpu.memory_space<hbm>> -> memref<128xi32, #tpu.memory_space<hbm>>
        %dma_wait3A_77 = tpu.memref_slice %arg2[%add3A_52] : memref<6400000xi32, #tpu.memory_space<hbm>> -> memref<128xi32, #tpu.memory_space<hbm>>
        tpu.wait_dma2 semaphore(%arg16 : memref<!tpu.dma_semaphore, #tpu.memory_space<semaphore_mem>>) src(%dma_wait3A_77 : memref<128xi32, #tpu.memory_space<hbm>>) dst(%arg9 : memref<128xi32, #tpu.memory_space<vmem>>)
        %dma_wait3A_78 = tpu.memref_slice %arg2[%add3A_56] : memref<6400000xi32, #tpu.memory_space<hbm>> -> memref<128xi32, #tpu.memory_space<hbm>>
        %dma_wait3A_79 = tpu.memref_slice %arg2[%add3A_56] : memref<6400000xi32, #tpu.memory_space<hbm>> -> memref<128xi32, #tpu.memory_space<hbm>>
        tpu.wait_dma2 semaphore(%arg16 : memref<!tpu.dma_semaphore, #tpu.memory_space<semaphore_mem>>) src(%dma_wait3A_79 : memref<128xi32, #tpu.memory_space<hbm>>) dst(%arg10 : memref<128xi32, #tpu.memory_space<vmem>>)
        %dma_wait3A_80 = tpu.memref_slice %arg2[%add3A_60] : memref<6400000xi32, #tpu.memory_space<hbm>> -> memref<128xi32, #tpu.memory_space<hbm>>
        %dma_wait3A_81 = tpu.memref_slice %arg2[%add3A_60] : memref<6400000xi32, #tpu.memory_space<hbm>> -> memref<128xi32, #tpu.memory_space<hbm>>
        tpu.wait_dma2 semaphore(%arg16 : memref<!tpu.dma_semaphore, #tpu.memory_space<semaphore_mem>>) src(%dma_wait3A_81 : memref<128xi32, #tpu.memory_space<hbm>>) dst(%arg11 : memref<128xi32, #tpu.memory_space<vmem>>)
        %dma_wait3A_82 = tpu.memref_slice %arg2[%add3A_64] : memref<6400000xi32, #tpu.memory_space<hbm>> -> memref<128xi32, #tpu.memory_space<hbm>>
        %dma_wait3A_83 = tpu.memref_slice %arg2[%add3A_64] : memref<6400000xi32, #tpu.memory_space<hbm>> -> memref<128xi32, #tpu.memory_space<hbm>>
        tpu.wait_dma2 semaphore(%arg16 : memref<!tpu.dma_semaphore, #tpu.memory_space<semaphore_mem>>) src(%dma_wait3A_83 : memref<128xi32, #tpu.memory_space<hbm>>) dst(%arg12 : memref<128xi32, #tpu.memory_space<vmem>>)
        %dma_wait3A_84 = tpu.memref_slice %arg2[%add3A_68] : memref<6400000xi32, #tpu.memory_space<hbm>> -> memref<128xi32, #tpu.memory_space<hbm>>
        %dma_wait3A_85 = tpu.memref_slice %arg2[%add3A_68] : memref<6400000xi32, #tpu.memory_space<hbm>> -> memref<128xi32, #tpu.memory_space<hbm>>
        tpu.wait_dma2 semaphore(%arg16 : memref<!tpu.dma_semaphore, #tpu.memory_space<semaphore_mem>>) src(%dma_wait3A_85 : memref<128xi32, #tpu.memory_space<hbm>>) dst(%arg13 : memref<128xi32, #tpu.memory_space<vmem>>)
        %run_scoped3A = arith.constant 0 : i32
        "tpu.region"() ({
          %run_scoped3A_93 = tpu.sem_alloc : memref<!tpu.dma_semaphore, #tpu.memory_space<semaphore_mem>>
          %dma_start3A_94 = arith.constant 0 : i32
          %dma_start3A_95 = arith.constant 0 : i32
          %dma_start3A_96 = tpu.memref_slice %arg14[%run_scoped3A, %dma_start3A_94, %dma_start3A_95] : memref<8x128x1xf32, #tpu.memory_space<vmem>> -> memref<1x128x1xf32, #tpu.memory_space<vmem>>
          %dma_start3A_97 = tpu.memref_squeeze %dma_start3A_96 : memref<1x128x1xf32, #tpu.memory_space<vmem>> -> memref<128x1xf32, #tpu.memory_space<vmem>>
          %dma_start3A_98 = arith.constant 0 : i32
          %dma_start3A_99 = arith.constant 0 : i32
          %dma_start3A_100 = tpu.memref_slice %arg15[%dma_start3A_98, %dma_start3A_99] : memref<100000x1xf32, #tpu.memory_space<vmem_shared>> -> memref<100000x1xf32, #tpu.memory_space<vmem_shared>>
          tpu.enqueue_indirect_dma source(%dma_start3A_97 : memref<128x1xf32, #tpu.memory_space<vmem>>) target(%dma_start3A_100 : memref<100000x1xf32, #tpu.memory_space<vmem_shared>>) offsets(%arg6 : memref<128xi32, #tpu.memory_space<vmem>>) semaphore(%run_scoped3A_93 : memref<!tpu.dma_semaphore, #tpu.memory_space<semaphore_mem>>) {add = true}
          %dma_wait3A_101 = arith.constant 0 : i32
          %dma_wait3A_102 = arith.constant 0 : i32
          %dma_wait3A_103 = tpu.memref_slice %arg14[%run_scoped3A, %dma_wait3A_101, %dma_wait3A_102] : memref<8x128x1xf32, #tpu.memory_space<vmem>> -> memref<1x128x1xf32, #tpu.memory_space<vmem>>
          %dma_wait3A_104 = tpu.memref_squeeze %dma_wait3A_103 : memref<1x128x1xf32, #tpu.memory_space<vmem>> -> memref<128x1xf32, #tpu.memory_space<vmem>>
          %dma_wait3A_105 = arith.constant 0 : i32
          %dma_wait3A_106 = arith.constant 0 : i32
          %dma_wait3A_107 = tpu.memref_slice %arg15[%dma_wait3A_105, %dma_wait3A_106] : memref<100000x1xf32, #tpu.memory_space<vmem_shared>> -> memref<100000x1xf32, #tpu.memory_space<vmem_shared>>
          tpu.wait_indirect_dma semaphore(%run_scoped3A_93 : memref<!tpu.dma_semaphore, #tpu.memory_space<semaphore_mem>>) src(%dma_wait3A_104 : memref<128x1xf32, #tpu.memory_space<vmem>>) dst(%dma_wait3A_107 : memref<100000x1xf32, #tpu.memory_space<vmem_shared>>)
          tpu.yield
        }) : () -> ()
        %run_scoped3A_86 = arith.constant 1 : i32
        "tpu.region"() ({
          %run_scoped3A_93 = tpu.sem_alloc : memref<!tpu.dma_semaphore, #tpu.memory_space<semaphore_mem>>
          %dma_start3A_94 = arith.constant 0 : i32
          %dma_start3A_95 = arith.constant 0 : i32
          %dma_start3A_96 = tpu.memref_slice %arg14[%run_scoped3A_86, %dma_start3A_94, %dma_start3A_95] : memref<8x128x1xf32, #tpu.memory_space<vmem>> -> memref<1x128x1xf32, #tpu.memory_space<vmem>>
          %dma_start3A_97 = tpu.memref_squeeze %dma_start3A_96 : memref<1x128x1xf32, #tpu.memory_space<vmem>> -> memref<128x1xf32, #tpu.memory_space<vmem>>
          %dma_start3A_98 = arith.constant 0 : i32
          %dma_start3A_99 = arith.constant 0 : i32
          %dma_start3A_100 = tpu.memref_slice %arg15[%dma_start3A_98, %dma_start3A_99] : memref<100000x1xf32, #tpu.memory_space<vmem_shared>> -> memref<100000x1xf32, #tpu.memory_space<vmem_shared>>
          tpu.enqueue_indirect_dma source(%dma_start3A_97 : memref<128x1xf32, #tpu.memory_space<vmem>>) target(%dma_start3A_100 : memref<100000x1xf32, #tpu.memory_space<vmem_shared>>) offsets(%arg7 : memref<128xi32, #tpu.memory_space<vmem>>) semaphore(%run_scoped3A_93 : memref<!tpu.dma_semaphore, #tpu.memory_space<semaphore_mem>>) {add = true}
          %dma_wait3A_101 = arith.constant 0 : i32
          %dma_wait3A_102 = arith.constant 0 : i32
          %dma_wait3A_103 = tpu.memref_slice %arg14[%run_scoped3A_86, %dma_wait3A_101, %dma_wait3A_102] : memref<8x128x1xf32, #tpu.memory_space<vmem>> -> memref<1x128x1xf32, #tpu.memory_space<vmem>>
          %dma_wait3A_104 = tpu.memref_squeeze %dma_wait3A_103 : memref<1x128x1xf32, #tpu.memory_space<vmem>> -> memref<128x1xf32, #tpu.memory_space<vmem>>
          %dma_wait3A_105 = arith.constant 0 : i32
          %dma_wait3A_106 = arith.constant 0 : i32
          %dma_wait3A_107 = tpu.memref_slice %arg15[%dma_wait3A_105, %dma_wait3A_106] : memref<100000x1xf32, #tpu.memory_space<vmem_shared>> -> memref<100000x1xf32, #tpu.memory_space<vmem_shared>>
          tpu.wait_indirect_dma semaphore(%run_scoped3A_93 : memref<!tpu.dma_semaphore, #tpu.memory_space<semaphore_mem>>) src(%dma_wait3A_104 : memref<128x1xf32, #tpu.memory_space<vmem>>) dst(%dma_wait3A_107 : memref<100000x1xf32, #tpu.memory_space<vmem_shared>>)
          tpu.yield
        }) : () -> ()
        %run_scoped3A_87 = arith.constant 2 : i32
        "tpu.region"() ({
          %run_scoped3A_93 = tpu.sem_alloc : memref<!tpu.dma_semaphore, #tpu.memory_space<semaphore_mem>>
          %dma_start3A_94 = arith.constant 0 : i32
          %dma_start3A_95 = arith.constant 0 : i32
          %dma_start3A_96 = tpu.memref_slice %arg14[%run_scoped3A_87, %dma_start3A_94, %dma_start3A_95] : memref<8x128x1xf32, #tpu.memory_space<vmem>> -> memref<1x128x1xf32, #tpu.memory_space<vmem>>
          %dma_start3A_97 = tpu.memref_squeeze %dma_start3A_96 : memref<1x128x1xf32, #tpu.memory_space<vmem>> -> memref<128x1xf32, #tpu.memory_space<vmem>>
          %dma_start3A_98 = arith.constant 0 : i32
          %dma_start3A_99 = arith.constant 0 : i32
          %dma_start3A_100 = tpu.memref_slice %arg15[%dma_start3A_98, %dma_start3A_99] : memref<100000x1xf32, #tpu.memory_space<vmem_shared>> -> memref<100000x1xf32, #tpu.memory_space<vmem_shared>>
          tpu.enqueue_indirect_dma source(%dma_start3A_97 : memref<128x1xf32, #tpu.memory_space<vmem>>) target(%dma_start3A_100 : memref<100000x1xf32, #tpu.memory_space<vmem_shared>>) offsets(%arg8 : memref<128xi32, #tpu.memory_space<vmem>>) semaphore(%run_scoped3A_93 : memref<!tpu.dma_semaphore, #tpu.memory_space<semaphore_mem>>) {add = true}
          %dma_wait3A_101 = arith.constant 0 : i32
          %dma_wait3A_102 = arith.constant 0 : i32
          %dma_wait3A_103 = tpu.memref_slice %arg14[%run_scoped3A_87, %dma_wait3A_101, %dma_wait3A_102] : memref<8x128x1xf32, #tpu.memory_space<vmem>> -> memref<1x128x1xf32, #tpu.memory_space<vmem>>
          %dma_wait3A_104 = tpu.memref_squeeze %dma_wait3A_103 : memref<1x128x1xf32, #tpu.memory_space<vmem>> -> memref<128x1xf32, #tpu.memory_space<vmem>>
          %dma_wait3A_105 = arith.constant 0 : i32
          %dma_wait3A_106 = arith.constant 0 : i32
          %dma_wait3A_107 = tpu.memref_slice %arg15[%dma_wait3A_105, %dma_wait3A_106] : memref<100000x1xf32, #tpu.memory_space<vmem_shared>> -> memref<100000x1xf32, #tpu.memory_space<vmem_shared>>
          tpu.wait_indirect_dma semaphore(%run_scoped3A_93 : memref<!tpu.dma_semaphore, #tpu.memory_space<semaphore_mem>>) src(%dma_wait3A_104 : memref<128x1xf32, #tpu.memory_space<vmem>>) dst(%dma_wait3A_107 : memref<100000x1xf32, #tpu.memory_space<vmem_shared>>)
          tpu.yield
        }) : () -> ()
        %run_scoped3A_88 = arith.constant 3 : i32
        "tpu.region"() ({
          %run_scoped3A_93 = tpu.sem_alloc : memref<!tpu.dma_semaphore, #tpu.memory_space<semaphore_mem>>
          %dma_start3A_94 = arith.constant 0 : i32
          %dma_start3A_95 = arith.constant 0 : i32
          %dma_start3A_96 = tpu.memref_slice %arg14[%run_scoped3A_88, %dma_start3A_94, %dma_start3A_95] : memref<8x128x1xf32, #tpu.memory_space<vmem>> -> memref<1x128x1xf32, #tpu.memory_space<vmem>>
          %dma_start3A_97 = tpu.memref_squeeze %dma_start3A_96 : memref<1x128x1xf32, #tpu.memory_space<vmem>> -> memref<128x1xf32, #tpu.memory_space<vmem>>
          %dma_start3A_98 = arith.constant 0 : i32
          %dma_start3A_99 = arith.constant 0 : i32
          %dma_start3A_100 = tpu.memref_slice %arg15[%dma_start3A_98, %dma_start3A_99] : memref<100000x1xf32, #tpu.memory_space<vmem_shared>> -> memref<100000x1xf32, #tpu.memory_space<vmem_shared>>
          tpu.enqueue_indirect_dma source(%dma_start3A_97 : memref<128x1xf32, #tpu.memory_space<vmem>>) target(%dma_start3A_100 : memref<100000x1xf32, #tpu.memory_space<vmem_shared>>) offsets(%arg9 : memref<128xi32, #tpu.memory_space<vmem>>) semaphore(%run_scoped3A_93 : memref<!tpu.dma_semaphore, #tpu.memory_space<semaphore_mem>>) {add = true}
          %dma_wait3A_101 = arith.constant 0 : i32
          %dma_wait3A_102 = arith.constant 0 : i32
          %dma_wait3A_103 = tpu.memref_slice %arg14[%run_scoped3A_88, %dma_wait3A_101, %dma_wait3A_102] : memref<8x128x1xf32, #tpu.memory_space<vmem>> -> memref<1x128x1xf32, #tpu.memory_space<vmem>>
          %dma_wait3A_104 = tpu.memref_squeeze %dma_wait3A_103 : memref<1x128x1xf32, #tpu.memory_space<vmem>> -> memref<128x1xf32, #tpu.memory_space<vmem>>
          %dma_wait3A_105 = arith.constant 0 : i32
          %dma_wait3A_106 = arith.constant 0 : i32
          %dma_wait3A_107 = tpu.memref_slice %arg15[%dma_wait3A_105, %dma_wait3A_106] : memref<100000x1xf32, #tpu.memory_space<vmem_shared>> -> memref<100000x1xf32, #tpu.memory_space<vmem_shared>>
          tpu.wait_indirect_dma semaphore(%run_scoped3A_93 : memref<!tpu.dma_semaphore, #tpu.memory_space<semaphore_mem>>) src(%dma_wait3A_104 : memref<128x1xf32, #tpu.memory_space<vmem>>) dst(%dma_wait3A_107 : memref<100000x1xf32, #tpu.memory_space<vmem_shared>>)
          tpu.yield
        }) : () -> ()
        %run_scoped3A_89 = arith.constant 4 : i32
        "tpu.region"() ({
          %run_scoped3A_93 = tpu.sem_alloc : memref<!tpu.dma_semaphore, #tpu.memory_space<semaphore_mem>>
          %dma_start3A_94 = arith.constant 0 : i32
          %dma_start3A_95 = arith.constant 0 : i32
          %dma_start3A_96 = tpu.memref_slice %arg14[%run_scoped3A_89, %dma_start3A_94, %dma_start3A_95] : memref<8x128x1xf32, #tpu.memory_space<vmem>> -> memref<1x128x1xf32, #tpu.memory_space<vmem>>
          %dma_start3A_97 = tpu.memref_squeeze %dma_start3A_96 : memref<1x128x1xf32, #tpu.memory_space<vmem>> -> memref<128x1xf32, #tpu.memory_space<vmem>>
          %dma_start3A_98 = arith.constant 0 : i32
          %dma_start3A_99 = arith.constant 0 : i32
          %dma_start3A_100 = tpu.memref_slice %arg15[%dma_start3A_98, %dma_start3A_99] : memref<100000x1xf32, #tpu.memory_space<vmem_shared>> -> memref<100000x1xf32, #tpu.memory_space<vmem_shared>>
          tpu.enqueue_indirect_dma source(%dma_start3A_97 : memref<128x1xf32, #tpu.memory_space<vmem>>) target(%dma_start3A_100 : memref<100000x1xf32, #tpu.memory_space<vmem_shared>>) offsets(%arg10 : memref<128xi32, #tpu.memory_space<vmem>>) semaphore(%run_scoped3A_93 : memref<!tpu.dma_semaphore, #tpu.memory_space<semaphore_mem>>) {add = true}
          %dma_wait3A_101 = arith.constant 0 : i32
          %dma_wait3A_102 = arith.constant 0 : i32
          %dma_wait3A_103 = tpu.memref_slice %arg14[%run_scoped3A_89, %dma_wait3A_101, %dma_wait3A_102] : memref<8x128x1xf32, #tpu.memory_space<vmem>> -> memref<1x128x1xf32, #tpu.memory_space<vmem>>
          %dma_wait3A_104 = tpu.memref_squeeze %dma_wait3A_103 : memref<1x128x1xf32, #tpu.memory_space<vmem>> -> memref<128x1xf32, #tpu.memory_space<vmem>>
          %dma_wait3A_105 = arith.constant 0 : i32
          %dma_wait3A_106 = arith.constant 0 : i32
          %dma_wait3A_107 = tpu.memref_slice %arg15[%dma_wait3A_105, %dma_wait3A_106] : memref<100000x1xf32, #tpu.memory_space<vmem_shared>> -> memref<100000x1xf32, #tpu.memory_space<vmem_shared>>
          tpu.wait_indirect_dma semaphore(%run_scoped3A_93 : memref<!tpu.dma_semaphore, #tpu.memory_space<semaphore_mem>>) src(%dma_wait3A_104 : memref<128x1xf32, #tpu.memory_space<vmem>>) dst(%dma_wait3A_107 : memref<100000x1xf32, #tpu.memory_space<vmem_shared>>)
          tpu.yield
        }) : () -> ()
        %run_scoped3A_90 = arith.constant 5 : i32
        "tpu.region"() ({
          %run_scoped3A_93 = tpu.sem_alloc : memref<!tpu.dma_semaphore, #tpu.memory_space<semaphore_mem>>
          %dma_start3A_94 = arith.constant 0 : i32
          %dma_start3A_95 = arith.constant 0 : i32
          %dma_start3A_96 = tpu.memref_slice %arg14[%run_scoped3A_90, %dma_start3A_94, %dma_start3A_95] : memref<8x128x1xf32, #tpu.memory_space<vmem>> -> memref<1x128x1xf32, #tpu.memory_space<vmem>>
          %dma_start3A_97 = tpu.memref_squeeze %dma_start3A_96 : memref<1x128x1xf32, #tpu.memory_space<vmem>> -> memref<128x1xf32, #tpu.memory_space<vmem>>
          %dma_start3A_98 = arith.constant 0 : i32
          %dma_start3A_99 = arith.constant 0 : i32
          %dma_start3A_100 = tpu.memref_slice %arg15[%dma_start3A_98, %dma_start3A_99] : memref<100000x1xf32, #tpu.memory_space<vmem_shared>> -> memref<100000x1xf32, #tpu.memory_space<vmem_shared>>
          tpu.enqueue_indirect_dma source(%dma_start3A_97 : memref<128x1xf32, #tpu.memory_space<vmem>>) target(%dma_start3A_100 : memref<100000x1xf32, #tpu.memory_space<vmem_shared>>) offsets(%arg11 : memref<128xi32, #tpu.memory_space<vmem>>) semaphore(%run_scoped3A_93 : memref<!tpu.dma_semaphore, #tpu.memory_space<semaphore_mem>>) {add = true}
          %dma_wait3A_101 = arith.constant 0 : i32
          %dma_wait3A_102 = arith.constant 0 : i32
          %dma_wait3A_103 = tpu.memref_slice %arg14[%run_scoped3A_90, %dma_wait3A_101, %dma_wait3A_102] : memref<8x128x1xf32, #tpu.memory_space<vmem>> -> memref<1x128x1xf32, #tpu.memory_space<vmem>>
          %dma_wait3A_104 = tpu.memref_squeeze %dma_wait3A_103 : memref<1x128x1xf32, #tpu.memory_space<vmem>> -> memref<128x1xf32, #tpu.memory_space<vmem>>
          %dma_wait3A_105 = arith.constant 0 : i32
          %dma_wait3A_106 = arith.constant 0 : i32
          %dma_wait3A_107 = tpu.memref_slice %arg15[%dma_wait3A_105, %dma_wait3A_106] : memref<100000x1xf32, #tpu.memory_space<vmem_shared>> -> memref<100000x1xf32, #tpu.memory_space<vmem_shared>>
          tpu.wait_indirect_dma semaphore(%run_scoped3A_93 : memref<!tpu.dma_semaphore, #tpu.memory_space<semaphore_mem>>) src(%dma_wait3A_104 : memref<128x1xf32, #tpu.memory_space<vmem>>) dst(%dma_wait3A_107 : memref<100000x1xf32, #tpu.memory_space<vmem_shared>>)
          tpu.yield
        }) : () -> ()
        %run_scoped3A_91 = arith.constant 6 : i32
        "tpu.region"() ({
          %run_scoped3A_93 = tpu.sem_alloc : memref<!tpu.dma_semaphore, #tpu.memory_space<semaphore_mem>>
          %dma_start3A_94 = arith.constant 0 : i32
          %dma_start3A_95 = arith.constant 0 : i32
          %dma_start3A_96 = tpu.memref_slice %arg14[%run_scoped3A_91, %dma_start3A_94, %dma_start3A_95] : memref<8x128x1xf32, #tpu.memory_space<vmem>> -> memref<1x128x1xf32, #tpu.memory_space<vmem>>
          %dma_start3A_97 = tpu.memref_squeeze %dma_start3A_96 : memref<1x128x1xf32, #tpu.memory_space<vmem>> -> memref<128x1xf32, #tpu.memory_space<vmem>>
          %dma_start3A_98 = arith.constant 0 : i32
          %dma_start3A_99 = arith.constant 0 : i32
          %dma_start3A_100 = tpu.memref_slice %arg15[%dma_start3A_98, %dma_start3A_99] : memref<100000x1xf32, #tpu.memory_space<vmem_shared>> -> memref<100000x1xf32, #tpu.memory_space<vmem_shared>>
          tpu.enqueue_indirect_dma source(%dma_start3A_97 : memref<128x1xf32, #tpu.memory_space<vmem>>) target(%dma_start3A_100 : memref<100000x1xf32, #tpu.memory_space<vmem_shared>>) offsets(%arg12 : memref<128xi32, #tpu.memory_space<vmem>>) semaphore(%run_scoped3A_93 : memref<!tpu.dma_semaphore, #tpu.memory_space<semaphore_mem>>) {add = true}
          %dma_wait3A_101 = arith.constant 0 : i32
          %dma_wait3A_102 = arith.constant 0 : i32
          %dma_wait3A_103 = tpu.memref_slice %arg14[%run_scoped3A_91, %dma_wait3A_101, %dma_wait3A_102] : memref<8x128x1xf32, #tpu.memory_space<vmem>> -> memref<1x128x1xf32, #tpu.memory_space<vmem>>
          %dma_wait3A_104 = tpu.memref_squeeze %dma_wait3A_103 : memref<1x128x1xf32, #tpu.memory_space<vmem>> -> memref<128x1xf32, #tpu.memory_space<vmem>>
          %dma_wait3A_105 = arith.constant 0 : i32
          %dma_wait3A_106 = arith.constant 0 : i32
          %dma_wait3A_107 = tpu.memref_slice %arg15[%dma_wait3A_105, %dma_wait3A_106] : memref<100000x1xf32, #tpu.memory_space<vmem_shared>> -> memref<100000x1xf32, #tpu.memory_space<vmem_shared>>
          tpu.wait_indirect_dma semaphore(%run_scoped3A_93 : memref<!tpu.dma_semaphore, #tpu.memory_space<semaphore_mem>>) src(%dma_wait3A_104 : memref<128x1xf32, #tpu.memory_space<vmem>>) dst(%dma_wait3A_107 : memref<100000x1xf32, #tpu.memory_space<vmem_shared>>)
          tpu.yield
        }) : () -> ()
        %run_scoped3A_92 = arith.constant 7 : i32
        "tpu.region"() ({
          %run_scoped3A_93 = tpu.sem_alloc : memref<!tpu.dma_semaphore, #tpu.memory_space<semaphore_mem>>
          %dma_start3A_94 = arith.constant 0 : i32
          %dma_start3A_95 = arith.constant 0 : i32
          %dma_start3A_96 = tpu.memref_slice %arg14[%run_scoped3A_92, %dma_start3A_94, %dma_start3A_95] : memref<8x128x1xf32, #tpu.memory_space<vmem>> -> memref<1x128x1xf32, #tpu.memory_space<vmem>>
          %dma_start3A_97 = tpu.memref_squeeze %dma_start3A_96 : memref<1x128x1xf32, #tpu.memory_space<vmem>> -> memref<128x1xf32, #tpu.memory_space<vmem>>
          %dma_start3A_98 = arith.constant 0 : i32
          %dma_start3A_99 = arith.constant 0 : i32
          %dma_start3A_100 = tpu.memref_slice %arg15[%dma_start3A_98, %dma_start3A_99] : memref<100000x1xf32, #tpu.memory_space<vmem_shared>> -> memref<100000x1xf32, #tpu.memory_space<vmem_shared>>
          tpu.enqueue_indirect_dma source(%dma_start3A_97 : memref<128x1xf32, #tpu.memory_space<vmem>>) target(%dma_start3A_100 : memref<100000x1xf32, #tpu.memory_space<vmem_shared>>) offsets(%arg13 : memref<128xi32, #tpu.memory_space<vmem>>) semaphore(%run_scoped3A_93 : memref<!tpu.dma_semaphore, #tpu.memory_space<semaphore_mem>>) {add = true}
          %dma_wait3A_101 = arith.constant 0 : i32
          %dma_wait3A_102 = arith.constant 0 : i32
          %dma_wait3A_103 = tpu.memref_slice %arg14[%run_scoped3A_92, %dma_wait3A_101, %dma_wait3A_102] : memref<8x128x1xf32, #tpu.memory_space<vmem>> -> memref<1x128x1xf32, #tpu.memory_space<vmem>>
          %dma_wait3A_104 = tpu.memref_squeeze %dma_wait3A_103 : memref<1x128x1xf32, #tpu.memory_space<vmem>> -> memref<128x1xf32, #tpu.memory_space<vmem>>
          %dma_wait3A_105 = arith.constant 0 : i32
          %dma_wait3A_106 = arith.constant 0 : i32
          %dma_wait3A_107 = tpu.memref_slice %arg15[%dma_wait3A_105, %dma_wait3A_106] : memref<100000x1xf32, #tpu.memory_space<vmem_shared>> -> memref<100000x1xf32, #tpu.memory_space<vmem_shared>>
          tpu.wait_indirect_dma semaphore(%run_scoped3A_93 : memref<!tpu.dma_semaphore, #tpu.memory_space<semaphore_mem>>) src(%dma_wait3A_104 : memref<128x1xf32, #tpu.memory_space<vmem>>) dst(%dma_wait3A_107 : memref<100000x1xf32, #tpu.memory_space<vmem_shared>>)
          tpu.yield
        }) : () -> ()
      } else {
      }
    }
    %scan3A_13 = arith.constant 196 : i32
    %barrier3A_14 = arith.constant 0 : index
    tpu.barrier barrier_id(%barrier3A_14)
    %mul3A_15 = arith.constant 6256 : i32
    %mul3A_16 = arith.muli %arg1, %mul3A_15 : i32
    %multiple_of3A_17 = tpu.assume_multiple %mul3A_16, 8 : i32
    %lt3A_18 = arith.constant 15 : i32
    %lt3A_19 = arith.cmpi slt, %arg1, %lt3A_18 : i32
    %convert_element_type3A_20 = arith.extui %lt3A_19 : i1 to i32
    %cond3A_21 = arith.constant 0 : i32
    %cond3A_22 = arith.cmpi ne, %convert_element_type3A_20, %cond3A_21 : i32
    scf.if %cond3A_22 {
      "tpu.region"() ({
        %run_scoped3A = tpu.sem_alloc : memref<!tpu.dma_semaphore, #tpu.memory_space<semaphore_mem>>
        %dma_start3A = arith.constant 0 : i32
        %dma_start3A_28 = tpu.memref_slice %arg5[%arg0, %multiple_of3A_17, %dma_start3A] : memref<2x100000x1xf32, #tpu.memory_space<hbm>> -> memref<1x6256x1xf32, #tpu.memory_space<hbm>>
        %dma_start3A_29 = tpu.memref_squeeze %dma_start3A_28 : memref<1x6256x1xf32, #tpu.memory_space<hbm>> -> memref<6256x1xf32, #tpu.memory_space<hbm>>
        %dma_start3A_30 = arith.constant 0 : i32
        %dma_start3A_31 = tpu.memref_slice %arg15[%multiple_of3A_17, %dma_start3A_30] : memref<100000x1xf32, #tpu.memory_space<vmem_shared>> -> memref<6256x1xf32, #tpu.memory_space<vmem_shared>>
        tpu.enqueue_dma source(%dma_start3A_31 : memref<6256x1xf32, #tpu.memory_space<vmem_shared>>) target(%dma_start3A_29 : memref<6256x1xf32, #tpu.memory_space<hbm>>) target_semaphore(%run_scoped3A : memref<!tpu.dma_semaphore, #tpu.memory_space<semaphore_mem>>)
        %dma_wait3A = arith.constant 0 : i32
        %dma_wait3A_32 = tpu.memref_slice %arg5[%arg0, %multiple_of3A_17, %dma_wait3A] : memref<2x100000x1xf32, #tpu.memory_space<hbm>> -> memref<1x6256x1xf32, #tpu.memory_space<hbm>>
        %dma_wait3A_33 = tpu.memref_squeeze %dma_wait3A_32 : memref<1x6256x1xf32, #tpu.memory_space<hbm>> -> memref<6256x1xf32, #tpu.memory_space<hbm>>
        %dma_wait3A_34 = arith.constant 0 : i32
        %dma_wait3A_35 = tpu.memref_slice %arg15[%multiple_of3A_17, %dma_wait3A_34] : memref<100000x1xf32, #tpu.memory_space<vmem_shared>> -> memref<6256x1xf32, #tpu.memory_space<vmem_shared>>
        tpu.wait_dma2 semaphore(%run_scoped3A : memref<!tpu.dma_semaphore, #tpu.memory_space<semaphore_mem>>) src(%dma_wait3A_35 : memref<6256x1xf32, #tpu.memory_space<vmem_shared>>) dst(%dma_wait3A_33 : memref<6256x1xf32, #tpu.memory_space<hbm>>)
        tpu.yield
      }) : () -> ()
    } else {
    }
    %eq3A_23 = arith.constant 15 : i32
    %eq3A_24 = arith.cmpi eq, %arg1, %eq3A_23 : i32
    %convert_element_type3A_25 = arith.extui %eq3A_24 : i1 to i32
    %cond3A_26 = arith.constant 0 : i32
    %cond3A_27 = arith.cmpi ne, %convert_element_type3A_25, %cond3A_26 : i32
    scf.if %cond3A_27 {
      "tpu.region"() ({
        %run_scoped3A = tpu.sem_alloc : memref<!tpu.dma_semaphore, #tpu.memory_space<semaphore_mem>>
        %dma_start3A = arith.constant 93840 : i32
        %dma_start3A_28 = arith.constant 0 : i32
        %dma_start3A_29 = tpu.memref_slice %arg5[%arg0, %dma_start3A, %dma_start3A_28] : memref<2x100000x1xf32, #tpu.memory_space<hbm>> -> memref<1x6160x1xf32, #tpu.memory_space<hbm>>
        %dma_start3A_30 = tpu.memref_squeeze %dma_start3A_29 : memref<1x6160x1xf32, #tpu.memory_space<hbm>> -> memref<6160x1xf32, #tpu.memory_space<hbm>>
        %dma_start3A_31 = arith.constant 93840 : i32
        %dma_start3A_32 = arith.constant 0 : i32
        %dma_start3A_33 = tpu.memref_slice %arg15[%dma_start3A_31, %dma_start3A_32] : memref<100000x1xf32, #tpu.memory_space<vmem_shared>> -> memref<6160x1xf32, #tpu.memory_space<vmem_shared>>
        tpu.enqueue_dma source(%dma_start3A_33 : memref<6160x1xf32, #tpu.memory_space<vmem_shared>>) target(%dma_start3A_30 : memref<6160x1xf32, #tpu.memory_space<hbm>>) target_semaphore(%run_scoped3A : memref<!tpu.dma_semaphore, #tpu.memory_space<semaphore_mem>>)
        %dma_wait3A = arith.constant 93840 : i32
        %dma_wait3A_34 = arith.constant 0 : i32
        %dma_wait3A_35 = tpu.memref_slice %arg5[%arg0, %dma_wait3A, %dma_wait3A_34] : memref<2x100000x1xf32, #tpu.memory_space<hbm>> -> memref<1x6160x1xf32, #tpu.memory_space<hbm>>
        %dma_wait3A_36 = tpu.memref_squeeze %dma_wait3A_35 : memref<1x6160x1xf32, #tpu.memory_space<hbm>> -> memref<6160x1xf32, #tpu.memory_space<hbm>>
        %dma_wait3A_37 = arith.constant 93840 : i32
        %dma_wait3A_38 = arith.constant 0 : i32
        %dma_wait3A_39 = tpu.memref_slice %arg15[%dma_wait3A_37, %dma_wait3A_38] : memref<100000x1xf32, #tpu.memory_space<vmem_shared>> -> memref<6160x1xf32, #tpu.memory_space<vmem_shared>>
        tpu.wait_dma2 semaphore(%run_scoped3A : memref<!tpu.dma_semaphore, #tpu.memory_space<semaphore_mem>>) src(%dma_wait3A_39 : memref<6160x1xf32, #tpu.memory_space<vmem_shared>>) dst(%dma_wait3A_36 : memref<6160x1xf32, #tpu.memory_space<hbm>>)
        tpu.yield
      }) : () -> ()
    } else {
    }
    return
  }
}

#map = affine_map<(d0, d1) -> (0, 0)>
#map1 = affine_map<(d0, d1) -> (0)>
#map2 = affine_map<(d0, d1) -> (0, 0, 0)>
module attributes {stable_mosaic.version = 14 : i64} {
  func.func @agg(%arg0: i32, %arg1: i32, %arg2: memref<100000x16xf32, #tpu.memory_space<hbm>>, %arg3: memref<6400000xi32, #tpu.memory_space<hbm>>, %arg4: memref<6400000xi32, #tpu.memory_space<hbm>>, %arg5: memref<100000x16xf32, #tpu.memory_space<hbm>>, %arg6: memref<2x100000x16xf32, #tpu.memory_space<hbm>>, %arg7: memref<128xi32, #tpu.memory_space<vmem>>, %arg8: memref<128xi32, #tpu.memory_space<vmem>>, %arg9: memref<128xi32, #tpu.memory_space<vmem>>, %arg10: memref<128xi32, #tpu.memory_space<vmem>>, %arg11: memref<128xi32, #tpu.memory_space<vmem>>, %arg12: memref<128xi32, #tpu.memory_space<vmem>>, %arg13: memref<128xi32, #tpu.memory_space<vmem>>, %arg14: memref<128xi32, #tpu.memory_space<vmem>>, %arg15: memref<128xi32, #tpu.memory_space<vmem>>, %arg16: memref<128xi32, #tpu.memory_space<vmem>>, %arg17: memref<128xi32, #tpu.memory_space<vmem>>, %arg18: memref<128xi32, #tpu.memory_space<vmem>>, %arg19: memref<128xi32, #tpu.memory_space<vmem>>, %arg20: memref<128xi32, #tpu.memory_space<vmem>>, %arg21: memref<128xi32, #tpu.memory_space<vmem>>, %arg22: memref<128xi32, #tpu.memory_space<vmem>>, %arg23: memref<8x128x16xf32, #tpu.memory_space<vmem>>, %arg24: memref<100000x16xf32, #tpu.memory_space<vmem_shared>>, %arg25: memref<!tpu.dma_semaphore, #tpu.memory_space<semaphore_mem>>, %arg26: memref<!tpu.dma_semaphore, #tpu.memory_space<semaphore_mem>>) attributes {dimension_semantics = [#tpu.dimension_semantics<core_parallel>, #tpu.dimension_semantics<subcore_parallel>], iteration_bounds = array<i64: 2, 16>, scalar_prefetch = 0 : i64, scratch_operands = 20 : i64, tpu.core_type = #tpu.core_type<sc_vector_subcore>, window_params = [{transform_indices = #map}, {transform_indices = #map1}, {transform_indices = #map1}, {transform_indices = #map}, {transform_indices = #map2}]} {
    %mul3A = arith.constant 2 : i32
    %mul3A_0 = arith.muli %arg1, %mul3A : i32
    %add3A = arith.addi %mul3A_0, %arg0 : i32
    %mul3A_1 = arith.constant 6256 : i32
    %mul3A_2 = arith.muli %arg1, %mul3A_1 : i32
    %multiple_of3A = tpu.assume_multiple %mul3A_2, 8 : i32
    %lt3A = arith.constant 15 : i32
    %lt3A_3 = arith.cmpi slt, %arg1, %lt3A : i32
    %convert_element_type3A = arith.extui %lt3A_3 : i1 to i32
    %cond3A = arith.constant 0 : i32
    %cond3A_4 = arith.cmpi ne, %convert_element_type3A, %cond3A : i32
    scf.if %cond3A_4 {
      "tpu.region"() ({
        %run_scoped3A = tpu.sem_alloc : memref<!tpu.dma_semaphore, #tpu.memory_space<semaphore_mem>>
        %dma_start3A = arith.constant 0 : i32
        %dma_start3A_28 = tpu.memref_slice %arg24[%multiple_of3A, %dma_start3A] : memref<100000x16xf32, #tpu.memory_space<vmem_shared>> -> memref<6256x16xf32, #tpu.memory_space<vmem_shared>>
        %dma_start3A_29 = arith.constant 0 : i32
        %dma_start3A_30 = tpu.memref_slice %arg5[%multiple_of3A, %dma_start3A_29] : memref<100000x16xf32, #tpu.memory_space<hbm>> -> memref<6256x16xf32, #tpu.memory_space<hbm>>
        tpu.enqueue_dma source(%dma_start3A_30 : memref<6256x16xf32, #tpu.memory_space<hbm>>) target(%dma_start3A_28 : memref<6256x16xf32, #tpu.memory_space<vmem_shared>>) target_semaphore(%run_scoped3A : memref<!tpu.dma_semaphore, #tpu.memory_space<semaphore_mem>>)
        %dma_wait3A = arith.constant 0 : i32
        %dma_wait3A_31 = tpu.memref_slice %arg24[%multiple_of3A, %dma_wait3A] : memref<100000x16xf32, #tpu.memory_space<vmem_shared>> -> memref<6256x16xf32, #tpu.memory_space<vmem_shared>>
        %dma_wait3A_32 = arith.constant 0 : i32
        %dma_wait3A_33 = tpu.memref_slice %arg5[%multiple_of3A, %dma_wait3A_32] : memref<100000x16xf32, #tpu.memory_space<hbm>> -> memref<6256x16xf32, #tpu.memory_space<hbm>>
        tpu.wait_dma2 semaphore(%run_scoped3A : memref<!tpu.dma_semaphore, #tpu.memory_space<semaphore_mem>>) src(%dma_wait3A_33 : memref<6256x16xf32, #tpu.memory_space<hbm>>) dst(%dma_wait3A_31 : memref<6256x16xf32, #tpu.memory_space<vmem_shared>>)
        tpu.yield
      }) : () -> ()
    } else {
    }
    %eq3A = arith.constant 15 : i32
    %eq3A_5 = arith.cmpi eq, %arg1, %eq3A : i32
    %convert_element_type3A_6 = arith.extui %eq3A_5 : i1 to i32
    %cond3A_7 = arith.constant 0 : i32
    %cond3A_8 = arith.cmpi ne, %convert_element_type3A_6, %cond3A_7 : i32
    scf.if %cond3A_8 {
      "tpu.region"() ({
        %run_scoped3A = tpu.sem_alloc : memref<!tpu.dma_semaphore, #tpu.memory_space<semaphore_mem>>
        %dma_start3A = arith.constant 93840 : i32
        %dma_start3A_28 = arith.constant 0 : i32
        %dma_start3A_29 = tpu.memref_slice %arg24[%dma_start3A, %dma_start3A_28] : memref<100000x16xf32, #tpu.memory_space<vmem_shared>> -> memref<6160x16xf32, #tpu.memory_space<vmem_shared>>
        %dma_start3A_30 = arith.constant 93840 : i32
        %dma_start3A_31 = arith.constant 0 : i32
        %dma_start3A_32 = tpu.memref_slice %arg5[%dma_start3A_30, %dma_start3A_31] : memref<100000x16xf32, #tpu.memory_space<hbm>> -> memref<6160x16xf32, #tpu.memory_space<hbm>>
        tpu.enqueue_dma source(%dma_start3A_32 : memref<6160x16xf32, #tpu.memory_space<hbm>>) target(%dma_start3A_29 : memref<6160x16xf32, #tpu.memory_space<vmem_shared>>) target_semaphore(%run_scoped3A : memref<!tpu.dma_semaphore, #tpu.memory_space<semaphore_mem>>)
        %dma_wait3A = arith.constant 93840 : i32
        %dma_wait3A_33 = arith.constant 0 : i32
        %dma_wait3A_34 = tpu.memref_slice %arg24[%dma_wait3A, %dma_wait3A_33] : memref<100000x16xf32, #tpu.memory_space<vmem_shared>> -> memref<6160x16xf32, #tpu.memory_space<vmem_shared>>
        %dma_wait3A_35 = arith.constant 93840 : i32
        %dma_wait3A_36 = arith.constant 0 : i32
        %dma_wait3A_37 = tpu.memref_slice %arg5[%dma_wait3A_35, %dma_wait3A_36] : memref<100000x16xf32, #tpu.memory_space<hbm>> -> memref<6160x16xf32, #tpu.memory_space<hbm>>
        tpu.wait_dma2 semaphore(%run_scoped3A : memref<!tpu.dma_semaphore, #tpu.memory_space<semaphore_mem>>) src(%dma_wait3A_37 : memref<6160x16xf32, #tpu.memory_space<hbm>>) dst(%dma_wait3A_34 : memref<6160x16xf32, #tpu.memory_space<vmem_shared>>)
        tpu.yield
      }) : () -> ()
    } else {
    }
    %barrier3A = arith.constant 0 : index
    tpu.barrier barrier_id(%barrier3A)
    %scan3A = arith.constant 0 : i32
    %scan3A_9 = arith.constant 0 : i32
    %scan3A_10 = arith.constant 196 : i32
    %scan3A_11 = arith.addi %scan3A_9, %scan3A_10 : i32
    %scan3A_12 = arith.constant 1 : i32
    scf.for %scan3A_28 = %scan3A_9 to %scan3A_11 step %scan3A_12  : i32 {
      %mul3A_29 = arith.constant 32 : i32
      %mul3A_30 = arith.muli %scan3A_28, %mul3A_29 : i32
      %add3A_31 = arith.addi %add3A, %mul3A_30 : i32
      %lt3A_32 = arith.constant 6250 : i32
      %lt3A_33 = arith.cmpi slt, %add3A_31, %lt3A_32 : i32
      %convert_element_type3A_34 = arith.extui %lt3A_33 : i1 to i32
      %cond3A_35 = arith.constant 0 : i32
      %cond3A_36 = arith.cmpi ne, %convert_element_type3A_34, %cond3A_35 : i32
      scf.if %cond3A_36 {
        %mul3A_37 = arith.constant 1024 : i32
        %mul3A_38 = arith.muli %add3A_31, %mul3A_37 : i32
        %multiple_of3A_39 = tpu.assume_multiple %mul3A_38, 8 : i32
        %add3A_40 = arith.constant 0 : i32
        %add3A_41 = arith.addi %multiple_of3A_39, %add3A_40 : i32
        %dma_start3A = tpu.memref_slice %arg3[%add3A_41] : memref<6400000xi32, #tpu.memory_space<hbm>> -> memref<128xi32, #tpu.memory_space<hbm>>
        %dma_start3A_42 = tpu.memref_slice %arg3[%add3A_41] : memref<6400000xi32, #tpu.memory_space<hbm>> -> memref<128xi32, #tpu.memory_space<hbm>>
        tpu.enqueue_dma source(%dma_start3A_42 : memref<128xi32, #tpu.memory_space<hbm>>) target(%arg7 : memref<128xi32, #tpu.memory_space<vmem>>) target_semaphore(%arg26 : memref<!tpu.dma_semaphore, #tpu.memory_space<semaphore_mem>>)
        %add3A_43 = arith.constant 0 : i32
        %add3A_44 = arith.addi %multiple_of3A_39, %add3A_43 : i32
        %dma_start3A_45 = tpu.memref_slice %arg4[%add3A_44] : memref<6400000xi32, #tpu.memory_space<hbm>> -> memref<128xi32, #tpu.memory_space<hbm>>
        %dma_start3A_46 = tpu.memref_slice %arg4[%add3A_44] : memref<6400000xi32, #tpu.memory_space<hbm>> -> memref<128xi32, #tpu.memory_space<hbm>>
        tpu.enqueue_dma source(%dma_start3A_46 : memref<128xi32, #tpu.memory_space<hbm>>) target(%arg15 : memref<128xi32, #tpu.memory_space<vmem>>) target_semaphore(%arg26 : memref<!tpu.dma_semaphore, #tpu.memory_space<semaphore_mem>>)
        %add3A_47 = arith.constant 128 : i32
        %add3A_48 = arith.addi %multiple_of3A_39, %add3A_47 : i32
        %dma_start3A_49 = tpu.memref_slice %arg3[%add3A_48] : memref<6400000xi32, #tpu.memory_space<hbm>> -> memref<128xi32, #tpu.memory_space<hbm>>
        %dma_start3A_50 = tpu.memref_slice %arg3[%add3A_48] : memref<6400000xi32, #tpu.memory_space<hbm>> -> memref<128xi32, #tpu.memory_space<hbm>>
        tpu.enqueue_dma source(%dma_start3A_50 : memref<128xi32, #tpu.memory_space<hbm>>) target(%arg8 : memref<128xi32, #tpu.memory_space<vmem>>) target_semaphore(%arg26 : memref<!tpu.dma_semaphore, #tpu.memory_space<semaphore_mem>>)
        %add3A_51 = arith.constant 128 : i32
        %add3A_52 = arith.addi %multiple_of3A_39, %add3A_51 : i32
        %dma_start3A_53 = tpu.memref_slice %arg4[%add3A_52] : memref<6400000xi32, #tpu.memory_space<hbm>> -> memref<128xi32, #tpu.memory_space<hbm>>
        %dma_start3A_54 = tpu.memref_slice %arg4[%add3A_52] : memref<6400000xi32, #tpu.memory_space<hbm>> -> memref<128xi32, #tpu.memory_space<hbm>>
        tpu.enqueue_dma source(%dma_start3A_54 : memref<128xi32, #tpu.memory_space<hbm>>) target(%arg16 : memref<128xi32, #tpu.memory_space<vmem>>) target_semaphore(%arg26 : memref<!tpu.dma_semaphore, #tpu.memory_space<semaphore_mem>>)
        %add3A_55 = arith.constant 256 : i32
        %add3A_56 = arith.addi %multiple_of3A_39, %add3A_55 : i32
        %dma_start3A_57 = tpu.memref_slice %arg3[%add3A_56] : memref<6400000xi32, #tpu.memory_space<hbm>> -> memref<128xi32, #tpu.memory_space<hbm>>
        %dma_start3A_58 = tpu.memref_slice %arg3[%add3A_56] : memref<6400000xi32, #tpu.memory_space<hbm>> -> memref<128xi32, #tpu.memory_space<hbm>>
        tpu.enqueue_dma source(%dma_start3A_58 : memref<128xi32, #tpu.memory_space<hbm>>) target(%arg9 : memref<128xi32, #tpu.memory_space<vmem>>) target_semaphore(%arg26 : memref<!tpu.dma_semaphore, #tpu.memory_space<semaphore_mem>>)
        %add3A_59 = arith.constant 256 : i32
        %add3A_60 = arith.addi %multiple_of3A_39, %add3A_59 : i32
        %dma_start3A_61 = tpu.memref_slice %arg4[%add3A_60] : memref<6400000xi32, #tpu.memory_space<hbm>> -> memref<128xi32, #tpu.memory_space<hbm>>
        %dma_start3A_62 = tpu.memref_slice %arg4[%add3A_60] : memref<6400000xi32, #tpu.memory_space<hbm>> -> memref<128xi32, #tpu.memory_space<hbm>>
        tpu.enqueue_dma source(%dma_start3A_62 : memref<128xi32, #tpu.memory_space<hbm>>) target(%arg17 : memref<128xi32, #tpu.memory_space<vmem>>) target_semaphore(%arg26 : memref<!tpu.dma_semaphore, #tpu.memory_space<semaphore_mem>>)
        %add3A_63 = arith.constant 384 : i32
        %add3A_64 = arith.addi %multiple_of3A_39, %add3A_63 : i32
        %dma_start3A_65 = tpu.memref_slice %arg3[%add3A_64] : memref<6400000xi32, #tpu.memory_space<hbm>> -> memref<128xi32, #tpu.memory_space<hbm>>
        %dma_start3A_66 = tpu.memref_slice %arg3[%add3A_64] : memref<6400000xi32, #tpu.memory_space<hbm>> -> memref<128xi32, #tpu.memory_space<hbm>>
        tpu.enqueue_dma source(%dma_start3A_66 : memref<128xi32, #tpu.memory_space<hbm>>) target(%arg10 : memref<128xi32, #tpu.memory_space<vmem>>) target_semaphore(%arg26 : memref<!tpu.dma_semaphore, #tpu.memory_space<semaphore_mem>>)
        %add3A_67 = arith.constant 384 : i32
        %add3A_68 = arith.addi %multiple_of3A_39, %add3A_67 : i32
        %dma_start3A_69 = tpu.memref_slice %arg4[%add3A_68] : memref<6400000xi32, #tpu.memory_space<hbm>> -> memref<128xi32, #tpu.memory_space<hbm>>
        %dma_start3A_70 = tpu.memref_slice %arg4[%add3A_68] : memref<6400000xi32, #tpu.memory_space<hbm>> -> memref<128xi32, #tpu.memory_space<hbm>>
        tpu.enqueue_dma source(%dma_start3A_70 : memref<128xi32, #tpu.memory_space<hbm>>) target(%arg18 : memref<128xi32, #tpu.memory_space<vmem>>) target_semaphore(%arg26 : memref<!tpu.dma_semaphore, #tpu.memory_space<semaphore_mem>>)
        %add3A_71 = arith.constant 512 : i32
        %add3A_72 = arith.addi %multiple_of3A_39, %add3A_71 : i32
        %dma_start3A_73 = tpu.memref_slice %arg3[%add3A_72] : memref<6400000xi32, #tpu.memory_space<hbm>> -> memref<128xi32, #tpu.memory_space<hbm>>
        %dma_start3A_74 = tpu.memref_slice %arg3[%add3A_72] : memref<6400000xi32, #tpu.memory_space<hbm>> -> memref<128xi32, #tpu.memory_space<hbm>>
        tpu.enqueue_dma source(%dma_start3A_74 : memref<128xi32, #tpu.memory_space<hbm>>) target(%arg11 : memref<128xi32, #tpu.memory_space<vmem>>) target_semaphore(%arg26 : memref<!tpu.dma_semaphore, #tpu.memory_space<semaphore_mem>>)
        %add3A_75 = arith.constant 512 : i32
        %add3A_76 = arith.addi %multiple_of3A_39, %add3A_75 : i32
        %dma_start3A_77 = tpu.memref_slice %arg4[%add3A_76] : memref<6400000xi32, #tpu.memory_space<hbm>> -> memref<128xi32, #tpu.memory_space<hbm>>
        %dma_start3A_78 = tpu.memref_slice %arg4[%add3A_76] : memref<6400000xi32, #tpu.memory_space<hbm>> -> memref<128xi32, #tpu.memory_space<hbm>>
        tpu.enqueue_dma source(%dma_start3A_78 : memref<128xi32, #tpu.memory_space<hbm>>) target(%arg19 : memref<128xi32, #tpu.memory_space<vmem>>) target_semaphore(%arg26 : memref<!tpu.dma_semaphore, #tpu.memory_space<semaphore_mem>>)
        %add3A_79 = arith.constant 640 : i32
        %add3A_80 = arith.addi %multiple_of3A_39, %add3A_79 : i32
        %dma_start3A_81 = tpu.memref_slice %arg3[%add3A_80] : memref<6400000xi32, #tpu.memory_space<hbm>> -> memref<128xi32, #tpu.memory_space<hbm>>
        %dma_start3A_82 = tpu.memref_slice %arg3[%add3A_80] : memref<6400000xi32, #tpu.memory_space<hbm>> -> memref<128xi32, #tpu.memory_space<hbm>>
        tpu.enqueue_dma source(%dma_start3A_82 : memref<128xi32, #tpu.memory_space<hbm>>) target(%arg12 : memref<128xi32, #tpu.memory_space<vmem>>) target_semaphore(%arg26 : memref<!tpu.dma_semaphore, #tpu.memory_space<semaphore_mem>>)
        %add3A_83 = arith.constant 640 : i32
        %add3A_84 = arith.addi %multiple_of3A_39, %add3A_83 : i32
        %dma_start3A_85 = tpu.memref_slice %arg4[%add3A_84] : memref<6400000xi32, #tpu.memory_space<hbm>> -> memref<128xi32, #tpu.memory_space<hbm>>
        %dma_start3A_86 = tpu.memref_slice %arg4[%add3A_84] : memref<6400000xi32, #tpu.memory_space<hbm>> -> memref<128xi32, #tpu.memory_space<hbm>>
        tpu.enqueue_dma source(%dma_start3A_86 : memref<128xi32, #tpu.memory_space<hbm>>) target(%arg20 : memref<128xi32, #tpu.memory_space<vmem>>) target_semaphore(%arg26 : memref<!tpu.dma_semaphore, #tpu.memory_space<semaphore_mem>>)
        %add3A_87 = arith.constant 768 : i32
        %add3A_88 = arith.addi %multiple_of3A_39, %add3A_87 : i32
        %dma_start3A_89 = tpu.memref_slice %arg3[%add3A_88] : memref<6400000xi32, #tpu.memory_space<hbm>> -> memref<128xi32, #tpu.memory_space<hbm>>
        %dma_start3A_90 = tpu.memref_slice %arg3[%add3A_88] : memref<6400000xi32, #tpu.memory_space<hbm>> -> memref<128xi32, #tpu.memory_space<hbm>>
        tpu.enqueue_dma source(%dma_start3A_90 : memref<128xi32, #tpu.memory_space<hbm>>) target(%arg13 : memref<128xi32, #tpu.memory_space<vmem>>) target_semaphore(%arg26 : memref<!tpu.dma_semaphore, #tpu.memory_space<semaphore_mem>>)
        %add3A_91 = arith.constant 768 : i32
        %add3A_92 = arith.addi %multiple_of3A_39, %add3A_91 : i32
        %dma_start3A_93 = tpu.memref_slice %arg4[%add3A_92] : memref<6400000xi32, #tpu.memory_space<hbm>> -> memref<128xi32, #tpu.memory_space<hbm>>
        %dma_start3A_94 = tpu.memref_slice %arg4[%add3A_92] : memref<6400000xi32, #tpu.memory_space<hbm>> -> memref<128xi32, #tpu.memory_space<hbm>>
        tpu.enqueue_dma source(%dma_start3A_94 : memref<128xi32, #tpu.memory_space<hbm>>) target(%arg21 : memref<128xi32, #tpu.memory_space<vmem>>) target_semaphore(%arg26 : memref<!tpu.dma_semaphore, #tpu.memory_space<semaphore_mem>>)
        %add3A_95 = arith.constant 896 : i32
        %add3A_96 = arith.addi %multiple_of3A_39, %add3A_95 : i32
        %dma_start3A_97 = tpu.memref_slice %arg3[%add3A_96] : memref<6400000xi32, #tpu.memory_space<hbm>> -> memref<128xi32, #tpu.memory_space<hbm>>
        %dma_start3A_98 = tpu.memref_slice %arg3[%add3A_96] : memref<6400000xi32, #tpu.memory_space<hbm>> -> memref<128xi32, #tpu.memory_space<hbm>>
        tpu.enqueue_dma source(%dma_start3A_98 : memref<128xi32, #tpu.memory_space<hbm>>) target(%arg14 : memref<128xi32, #tpu.memory_space<vmem>>) target_semaphore(%arg26 : memref<!tpu.dma_semaphore, #tpu.memory_space<semaphore_mem>>)
        %add3A_99 = arith.constant 896 : i32
        %add3A_100 = arith.addi %multiple_of3A_39, %add3A_99 : i32
        %dma_start3A_101 = tpu.memref_slice %arg4[%add3A_100] : memref<6400000xi32, #tpu.memory_space<hbm>> -> memref<128xi32, #tpu.memory_space<hbm>>
        %dma_start3A_102 = tpu.memref_slice %arg4[%add3A_100] : memref<6400000xi32, #tpu.memory_space<hbm>> -> memref<128xi32, #tpu.memory_space<hbm>>
        tpu.enqueue_dma source(%dma_start3A_102 : memref<128xi32, #tpu.memory_space<hbm>>) target(%arg22 : memref<128xi32, #tpu.memory_space<vmem>>) target_semaphore(%arg26 : memref<!tpu.dma_semaphore, #tpu.memory_space<semaphore_mem>>)
        %dma_wait3A = tpu.memref_slice %arg3[%add3A_41] : memref<6400000xi32, #tpu.memory_space<hbm>> -> memref<128xi32, #tpu.memory_space<hbm>>
        %dma_wait3A_103 = tpu.memref_slice %arg3[%add3A_41] : memref<6400000xi32, #tpu.memory_space<hbm>> -> memref<128xi32, #tpu.memory_space<hbm>>
        tpu.wait_dma2 semaphore(%arg26 : memref<!tpu.dma_semaphore, #tpu.memory_space<semaphore_mem>>) src(%dma_wait3A_103 : memref<128xi32, #tpu.memory_space<hbm>>) dst(%arg7 : memref<128xi32, #tpu.memory_space<vmem>>)
        %dma_wait3A_104 = tpu.memref_slice %arg4[%add3A_44] : memref<6400000xi32, #tpu.memory_space<hbm>> -> memref<128xi32, #tpu.memory_space<hbm>>
        %dma_wait3A_105 = tpu.memref_slice %arg4[%add3A_44] : memref<6400000xi32, #tpu.memory_space<hbm>> -> memref<128xi32, #tpu.memory_space<hbm>>
        tpu.wait_dma2 semaphore(%arg26 : memref<!tpu.dma_semaphore, #tpu.memory_space<semaphore_mem>>) src(%dma_wait3A_105 : memref<128xi32, #tpu.memory_space<hbm>>) dst(%arg15 : memref<128xi32, #tpu.memory_space<vmem>>)
        %dma_wait3A_106 = tpu.memref_slice %arg3[%add3A_48] : memref<6400000xi32, #tpu.memory_space<hbm>> -> memref<128xi32, #tpu.memory_space<hbm>>
        %dma_wait3A_107 = tpu.memref_slice %arg3[%add3A_48] : memref<6400000xi32, #tpu.memory_space<hbm>> -> memref<128xi32, #tpu.memory_space<hbm>>
        tpu.wait_dma2 semaphore(%arg26 : memref<!tpu.dma_semaphore, #tpu.memory_space<semaphore_mem>>) src(%dma_wait3A_107 : memref<128xi32, #tpu.memory_space<hbm>>) dst(%arg8 : memref<128xi32, #tpu.memory_space<vmem>>)
        %dma_wait3A_108 = tpu.memref_slice %arg4[%add3A_52] : memref<6400000xi32, #tpu.memory_space<hbm>> -> memref<128xi32, #tpu.memory_space<hbm>>
        %dma_wait3A_109 = tpu.memref_slice %arg4[%add3A_52] : memref<6400000xi32, #tpu.memory_space<hbm>> -> memref<128xi32, #tpu.memory_space<hbm>>
        tpu.wait_dma2 semaphore(%arg26 : memref<!tpu.dma_semaphore, #tpu.memory_space<semaphore_mem>>) src(%dma_wait3A_109 : memref<128xi32, #tpu.memory_space<hbm>>) dst(%arg16 : memref<128xi32, #tpu.memory_space<vmem>>)
        %dma_wait3A_110 = tpu.memref_slice %arg3[%add3A_56] : memref<6400000xi32, #tpu.memory_space<hbm>> -> memref<128xi32, #tpu.memory_space<hbm>>
        %dma_wait3A_111 = tpu.memref_slice %arg3[%add3A_56] : memref<6400000xi32, #tpu.memory_space<hbm>> -> memref<128xi32, #tpu.memory_space<hbm>>
        tpu.wait_dma2 semaphore(%arg26 : memref<!tpu.dma_semaphore, #tpu.memory_space<semaphore_mem>>) src(%dma_wait3A_111 : memref<128xi32, #tpu.memory_space<hbm>>) dst(%arg9 : memref<128xi32, #tpu.memory_space<vmem>>)
        %dma_wait3A_112 = tpu.memref_slice %arg4[%add3A_60] : memref<6400000xi32, #tpu.memory_space<hbm>> -> memref<128xi32, #tpu.memory_space<hbm>>
        %dma_wait3A_113 = tpu.memref_slice %arg4[%add3A_60] : memref<6400000xi32, #tpu.memory_space<hbm>> -> memref<128xi32, #tpu.memory_space<hbm>>
        tpu.wait_dma2 semaphore(%arg26 : memref<!tpu.dma_semaphore, #tpu.memory_space<semaphore_mem>>) src(%dma_wait3A_113 : memref<128xi32, #tpu.memory_space<hbm>>) dst(%arg17 : memref<128xi32, #tpu.memory_space<vmem>>)
        %dma_wait3A_114 = tpu.memref_slice %arg3[%add3A_64] : memref<6400000xi32, #tpu.memory_space<hbm>> -> memref<128xi32, #tpu.memory_space<hbm>>
        %dma_wait3A_115 = tpu.memref_slice %arg3[%add3A_64] : memref<6400000xi32, #tpu.memory_space<hbm>> -> memref<128xi32, #tpu.memory_space<hbm>>
        tpu.wait_dma2 semaphore(%arg26 : memref<!tpu.dma_semaphore, #tpu.memory_space<semaphore_mem>>) src(%dma_wait3A_115 : memref<128xi32, #tpu.memory_space<hbm>>) dst(%arg10 : memref<128xi32, #tpu.memory_space<vmem>>)
        %dma_wait3A_116 = tpu.memref_slice %arg4[%add3A_68] : memref<6400000xi32, #tpu.memory_space<hbm>> -> memref<128xi32, #tpu.memory_space<hbm>>
        %dma_wait3A_117 = tpu.memref_slice %arg4[%add3A_68] : memref<6400000xi32, #tpu.memory_space<hbm>> -> memref<128xi32, #tpu.memory_space<hbm>>
        tpu.wait_dma2 semaphore(%arg26 : memref<!tpu.dma_semaphore, #tpu.memory_space<semaphore_mem>>) src(%dma_wait3A_117 : memref<128xi32, #tpu.memory_space<hbm>>) dst(%arg18 : memref<128xi32, #tpu.memory_space<vmem>>)
        %dma_wait3A_118 = tpu.memref_slice %arg3[%add3A_72] : memref<6400000xi32, #tpu.memory_space<hbm>> -> memref<128xi32, #tpu.memory_space<hbm>>
        %dma_wait3A_119 = tpu.memref_slice %arg3[%add3A_72] : memref<6400000xi32, #tpu.memory_space<hbm>> -> memref<128xi32, #tpu.memory_space<hbm>>
        tpu.wait_dma2 semaphore(%arg26 : memref<!tpu.dma_semaphore, #tpu.memory_space<semaphore_mem>>) src(%dma_wait3A_119 : memref<128xi32, #tpu.memory_space<hbm>>) dst(%arg11 : memref<128xi32, #tpu.memory_space<vmem>>)
        %dma_wait3A_120 = tpu.memref_slice %arg4[%add3A_76] : memref<6400000xi32, #tpu.memory_space<hbm>> -> memref<128xi32, #tpu.memory_space<hbm>>
        %dma_wait3A_121 = tpu.memref_slice %arg4[%add3A_76] : memref<6400000xi32, #tpu.memory_space<hbm>> -> memref<128xi32, #tpu.memory_space<hbm>>
        tpu.wait_dma2 semaphore(%arg26 : memref<!tpu.dma_semaphore, #tpu.memory_space<semaphore_mem>>) src(%dma_wait3A_121 : memref<128xi32, #tpu.memory_space<hbm>>) dst(%arg19 : memref<128xi32, #tpu.memory_space<vmem>>)
        %dma_wait3A_122 = tpu.memref_slice %arg3[%add3A_80] : memref<6400000xi32, #tpu.memory_space<hbm>> -> memref<128xi32, #tpu.memory_space<hbm>>
        %dma_wait3A_123 = tpu.memref_slice %arg3[%add3A_80] : memref<6400000xi32, #tpu.memory_space<hbm>> -> memref<128xi32, #tpu.memory_space<hbm>>
        tpu.wait_dma2 semaphore(%arg26 : memref<!tpu.dma_semaphore, #tpu.memory_space<semaphore_mem>>) src(%dma_wait3A_123 : memref<128xi32, #tpu.memory_space<hbm>>) dst(%arg12 : memref<128xi32, #tpu.memory_space<vmem>>)
        %dma_wait3A_124 = tpu.memref_slice %arg4[%add3A_84] : memref<6400000xi32, #tpu.memory_space<hbm>> -> memref<128xi32, #tpu.memory_space<hbm>>
        %dma_wait3A_125 = tpu.memref_slice %arg4[%add3A_84] : memref<6400000xi32, #tpu.memory_space<hbm>> -> memref<128xi32, #tpu.memory_space<hbm>>
        tpu.wait_dma2 semaphore(%arg26 : memref<!tpu.dma_semaphore, #tpu.memory_space<semaphore_mem>>) src(%dma_wait3A_125 : memref<128xi32, #tpu.memory_space<hbm>>) dst(%arg20 : memref<128xi32, #tpu.memory_space<vmem>>)
        %dma_wait3A_126 = tpu.memref_slice %arg3[%add3A_88] : memref<6400000xi32, #tpu.memory_space<hbm>> -> memref<128xi32, #tpu.memory_space<hbm>>
        %dma_wait3A_127 = tpu.memref_slice %arg3[%add3A_88] : memref<6400000xi32, #tpu.memory_space<hbm>> -> memref<128xi32, #tpu.memory_space<hbm>>
        tpu.wait_dma2 semaphore(%arg26 : memref<!tpu.dma_semaphore, #tpu.memory_space<semaphore_mem>>) src(%dma_wait3A_127 : memref<128xi32, #tpu.memory_space<hbm>>) dst(%arg13 : memref<128xi32, #tpu.memory_space<vmem>>)
        %dma_wait3A_128 = tpu.memref_slice %arg4[%add3A_92] : memref<6400000xi32, #tpu.memory_space<hbm>> -> memref<128xi32, #tpu.memory_space<hbm>>
        %dma_wait3A_129 = tpu.memref_slice %arg4[%add3A_92] : memref<6400000xi32, #tpu.memory_space<hbm>> -> memref<128xi32, #tpu.memory_space<hbm>>
        tpu.wait_dma2 semaphore(%arg26 : memref<!tpu.dma_semaphore, #tpu.memory_space<semaphore_mem>>) src(%dma_wait3A_129 : memref<128xi32, #tpu.memory_space<hbm>>) dst(%arg21 : memref<128xi32, #tpu.memory_space<vmem>>)
        %dma_wait3A_130 = tpu.memref_slice %arg3[%add3A_96] : memref<6400000xi32, #tpu.memory_space<hbm>> -> memref<128xi32, #tpu.memory_space<hbm>>
        %dma_wait3A_131 = tpu.memref_slice %arg3[%add3A_96] : memref<6400000xi32, #tpu.memory_space<hbm>> -> memref<128xi32, #tpu.memory_space<hbm>>
        tpu.wait_dma2 semaphore(%arg26 : memref<!tpu.dma_semaphore, #tpu.memory_space<semaphore_mem>>) src(%dma_wait3A_131 : memref<128xi32, #tpu.memory_space<hbm>>) dst(%arg14 : memref<128xi32, #tpu.memory_space<vmem>>)
        %dma_wait3A_132 = tpu.memref_slice %arg4[%add3A_100] : memref<6400000xi32, #tpu.memory_space<hbm>> -> memref<128xi32, #tpu.memory_space<hbm>>
        %dma_wait3A_133 = tpu.memref_slice %arg4[%add3A_100] : memref<6400000xi32, #tpu.memory_space<hbm>> -> memref<128xi32, #tpu.memory_space<hbm>>
        tpu.wait_dma2 semaphore(%arg26 : memref<!tpu.dma_semaphore, #tpu.memory_space<semaphore_mem>>) src(%dma_wait3A_133 : memref<128xi32, #tpu.memory_space<hbm>>) dst(%arg22 : memref<128xi32, #tpu.memory_space<vmem>>)
        %dma_start3A_134 = arith.constant 0 : i32
        %dma_start3A_135 = arith.constant 0 : i32
        %dma_start3A_136 = arith.constant 0 : i32
        %dma_start3A_137 = tpu.memref_slice %arg23[%dma_start3A_134, %dma_start3A_135, %dma_start3A_136] : memref<8x128x16xf32, #tpu.memory_space<vmem>> -> memref<1x128x16xf32, #tpu.memory_space<vmem>>
        %dma_start3A_138 = tpu.memref_squeeze %dma_start3A_137 : memref<1x128x16xf32, #tpu.memory_space<vmem>> -> memref<128x16xf32, #tpu.memory_space<vmem>>
        %dma_start3A_139 = arith.constant 0 : i32
        %dma_start3A_140 = arith.constant 0 : i32
        %dma_start3A_141 = tpu.memref_slice %arg2[%dma_start3A_139, %dma_start3A_140] : memref<100000x16xf32, #tpu.memory_space<hbm>> -> memref<100000x16xf32, #tpu.memory_space<hbm>>
        tpu.enqueue_indirect_dma source(%dma_start3A_141 : memref<100000x16xf32, #tpu.memory_space<hbm>>) target(%dma_start3A_138 : memref<128x16xf32, #tpu.memory_space<vmem>>) offsets(%arg7 : memref<128xi32, #tpu.memory_space<vmem>>) semaphore(%arg25 : memref<!tpu.dma_semaphore, #tpu.memory_space<semaphore_mem>>)
        %dma_start3A_142 = arith.constant 1 : i32
        %dma_start3A_143 = arith.constant 0 : i32
        %dma_start3A_144 = arith.constant 0 : i32
        %dma_start3A_145 = tpu.memref_slice %arg23[%dma_start3A_142, %dma_start3A_143, %dma_start3A_144] : memref<8x128x16xf32, #tpu.memory_space<vmem>> -> memref<1x128x16xf32, #tpu.memory_space<vmem>>
        %dma_start3A_146 = tpu.memref_squeeze %dma_start3A_145 : memref<1x128x16xf32, #tpu.memory_space<vmem>> -> memref<128x16xf32, #tpu.memory_space<vmem>>
        %dma_start3A_147 = arith.constant 0 : i32
        %dma_start3A_148 = arith.constant 0 : i32
        %dma_start3A_149 = tpu.memref_slice %arg2[%dma_start3A_147, %dma_start3A_148] : memref<100000x16xf32, #tpu.memory_space<hbm>> -> memref<100000x16xf32, #tpu.memory_space<hbm>>
        tpu.enqueue_indirect_dma source(%dma_start3A_149 : memref<100000x16xf32, #tpu.memory_space<hbm>>) target(%dma_start3A_146 : memref<128x16xf32, #tpu.memory_space<vmem>>) offsets(%arg8 : memref<128xi32, #tpu.memory_space<vmem>>) semaphore(%arg25 : memref<!tpu.dma_semaphore, #tpu.memory_space<semaphore_mem>>)
        %dma_start3A_150 = arith.constant 2 : i32
        %dma_start3A_151 = arith.constant 0 : i32
        %dma_start3A_152 = arith.constant 0 : i32
        %dma_start3A_153 = tpu.memref_slice %arg23[%dma_start3A_150, %dma_start3A_151, %dma_start3A_152] : memref<8x128x16xf32, #tpu.memory_space<vmem>> -> memref<1x128x16xf32, #tpu.memory_space<vmem>>
        %dma_start3A_154 = tpu.memref_squeeze %dma_start3A_153 : memref<1x128x16xf32, #tpu.memory_space<vmem>> -> memref<128x16xf32, #tpu.memory_space<vmem>>
        %dma_start3A_155 = arith.constant 0 : i32
        %dma_start3A_156 = arith.constant 0 : i32
        %dma_start3A_157 = tpu.memref_slice %arg2[%dma_start3A_155, %dma_start3A_156] : memref<100000x16xf32, #tpu.memory_space<hbm>> -> memref<100000x16xf32, #tpu.memory_space<hbm>>
        tpu.enqueue_indirect_dma source(%dma_start3A_157 : memref<100000x16xf32, #tpu.memory_space<hbm>>) target(%dma_start3A_154 : memref<128x16xf32, #tpu.memory_space<vmem>>) offsets(%arg9 : memref<128xi32, #tpu.memory_space<vmem>>) semaphore(%arg25 : memref<!tpu.dma_semaphore, #tpu.memory_space<semaphore_mem>>)
        %dma_start3A_158 = arith.constant 3 : i32
        %dma_start3A_159 = arith.constant 0 : i32
        %dma_start3A_160 = arith.constant 0 : i32
        %dma_start3A_161 = tpu.memref_slice %arg23[%dma_start3A_158, %dma_start3A_159, %dma_start3A_160] : memref<8x128x16xf32, #tpu.memory_space<vmem>> -> memref<1x128x16xf32, #tpu.memory_space<vmem>>
        %dma_start3A_162 = tpu.memref_squeeze %dma_start3A_161 : memref<1x128x16xf32, #tpu.memory_space<vmem>> -> memref<128x16xf32, #tpu.memory_space<vmem>>
        %dma_start3A_163 = arith.constant 0 : i32
        %dma_start3A_164 = arith.constant 0 : i32
        %dma_start3A_165 = tpu.memref_slice %arg2[%dma_start3A_163, %dma_start3A_164] : memref<100000x16xf32, #tpu.memory_space<hbm>> -> memref<100000x16xf32, #tpu.memory_space<hbm>>
        tpu.enqueue_indirect_dma source(%dma_start3A_165 : memref<100000x16xf32, #tpu.memory_space<hbm>>) target(%dma_start3A_162 : memref<128x16xf32, #tpu.memory_space<vmem>>) offsets(%arg10 : memref<128xi32, #tpu.memory_space<vmem>>) semaphore(%arg25 : memref<!tpu.dma_semaphore, #tpu.memory_space<semaphore_mem>>)
        %dma_start3A_166 = arith.constant 4 : i32
        %dma_start3A_167 = arith.constant 0 : i32
        %dma_start3A_168 = arith.constant 0 : i32
        %dma_start3A_169 = tpu.memref_slice %arg23[%dma_start3A_166, %dma_start3A_167, %dma_start3A_168] : memref<8x128x16xf32, #tpu.memory_space<vmem>> -> memref<1x128x16xf32, #tpu.memory_space<vmem>>
        %dma_start3A_170 = tpu.memref_squeeze %dma_start3A_169 : memref<1x128x16xf32, #tpu.memory_space<vmem>> -> memref<128x16xf32, #tpu.memory_space<vmem>>
        %dma_start3A_171 = arith.constant 0 : i32
        %dma_start3A_172 = arith.constant 0 : i32
        %dma_start3A_173 = tpu.memref_slice %arg2[%dma_start3A_171, %dma_start3A_172] : memref<100000x16xf32, #tpu.memory_space<hbm>> -> memref<100000x16xf32, #tpu.memory_space<hbm>>
        tpu.enqueue_indirect_dma source(%dma_start3A_173 : memref<100000x16xf32, #tpu.memory_space<hbm>>) target(%dma_start3A_170 : memref<128x16xf32, #tpu.memory_space<vmem>>) offsets(%arg11 : memref<128xi32, #tpu.memory_space<vmem>>) semaphore(%arg25 : memref<!tpu.dma_semaphore, #tpu.memory_space<semaphore_mem>>)
        %dma_start3A_174 = arith.constant 5 : i32
        %dma_start3A_175 = arith.constant 0 : i32
        %dma_start3A_176 = arith.constant 0 : i32
        %dma_start3A_177 = tpu.memref_slice %arg23[%dma_start3A_174, %dma_start3A_175, %dma_start3A_176] : memref<8x128x16xf32, #tpu.memory_space<vmem>> -> memref<1x128x16xf32, #tpu.memory_space<vmem>>
        %dma_start3A_178 = tpu.memref_squeeze %dma_start3A_177 : memref<1x128x16xf32, #tpu.memory_space<vmem>> -> memref<128x16xf32, #tpu.memory_space<vmem>>
        %dma_start3A_179 = arith.constant 0 : i32
        %dma_start3A_180 = arith.constant 0 : i32
        %dma_start3A_181 = tpu.memref_slice %arg2[%dma_start3A_179, %dma_start3A_180] : memref<100000x16xf32, #tpu.memory_space<hbm>> -> memref<100000x16xf32, #tpu.memory_space<hbm>>
        tpu.enqueue_indirect_dma source(%dma_start3A_181 : memref<100000x16xf32, #tpu.memory_space<hbm>>) target(%dma_start3A_178 : memref<128x16xf32, #tpu.memory_space<vmem>>) offsets(%arg12 : memref<128xi32, #tpu.memory_space<vmem>>) semaphore(%arg25 : memref<!tpu.dma_semaphore, #tpu.memory_space<semaphore_mem>>)
        %dma_start3A_182 = arith.constant 6 : i32
        %dma_start3A_183 = arith.constant 0 : i32
        %dma_start3A_184 = arith.constant 0 : i32
        %dma_start3A_185 = tpu.memref_slice %arg23[%dma_start3A_182, %dma_start3A_183, %dma_start3A_184] : memref<8x128x16xf32, #tpu.memory_space<vmem>> -> memref<1x128x16xf32, #tpu.memory_space<vmem>>
        %dma_start3A_186 = tpu.memref_squeeze %dma_start3A_185 : memref<1x128x16xf32, #tpu.memory_space<vmem>> -> memref<128x16xf32, #tpu.memory_space<vmem>>
        %dma_start3A_187 = arith.constant 0 : i32
        %dma_start3A_188 = arith.constant 0 : i32
        %dma_start3A_189 = tpu.memref_slice %arg2[%dma_start3A_187, %dma_start3A_188] : memref<100000x16xf32, #tpu.memory_space<hbm>> -> memref<100000x16xf32, #tpu.memory_space<hbm>>
        tpu.enqueue_indirect_dma source(%dma_start3A_189 : memref<100000x16xf32, #tpu.memory_space<hbm>>) target(%dma_start3A_186 : memref<128x16xf32, #tpu.memory_space<vmem>>) offsets(%arg13 : memref<128xi32, #tpu.memory_space<vmem>>) semaphore(%arg25 : memref<!tpu.dma_semaphore, #tpu.memory_space<semaphore_mem>>)
        %dma_start3A_190 = arith.constant 7 : i32
        %dma_start3A_191 = arith.constant 0 : i32
        %dma_start3A_192 = arith.constant 0 : i32
        %dma_start3A_193 = tpu.memref_slice %arg23[%dma_start3A_190, %dma_start3A_191, %dma_start3A_192] : memref<8x128x16xf32, #tpu.memory_space<vmem>> -> memref<1x128x16xf32, #tpu.memory_space<vmem>>
        %dma_start3A_194 = tpu.memref_squeeze %dma_start3A_193 : memref<1x128x16xf32, #tpu.memory_space<vmem>> -> memref<128x16xf32, #tpu.memory_space<vmem>>
        %dma_start3A_195 = arith.constant 0 : i32
        %dma_start3A_196 = arith.constant 0 : i32
        %dma_start3A_197 = tpu.memref_slice %arg2[%dma_start3A_195, %dma_start3A_196] : memref<100000x16xf32, #tpu.memory_space<hbm>> -> memref<100000x16xf32, #tpu.memory_space<hbm>>
        tpu.enqueue_indirect_dma source(%dma_start3A_197 : memref<100000x16xf32, #tpu.memory_space<hbm>>) target(%dma_start3A_194 : memref<128x16xf32, #tpu.memory_space<vmem>>) offsets(%arg14 : memref<128xi32, #tpu.memory_space<vmem>>) semaphore(%arg25 : memref<!tpu.dma_semaphore, #tpu.memory_space<semaphore_mem>>)
        %dma_wait3A_198 = arith.constant 0 : i32
        %dma_wait3A_199 = arith.constant 0 : i32
        %dma_wait3A_200 = arith.constant 0 : i32
        %dma_wait3A_201 = tpu.memref_slice %arg23[%dma_wait3A_198, %dma_wait3A_199, %dma_wait3A_200] : memref<8x128x16xf32, #tpu.memory_space<vmem>> -> memref<1x128x16xf32, #tpu.memory_space<vmem>>
        %dma_wait3A_202 = tpu.memref_squeeze %dma_wait3A_201 : memref<1x128x16xf32, #tpu.memory_space<vmem>> -> memref<128x16xf32, #tpu.memory_space<vmem>>
        %dma_wait3A_203 = arith.constant 0 : i32
        %dma_wait3A_204 = arith.constant 0 : i32
        %dma_wait3A_205 = tpu.memref_slice %arg2[%dma_wait3A_203, %dma_wait3A_204] : memref<100000x16xf32, #tpu.memory_space<hbm>> -> memref<100000x16xf32, #tpu.memory_space<hbm>>
        tpu.wait_indirect_dma semaphore(%arg25 : memref<!tpu.dma_semaphore, #tpu.memory_space<semaphore_mem>>) src(%dma_wait3A_205 : memref<100000x16xf32, #tpu.memory_space<hbm>>) dst(%dma_wait3A_202 : memref<128x16xf32, #tpu.memory_space<vmem>>)
        %dma_wait3A_206 = arith.constant 1 : i32
        %dma_wait3A_207 = arith.constant 0 : i32
        %dma_wait3A_208 = arith.constant 0 : i32
        %dma_wait3A_209 = tpu.memref_slice %arg23[%dma_wait3A_206, %dma_wait3A_207, %dma_wait3A_208] : memref<8x128x16xf32, #tpu.memory_space<vmem>> -> memref<1x128x16xf32, #tpu.memory_space<vmem>>
        %dma_wait3A_210 = tpu.memref_squeeze %dma_wait3A_209 : memref<1x128x16xf32, #tpu.memory_space<vmem>> -> memref<128x16xf32, #tpu.memory_space<vmem>>
        %dma_wait3A_211 = arith.constant 0 : i32
        %dma_wait3A_212 = arith.constant 0 : i32
        %dma_wait3A_213 = tpu.memref_slice %arg2[%dma_wait3A_211, %dma_wait3A_212] : memref<100000x16xf32, #tpu.memory_space<hbm>> -> memref<100000x16xf32, #tpu.memory_space<hbm>>
        tpu.wait_indirect_dma semaphore(%arg25 : memref<!tpu.dma_semaphore, #tpu.memory_space<semaphore_mem>>) src(%dma_wait3A_213 : memref<100000x16xf32, #tpu.memory_space<hbm>>) dst(%dma_wait3A_210 : memref<128x16xf32, #tpu.memory_space<vmem>>)
        %dma_wait3A_214 = arith.constant 2 : i32
        %dma_wait3A_215 = arith.constant 0 : i32
        %dma_wait3A_216 = arith.constant 0 : i32
        %dma_wait3A_217 = tpu.memref_slice %arg23[%dma_wait3A_214, %dma_wait3A_215, %dma_wait3A_216] : memref<8x128x16xf32, #tpu.memory_space<vmem>> -> memref<1x128x16xf32, #tpu.memory_space<vmem>>
        %dma_wait3A_218 = tpu.memref_squeeze %dma_wait3A_217 : memref<1x128x16xf32, #tpu.memory_space<vmem>> -> memref<128x16xf32, #tpu.memory_space<vmem>>
        %dma_wait3A_219 = arith.constant 0 : i32
        %dma_wait3A_220 = arith.constant 0 : i32
        %dma_wait3A_221 = tpu.memref_slice %arg2[%dma_wait3A_219, %dma_wait3A_220] : memref<100000x16xf32, #tpu.memory_space<hbm>> -> memref<100000x16xf32, #tpu.memory_space<hbm>>
        tpu.wait_indirect_dma semaphore(%arg25 : memref<!tpu.dma_semaphore, #tpu.memory_space<semaphore_mem>>) src(%dma_wait3A_221 : memref<100000x16xf32, #tpu.memory_space<hbm>>) dst(%dma_wait3A_218 : memref<128x16xf32, #tpu.memory_space<vmem>>)
        %dma_wait3A_222 = arith.constant 3 : i32
        %dma_wait3A_223 = arith.constant 0 : i32
        %dma_wait3A_224 = arith.constant 0 : i32
        %dma_wait3A_225 = tpu.memref_slice %arg23[%dma_wait3A_222, %dma_wait3A_223, %dma_wait3A_224] : memref<8x128x16xf32, #tpu.memory_space<vmem>> -> memref<1x128x16xf32, #tpu.memory_space<vmem>>
        %dma_wait3A_226 = tpu.memref_squeeze %dma_wait3A_225 : memref<1x128x16xf32, #tpu.memory_space<vmem>> -> memref<128x16xf32, #tpu.memory_space<vmem>>
        %dma_wait3A_227 = arith.constant 0 : i32
        %dma_wait3A_228 = arith.constant 0 : i32
        %dma_wait3A_229 = tpu.memref_slice %arg2[%dma_wait3A_227, %dma_wait3A_228] : memref<100000x16xf32, #tpu.memory_space<hbm>> -> memref<100000x16xf32, #tpu.memory_space<hbm>>
        tpu.wait_indirect_dma semaphore(%arg25 : memref<!tpu.dma_semaphore, #tpu.memory_space<semaphore_mem>>) src(%dma_wait3A_229 : memref<100000x16xf32, #tpu.memory_space<hbm>>) dst(%dma_wait3A_226 : memref<128x16xf32, #tpu.memory_space<vmem>>)
        %dma_wait3A_230 = arith.constant 4 : i32
        %dma_wait3A_231 = arith.constant 0 : i32
        %dma_wait3A_232 = arith.constant 0 : i32
        %dma_wait3A_233 = tpu.memref_slice %arg23[%dma_wait3A_230, %dma_wait3A_231, %dma_wait3A_232] : memref<8x128x16xf32, #tpu.memory_space<vmem>> -> memref<1x128x16xf32, #tpu.memory_space<vmem>>
        %dma_wait3A_234 = tpu.memref_squeeze %dma_wait3A_233 : memref<1x128x16xf32, #tpu.memory_space<vmem>> -> memref<128x16xf32, #tpu.memory_space<vmem>>
        %dma_wait3A_235 = arith.constant 0 : i32
        %dma_wait3A_236 = arith.constant 0 : i32
        %dma_wait3A_237 = tpu.memref_slice %arg2[%dma_wait3A_235, %dma_wait3A_236] : memref<100000x16xf32, #tpu.memory_space<hbm>> -> memref<100000x16xf32, #tpu.memory_space<hbm>>
        tpu.wait_indirect_dma semaphore(%arg25 : memref<!tpu.dma_semaphore, #tpu.memory_space<semaphore_mem>>) src(%dma_wait3A_237 : memref<100000x16xf32, #tpu.memory_space<hbm>>) dst(%dma_wait3A_234 : memref<128x16xf32, #tpu.memory_space<vmem>>)
        %dma_wait3A_238 = arith.constant 5 : i32
        %dma_wait3A_239 = arith.constant 0 : i32
        %dma_wait3A_240 = arith.constant 0 : i32
        %dma_wait3A_241 = tpu.memref_slice %arg23[%dma_wait3A_238, %dma_wait3A_239, %dma_wait3A_240] : memref<8x128x16xf32, #tpu.memory_space<vmem>> -> memref<1x128x16xf32, #tpu.memory_space<vmem>>
        %dma_wait3A_242 = tpu.memref_squeeze %dma_wait3A_241 : memref<1x128x16xf32, #tpu.memory_space<vmem>> -> memref<128x16xf32, #tpu.memory_space<vmem>>
        %dma_wait3A_243 = arith.constant 0 : i32
        %dma_wait3A_244 = arith.constant 0 : i32
        %dma_wait3A_245 = tpu.memref_slice %arg2[%dma_wait3A_243, %dma_wait3A_244] : memref<100000x16xf32, #tpu.memory_space<hbm>> -> memref<100000x16xf32, #tpu.memory_space<hbm>>
        tpu.wait_indirect_dma semaphore(%arg25 : memref<!tpu.dma_semaphore, #tpu.memory_space<semaphore_mem>>) src(%dma_wait3A_245 : memref<100000x16xf32, #tpu.memory_space<hbm>>) dst(%dma_wait3A_242 : memref<128x16xf32, #tpu.memory_space<vmem>>)
        %dma_wait3A_246 = arith.constant 6 : i32
        %dma_wait3A_247 = arith.constant 0 : i32
        %dma_wait3A_248 = arith.constant 0 : i32
        %dma_wait3A_249 = tpu.memref_slice %arg23[%dma_wait3A_246, %dma_wait3A_247, %dma_wait3A_248] : memref<8x128x16xf32, #tpu.memory_space<vmem>> -> memref<1x128x16xf32, #tpu.memory_space<vmem>>
        %dma_wait3A_250 = tpu.memref_squeeze %dma_wait3A_249 : memref<1x128x16xf32, #tpu.memory_space<vmem>> -> memref<128x16xf32, #tpu.memory_space<vmem>>
        %dma_wait3A_251 = arith.constant 0 : i32
        %dma_wait3A_252 = arith.constant 0 : i32
        %dma_wait3A_253 = tpu.memref_slice %arg2[%dma_wait3A_251, %dma_wait3A_252] : memref<100000x16xf32, #tpu.memory_space<hbm>> -> memref<100000x16xf32, #tpu.memory_space<hbm>>
        tpu.wait_indirect_dma semaphore(%arg25 : memref<!tpu.dma_semaphore, #tpu.memory_space<semaphore_mem>>) src(%dma_wait3A_253 : memref<100000x16xf32, #tpu.memory_space<hbm>>) dst(%dma_wait3A_250 : memref<128x16xf32, #tpu.memory_space<vmem>>)
        %dma_wait3A_254 = arith.constant 7 : i32
        %dma_wait3A_255 = arith.constant 0 : i32
        %dma_wait3A_256 = arith.constant 0 : i32
        %dma_wait3A_257 = tpu.memref_slice %arg23[%dma_wait3A_254, %dma_wait3A_255, %dma_wait3A_256] : memref<8x128x16xf32, #tpu.memory_space<vmem>> -> memref<1x128x16xf32, #tpu.memory_space<vmem>>
        %dma_wait3A_258 = tpu.memref_squeeze %dma_wait3A_257 : memref<1x128x16xf32, #tpu.memory_space<vmem>> -> memref<128x16xf32, #tpu.memory_space<vmem>>
        %dma_wait3A_259 = arith.constant 0 : i32
        %dma_wait3A_260 = arith.constant 0 : i32
        %dma_wait3A_261 = tpu.memref_slice %arg2[%dma_wait3A_259, %dma_wait3A_260] : memref<100000x16xf32, #tpu.memory_space<hbm>> -> memref<100000x16xf32, #tpu.memory_space<hbm>>
        tpu.wait_indirect_dma semaphore(%arg25 : memref<!tpu.dma_semaphore, #tpu.memory_space<semaphore_mem>>) src(%dma_wait3A_261 : memref<100000x16xf32, #tpu.memory_space<hbm>>) dst(%dma_wait3A_258 : memref<128x16xf32, #tpu.memory_space<vmem>>)
        %run_scoped3A = arith.constant 0 : i32
        "tpu.region"() ({
          %run_scoped3A_269 = tpu.sem_alloc : memref<!tpu.dma_semaphore, #tpu.memory_space<semaphore_mem>>
          %dma_start3A_270 = arith.constant 0 : i32
          %dma_start3A_271 = arith.constant 0 : i32
          %dma_start3A_272 = tpu.memref_slice %arg23[%run_scoped3A, %dma_start3A_270, %dma_start3A_271] : memref<8x128x16xf32, #tpu.memory_space<vmem>> -> memref<1x128x16xf32, #tpu.memory_space<vmem>>
          %dma_start3A_273 = tpu.memref_squeeze %dma_start3A_272 : memref<1x128x16xf32, #tpu.memory_space<vmem>> -> memref<128x16xf32, #tpu.memory_space<vmem>>
          %dma_start3A_274 = arith.constant 0 : i32
          %dma_start3A_275 = arith.constant 0 : i32
          %dma_start3A_276 = tpu.memref_slice %arg24[%dma_start3A_274, %dma_start3A_275] : memref<100000x16xf32, #tpu.memory_space<vmem_shared>> -> memref<100000x16xf32, #tpu.memory_space<vmem_shared>>
          tpu.enqueue_indirect_dma source(%dma_start3A_273 : memref<128x16xf32, #tpu.memory_space<vmem>>) target(%dma_start3A_276 : memref<100000x16xf32, #tpu.memory_space<vmem_shared>>) offsets(%arg15 : memref<128xi32, #tpu.memory_space<vmem>>) semaphore(%run_scoped3A_269 : memref<!tpu.dma_semaphore, #tpu.memory_space<semaphore_mem>>) {add = true}
          %dma_wait3A_277 = arith.constant 0 : i32
          %dma_wait3A_278 = arith.constant 0 : i32
          %dma_wait3A_279 = tpu.memref_slice %arg23[%run_scoped3A, %dma_wait3A_277, %dma_wait3A_278] : memref<8x128x16xf32, #tpu.memory_space<vmem>> -> memref<1x128x16xf32, #tpu.memory_space<vmem>>
          %dma_wait3A_280 = tpu.memref_squeeze %dma_wait3A_279 : memref<1x128x16xf32, #tpu.memory_space<vmem>> -> memref<128x16xf32, #tpu.memory_space<vmem>>
          %dma_wait3A_281 = arith.constant 0 : i32
          %dma_wait3A_282 = arith.constant 0 : i32
          %dma_wait3A_283 = tpu.memref_slice %arg24[%dma_wait3A_281, %dma_wait3A_282] : memref<100000x16xf32, #tpu.memory_space<vmem_shared>> -> memref<100000x16xf32, #tpu.memory_space<vmem_shared>>
          tpu.wait_indirect_dma semaphore(%run_scoped3A_269 : memref<!tpu.dma_semaphore, #tpu.memory_space<semaphore_mem>>) src(%dma_wait3A_280 : memref<128x16xf32, #tpu.memory_space<vmem>>) dst(%dma_wait3A_283 : memref<100000x16xf32, #tpu.memory_space<vmem_shared>>)
          tpu.yield
        }) : () -> ()
        %run_scoped3A_262 = arith.constant 1 : i32
        "tpu.region"() ({
          %run_scoped3A_269 = tpu.sem_alloc : memref<!tpu.dma_semaphore, #tpu.memory_space<semaphore_mem>>
          %dma_start3A_270 = arith.constant 0 : i32
          %dma_start3A_271 = arith.constant 0 : i32
          %dma_start3A_272 = tpu.memref_slice %arg23[%run_scoped3A_262, %dma_start3A_270, %dma_start3A_271] : memref<8x128x16xf32, #tpu.memory_space<vmem>> -> memref<1x128x16xf32, #tpu.memory_space<vmem>>
          %dma_start3A_273 = tpu.memref_squeeze %dma_start3A_272 : memref<1x128x16xf32, #tpu.memory_space<vmem>> -> memref<128x16xf32, #tpu.memory_space<vmem>>
          %dma_start3A_274 = arith.constant 0 : i32
          %dma_start3A_275 = arith.constant 0 : i32
          %dma_start3A_276 = tpu.memref_slice %arg24[%dma_start3A_274, %dma_start3A_275] : memref<100000x16xf32, #tpu.memory_space<vmem_shared>> -> memref<100000x16xf32, #tpu.memory_space<vmem_shared>>
          tpu.enqueue_indirect_dma source(%dma_start3A_273 : memref<128x16xf32, #tpu.memory_space<vmem>>) target(%dma_start3A_276 : memref<100000x16xf32, #tpu.memory_space<vmem_shared>>) offsets(%arg16 : memref<128xi32, #tpu.memory_space<vmem>>) semaphore(%run_scoped3A_269 : memref<!tpu.dma_semaphore, #tpu.memory_space<semaphore_mem>>) {add = true}
          %dma_wait3A_277 = arith.constant 0 : i32
          %dma_wait3A_278 = arith.constant 0 : i32
          %dma_wait3A_279 = tpu.memref_slice %arg23[%run_scoped3A_262, %dma_wait3A_277, %dma_wait3A_278] : memref<8x128x16xf32, #tpu.memory_space<vmem>> -> memref<1x128x16xf32, #tpu.memory_space<vmem>>
          %dma_wait3A_280 = tpu.memref_squeeze %dma_wait3A_279 : memref<1x128x16xf32, #tpu.memory_space<vmem>> -> memref<128x16xf32, #tpu.memory_space<vmem>>
          %dma_wait3A_281 = arith.constant 0 : i32
          %dma_wait3A_282 = arith.constant 0 : i32
          %dma_wait3A_283 = tpu.memref_slice %arg24[%dma_wait3A_281, %dma_wait3A_282] : memref<100000x16xf32, #tpu.memory_space<vmem_shared>> -> memref<100000x16xf32, #tpu.memory_space<vmem_shared>>
          tpu.wait_indirect_dma semaphore(%run_scoped3A_269 : memref<!tpu.dma_semaphore, #tpu.memory_space<semaphore_mem>>) src(%dma_wait3A_280 : memref<128x16xf32, #tpu.memory_space<vmem>>) dst(%dma_wait3A_283 : memref<100000x16xf32, #tpu.memory_space<vmem_shared>>)
          tpu.yield
        }) : () -> ()
        %run_scoped3A_263 = arith.constant 2 : i32
        "tpu.region"() ({
          %run_scoped3A_269 = tpu.sem_alloc : memref<!tpu.dma_semaphore, #tpu.memory_space<semaphore_mem>>
          %dma_start3A_270 = arith.constant 0 : i32
          %dma_start3A_271 = arith.constant 0 : i32
          %dma_start3A_272 = tpu.memref_slice %arg23[%run_scoped3A_263, %dma_start3A_270, %dma_start3A_271] : memref<8x128x16xf32, #tpu.memory_space<vmem>> -> memref<1x128x16xf32, #tpu.memory_space<vmem>>
          %dma_start3A_273 = tpu.memref_squeeze %dma_start3A_272 : memref<1x128x16xf32, #tpu.memory_space<vmem>> -> memref<128x16xf32, #tpu.memory_space<vmem>>
          %dma_start3A_274 = arith.constant 0 : i32
          %dma_start3A_275 = arith.constant 0 : i32
          %dma_start3A_276 = tpu.memref_slice %arg24[%dma_start3A_274, %dma_start3A_275] : memref<100000x16xf32, #tpu.memory_space<vmem_shared>> -> memref<100000x16xf32, #tpu.memory_space<vmem_shared>>
          tpu.enqueue_indirect_dma source(%dma_start3A_273 : memref<128x16xf32, #tpu.memory_space<vmem>>) target(%dma_start3A_276 : memref<100000x16xf32, #tpu.memory_space<vmem_shared>>) offsets(%arg17 : memref<128xi32, #tpu.memory_space<vmem>>) semaphore(%run_scoped3A_269 : memref<!tpu.dma_semaphore, #tpu.memory_space<semaphore_mem>>) {add = true}
          %dma_wait3A_277 = arith.constant 0 : i32
          %dma_wait3A_278 = arith.constant 0 : i32
          %dma_wait3A_279 = tpu.memref_slice %arg23[%run_scoped3A_263, %dma_wait3A_277, %dma_wait3A_278] : memref<8x128x16xf32, #tpu.memory_space<vmem>> -> memref<1x128x16xf32, #tpu.memory_space<vmem>>
          %dma_wait3A_280 = tpu.memref_squeeze %dma_wait3A_279 : memref<1x128x16xf32, #tpu.memory_space<vmem>> -> memref<128x16xf32, #tpu.memory_space<vmem>>
          %dma_wait3A_281 = arith.constant 0 : i32
          %dma_wait3A_282 = arith.constant 0 : i32
          %dma_wait3A_283 = tpu.memref_slice %arg24[%dma_wait3A_281, %dma_wait3A_282] : memref<100000x16xf32, #tpu.memory_space<vmem_shared>> -> memref<100000x16xf32, #tpu.memory_space<vmem_shared>>
          tpu.wait_indirect_dma semaphore(%run_scoped3A_269 : memref<!tpu.dma_semaphore, #tpu.memory_space<semaphore_mem>>) src(%dma_wait3A_280 : memref<128x16xf32, #tpu.memory_space<vmem>>) dst(%dma_wait3A_283 : memref<100000x16xf32, #tpu.memory_space<vmem_shared>>)
          tpu.yield
        }) : () -> ()
        %run_scoped3A_264 = arith.constant 3 : i32
        "tpu.region"() ({
          %run_scoped3A_269 = tpu.sem_alloc : memref<!tpu.dma_semaphore, #tpu.memory_space<semaphore_mem>>
          %dma_start3A_270 = arith.constant 0 : i32
          %dma_start3A_271 = arith.constant 0 : i32
          %dma_start3A_272 = tpu.memref_slice %arg23[%run_scoped3A_264, %dma_start3A_270, %dma_start3A_271] : memref<8x128x16xf32, #tpu.memory_space<vmem>> -> memref<1x128x16xf32, #tpu.memory_space<vmem>>
          %dma_start3A_273 = tpu.memref_squeeze %dma_start3A_272 : memref<1x128x16xf32, #tpu.memory_space<vmem>> -> memref<128x16xf32, #tpu.memory_space<vmem>>
          %dma_start3A_274 = arith.constant 0 : i32
          %dma_start3A_275 = arith.constant 0 : i32
          %dma_start3A_276 = tpu.memref_slice %arg24[%dma_start3A_274, %dma_start3A_275] : memref<100000x16xf32, #tpu.memory_space<vmem_shared>> -> memref<100000x16xf32, #tpu.memory_space<vmem_shared>>
          tpu.enqueue_indirect_dma source(%dma_start3A_273 : memref<128x16xf32, #tpu.memory_space<vmem>>) target(%dma_start3A_276 : memref<100000x16xf32, #tpu.memory_space<vmem_shared>>) offsets(%arg18 : memref<128xi32, #tpu.memory_space<vmem>>) semaphore(%run_scoped3A_269 : memref<!tpu.dma_semaphore, #tpu.memory_space<semaphore_mem>>) {add = true}
          %dma_wait3A_277 = arith.constant 0 : i32
          %dma_wait3A_278 = arith.constant 0 : i32
          %dma_wait3A_279 = tpu.memref_slice %arg23[%run_scoped3A_264, %dma_wait3A_277, %dma_wait3A_278] : memref<8x128x16xf32, #tpu.memory_space<vmem>> -> memref<1x128x16xf32, #tpu.memory_space<vmem>>
          %dma_wait3A_280 = tpu.memref_squeeze %dma_wait3A_279 : memref<1x128x16xf32, #tpu.memory_space<vmem>> -> memref<128x16xf32, #tpu.memory_space<vmem>>
          %dma_wait3A_281 = arith.constant 0 : i32
          %dma_wait3A_282 = arith.constant 0 : i32
          %dma_wait3A_283 = tpu.memref_slice %arg24[%dma_wait3A_281, %dma_wait3A_282] : memref<100000x16xf32, #tpu.memory_space<vmem_shared>> -> memref<100000x16xf32, #tpu.memory_space<vmem_shared>>
          tpu.wait_indirect_dma semaphore(%run_scoped3A_269 : memref<!tpu.dma_semaphore, #tpu.memory_space<semaphore_mem>>) src(%dma_wait3A_280 : memref<128x16xf32, #tpu.memory_space<vmem>>) dst(%dma_wait3A_283 : memref<100000x16xf32, #tpu.memory_space<vmem_shared>>)
          tpu.yield
        }) : () -> ()
        %run_scoped3A_265 = arith.constant 4 : i32
        "tpu.region"() ({
          %run_scoped3A_269 = tpu.sem_alloc : memref<!tpu.dma_semaphore, #tpu.memory_space<semaphore_mem>>
          %dma_start3A_270 = arith.constant 0 : i32
          %dma_start3A_271 = arith.constant 0 : i32
          %dma_start3A_272 = tpu.memref_slice %arg23[%run_scoped3A_265, %dma_start3A_270, %dma_start3A_271] : memref<8x128x16xf32, #tpu.memory_space<vmem>> -> memref<1x128x16xf32, #tpu.memory_space<vmem>>
          %dma_start3A_273 = tpu.memref_squeeze %dma_start3A_272 : memref<1x128x16xf32, #tpu.memory_space<vmem>> -> memref<128x16xf32, #tpu.memory_space<vmem>>
          %dma_start3A_274 = arith.constant 0 : i32
          %dma_start3A_275 = arith.constant 0 : i32
          %dma_start3A_276 = tpu.memref_slice %arg24[%dma_start3A_274, %dma_start3A_275] : memref<100000x16xf32, #tpu.memory_space<vmem_shared>> -> memref<100000x16xf32, #tpu.memory_space<vmem_shared>>
          tpu.enqueue_indirect_dma source(%dma_start3A_273 : memref<128x16xf32, #tpu.memory_space<vmem>>) target(%dma_start3A_276 : memref<100000x16xf32, #tpu.memory_space<vmem_shared>>) offsets(%arg19 : memref<128xi32, #tpu.memory_space<vmem>>) semaphore(%run_scoped3A_269 : memref<!tpu.dma_semaphore, #tpu.memory_space<semaphore_mem>>) {add = true}
          %dma_wait3A_277 = arith.constant 0 : i32
          %dma_wait3A_278 = arith.constant 0 : i32
          %dma_wait3A_279 = tpu.memref_slice %arg23[%run_scoped3A_265, %dma_wait3A_277, %dma_wait3A_278] : memref<8x128x16xf32, #tpu.memory_space<vmem>> -> memref<1x128x16xf32, #tpu.memory_space<vmem>>
          %dma_wait3A_280 = tpu.memref_squeeze %dma_wait3A_279 : memref<1x128x16xf32, #tpu.memory_space<vmem>> -> memref<128x16xf32, #tpu.memory_space<vmem>>
          %dma_wait3A_281 = arith.constant 0 : i32
          %dma_wait3A_282 = arith.constant 0 : i32
          %dma_wait3A_283 = tpu.memref_slice %arg24[%dma_wait3A_281, %dma_wait3A_282] : memref<100000x16xf32, #tpu.memory_space<vmem_shared>> -> memref<100000x16xf32, #tpu.memory_space<vmem_shared>>
          tpu.wait_indirect_dma semaphore(%run_scoped3A_269 : memref<!tpu.dma_semaphore, #tpu.memory_space<semaphore_mem>>) src(%dma_wait3A_280 : memref<128x16xf32, #tpu.memory_space<vmem>>) dst(%dma_wait3A_283 : memref<100000x16xf32, #tpu.memory_space<vmem_shared>>)
          tpu.yield
        }) : () -> ()
        %run_scoped3A_266 = arith.constant 5 : i32
        "tpu.region"() ({
          %run_scoped3A_269 = tpu.sem_alloc : memref<!tpu.dma_semaphore, #tpu.memory_space<semaphore_mem>>
          %dma_start3A_270 = arith.constant 0 : i32
          %dma_start3A_271 = arith.constant 0 : i32
          %dma_start3A_272 = tpu.memref_slice %arg23[%run_scoped3A_266, %dma_start3A_270, %dma_start3A_271] : memref<8x128x16xf32, #tpu.memory_space<vmem>> -> memref<1x128x16xf32, #tpu.memory_space<vmem>>
          %dma_start3A_273 = tpu.memref_squeeze %dma_start3A_272 : memref<1x128x16xf32, #tpu.memory_space<vmem>> -> memref<128x16xf32, #tpu.memory_space<vmem>>
          %dma_start3A_274 = arith.constant 0 : i32
          %dma_start3A_275 = arith.constant 0 : i32
          %dma_start3A_276 = tpu.memref_slice %arg24[%dma_start3A_274, %dma_start3A_275] : memref<100000x16xf32, #tpu.memory_space<vmem_shared>> -> memref<100000x16xf32, #tpu.memory_space<vmem_shared>>
          tpu.enqueue_indirect_dma source(%dma_start3A_273 : memref<128x16xf32, #tpu.memory_space<vmem>>) target(%dma_start3A_276 : memref<100000x16xf32, #tpu.memory_space<vmem_shared>>) offsets(%arg20 : memref<128xi32, #tpu.memory_space<vmem>>) semaphore(%run_scoped3A_269 : memref<!tpu.dma_semaphore, #tpu.memory_space<semaphore_mem>>) {add = true}
          %dma_wait3A_277 = arith.constant 0 : i32
          %dma_wait3A_278 = arith.constant 0 : i32
          %dma_wait3A_279 = tpu.memref_slice %arg23[%run_scoped3A_266, %dma_wait3A_277, %dma_wait3A_278] : memref<8x128x16xf32, #tpu.memory_space<vmem>> -> memref<1x128x16xf32, #tpu.memory_space<vmem>>
          %dma_wait3A_280 = tpu.memref_squeeze %dma_wait3A_279 : memref<1x128x16xf32, #tpu.memory_space<vmem>> -> memref<128x16xf32, #tpu.memory_space<vmem>>
          %dma_wait3A_281 = arith.constant 0 : i32
          %dma_wait3A_282 = arith.constant 0 : i32
          %dma_wait3A_283 = tpu.memref_slice %arg24[%dma_wait3A_281, %dma_wait3A_282] : memref<100000x16xf32, #tpu.memory_space<vmem_shared>> -> memref<100000x16xf32, #tpu.memory_space<vmem_shared>>
          tpu.wait_indirect_dma semaphore(%run_scoped3A_269 : memref<!tpu.dma_semaphore, #tpu.memory_space<semaphore_mem>>) src(%dma_wait3A_280 : memref<128x16xf32, #tpu.memory_space<vmem>>) dst(%dma_wait3A_283 : memref<100000x16xf32, #tpu.memory_space<vmem_shared>>)
          tpu.yield
        }) : () -> ()
        %run_scoped3A_267 = arith.constant 6 : i32
        "tpu.region"() ({
          %run_scoped3A_269 = tpu.sem_alloc : memref<!tpu.dma_semaphore, #tpu.memory_space<semaphore_mem>>
          %dma_start3A_270 = arith.constant 0 : i32
          %dma_start3A_271 = arith.constant 0 : i32
          %dma_start3A_272 = tpu.memref_slice %arg23[%run_scoped3A_267, %dma_start3A_270, %dma_start3A_271] : memref<8x128x16xf32, #tpu.memory_space<vmem>> -> memref<1x128x16xf32, #tpu.memory_space<vmem>>
          %dma_start3A_273 = tpu.memref_squeeze %dma_start3A_272 : memref<1x128x16xf32, #tpu.memory_space<vmem>> -> memref<128x16xf32, #tpu.memory_space<vmem>>
          %dma_start3A_274 = arith.constant 0 : i32
          %dma_start3A_275 = arith.constant 0 : i32
          %dma_start3A_276 = tpu.memref_slice %arg24[%dma_start3A_274, %dma_start3A_275] : memref<100000x16xf32, #tpu.memory_space<vmem_shared>> -> memref<100000x16xf32, #tpu.memory_space<vmem_shared>>
          tpu.enqueue_indirect_dma source(%dma_start3A_273 : memref<128x16xf32, #tpu.memory_space<vmem>>) target(%dma_start3A_276 : memref<100000x16xf32, #tpu.memory_space<vmem_shared>>) offsets(%arg21 : memref<128xi32, #tpu.memory_space<vmem>>) semaphore(%run_scoped3A_269 : memref<!tpu.dma_semaphore, #tpu.memory_space<semaphore_mem>>) {add = true}
          %dma_wait3A_277 = arith.constant 0 : i32
          %dma_wait3A_278 = arith.constant 0 : i32
          %dma_wait3A_279 = tpu.memref_slice %arg23[%run_scoped3A_267, %dma_wait3A_277, %dma_wait3A_278] : memref<8x128x16xf32, #tpu.memory_space<vmem>> -> memref<1x128x16xf32, #tpu.memory_space<vmem>>
          %dma_wait3A_280 = tpu.memref_squeeze %dma_wait3A_279 : memref<1x128x16xf32, #tpu.memory_space<vmem>> -> memref<128x16xf32, #tpu.memory_space<vmem>>
          %dma_wait3A_281 = arith.constant 0 : i32
          %dma_wait3A_282 = arith.constant 0 : i32
          %dma_wait3A_283 = tpu.memref_slice %arg24[%dma_wait3A_281, %dma_wait3A_282] : memref<100000x16xf32, #tpu.memory_space<vmem_shared>> -> memref<100000x16xf32, #tpu.memory_space<vmem_shared>>
          tpu.wait_indirect_dma semaphore(%run_scoped3A_269 : memref<!tpu.dma_semaphore, #tpu.memory_space<semaphore_mem>>) src(%dma_wait3A_280 : memref<128x16xf32, #tpu.memory_space<vmem>>) dst(%dma_wait3A_283 : memref<100000x16xf32, #tpu.memory_space<vmem_shared>>)
          tpu.yield
        }) : () -> ()
        %run_scoped3A_268 = arith.constant 7 : i32
        "tpu.region"() ({
          %run_scoped3A_269 = tpu.sem_alloc : memref<!tpu.dma_semaphore, #tpu.memory_space<semaphore_mem>>
          %dma_start3A_270 = arith.constant 0 : i32
          %dma_start3A_271 = arith.constant 0 : i32
          %dma_start3A_272 = tpu.memref_slice %arg23[%run_scoped3A_268, %dma_start3A_270, %dma_start3A_271] : memref<8x128x16xf32, #tpu.memory_space<vmem>> -> memref<1x128x16xf32, #tpu.memory_space<vmem>>
          %dma_start3A_273 = tpu.memref_squeeze %dma_start3A_272 : memref<1x128x16xf32, #tpu.memory_space<vmem>> -> memref<128x16xf32, #tpu.memory_space<vmem>>
          %dma_start3A_274 = arith.constant 0 : i32
          %dma_start3A_275 = arith.constant 0 : i32
          %dma_start3A_276 = tpu.memref_slice %arg24[%dma_start3A_274, %dma_start3A_275] : memref<100000x16xf32, #tpu.memory_space<vmem_shared>> -> memref<100000x16xf32, #tpu.memory_space<vmem_shared>>
          tpu.enqueue_indirect_dma source(%dma_start3A_273 : memref<128x16xf32, #tpu.memory_space<vmem>>) target(%dma_start3A_276 : memref<100000x16xf32, #tpu.memory_space<vmem_shared>>) offsets(%arg22 : memref<128xi32, #tpu.memory_space<vmem>>) semaphore(%run_scoped3A_269 : memref<!tpu.dma_semaphore, #tpu.memory_space<semaphore_mem>>) {add = true}
          %dma_wait3A_277 = arith.constant 0 : i32
          %dma_wait3A_278 = arith.constant 0 : i32
          %dma_wait3A_279 = tpu.memref_slice %arg23[%run_scoped3A_268, %dma_wait3A_277, %dma_wait3A_278] : memref<8x128x16xf32, #tpu.memory_space<vmem>> -> memref<1x128x16xf32, #tpu.memory_space<vmem>>
          %dma_wait3A_280 = tpu.memref_squeeze %dma_wait3A_279 : memref<1x128x16xf32, #tpu.memory_space<vmem>> -> memref<128x16xf32, #tpu.memory_space<vmem>>
          %dma_wait3A_281 = arith.constant 0 : i32
          %dma_wait3A_282 = arith.constant 0 : i32
          %dma_wait3A_283 = tpu.memref_slice %arg24[%dma_wait3A_281, %dma_wait3A_282] : memref<100000x16xf32, #tpu.memory_space<vmem_shared>> -> memref<100000x16xf32, #tpu.memory_space<vmem_shared>>
          tpu.wait_indirect_dma semaphore(%run_scoped3A_269 : memref<!tpu.dma_semaphore, #tpu.memory_space<semaphore_mem>>) src(%dma_wait3A_280 : memref<128x16xf32, #tpu.memory_space<vmem>>) dst(%dma_wait3A_283 : memref<100000x16xf32, #tpu.memory_space<vmem_shared>>)
          tpu.yield
        }) : () -> ()
      } else {
      }
    }
    %scan3A_13 = arith.constant 196 : i32
    %barrier3A_14 = arith.constant 0 : index
    tpu.barrier barrier_id(%barrier3A_14)
    %mul3A_15 = arith.constant 6256 : i32
    %mul3A_16 = arith.muli %arg1, %mul3A_15 : i32
    %multiple_of3A_17 = tpu.assume_multiple %mul3A_16, 8 : i32
    %lt3A_18 = arith.constant 15 : i32
    %lt3A_19 = arith.cmpi slt, %arg1, %lt3A_18 : i32
    %convert_element_type3A_20 = arith.extui %lt3A_19 : i1 to i32
    %cond3A_21 = arith.constant 0 : i32
    %cond3A_22 = arith.cmpi ne, %convert_element_type3A_20, %cond3A_21 : i32
    scf.if %cond3A_22 {
      "tpu.region"() ({
        %run_scoped3A = tpu.sem_alloc : memref<!tpu.dma_semaphore, #tpu.memory_space<semaphore_mem>>
        %dma_start3A = arith.constant 0 : i32
        %dma_start3A_28 = tpu.memref_slice %arg6[%arg0, %multiple_of3A_17, %dma_start3A] : memref<2x100000x16xf32, #tpu.memory_space<hbm>> -> memref<1x6256x16xf32, #tpu.memory_space<hbm>>
        %dma_start3A_29 = tpu.memref_squeeze %dma_start3A_28 : memref<1x6256x16xf32, #tpu.memory_space<hbm>> -> memref<6256x16xf32, #tpu.memory_space<hbm>>
        %dma_start3A_30 = arith.constant 0 : i32
        %dma_start3A_31 = tpu.memref_slice %arg24[%multiple_of3A_17, %dma_start3A_30] : memref<100000x16xf32, #tpu.memory_space<vmem_shared>> -> memref<6256x16xf32, #tpu.memory_space<vmem_shared>>
        tpu.enqueue_dma source(%dma_start3A_31 : memref<6256x16xf32, #tpu.memory_space<vmem_shared>>) target(%dma_start3A_29 : memref<6256x16xf32, #tpu.memory_space<hbm>>) target_semaphore(%run_scoped3A : memref<!tpu.dma_semaphore, #tpu.memory_space<semaphore_mem>>)
        %dma_wait3A = arith.constant 0 : i32
        %dma_wait3A_32 = tpu.memref_slice %arg6[%arg0, %multiple_of3A_17, %dma_wait3A] : memref<2x100000x16xf32, #tpu.memory_space<hbm>> -> memref<1x6256x16xf32, #tpu.memory_space<hbm>>
        %dma_wait3A_33 = tpu.memref_squeeze %dma_wait3A_32 : memref<1x6256x16xf32, #tpu.memory_space<hbm>> -> memref<6256x16xf32, #tpu.memory_space<hbm>>
        %dma_wait3A_34 = arith.constant 0 : i32
        %dma_wait3A_35 = tpu.memref_slice %arg24[%multiple_of3A_17, %dma_wait3A_34] : memref<100000x16xf32, #tpu.memory_space<vmem_shared>> -> memref<6256x16xf32, #tpu.memory_space<vmem_shared>>
        tpu.wait_dma2 semaphore(%run_scoped3A : memref<!tpu.dma_semaphore, #tpu.memory_space<semaphore_mem>>) src(%dma_wait3A_35 : memref<6256x16xf32, #tpu.memory_space<vmem_shared>>) dst(%dma_wait3A_33 : memref<6256x16xf32, #tpu.memory_space<hbm>>)
        tpu.yield
      }) : () -> ()
    } else {
    }
    %eq3A_23 = arith.constant 15 : i32
    %eq3A_24 = arith.cmpi eq, %arg1, %eq3A_23 : i32
    %convert_element_type3A_25 = arith.extui %eq3A_24 : i1 to i32
    %cond3A_26 = arith.constant 0 : i32
    %cond3A_27 = arith.cmpi ne, %convert_element_type3A_25, %cond3A_26 : i32
    scf.if %cond3A_27 {
      "tpu.region"() ({
        %run_scoped3A = tpu.sem_alloc : memref<!tpu.dma_semaphore, #tpu.memory_space<semaphore_mem>>
        %dma_start3A = arith.constant 93840 : i32
        %dma_start3A_28 = arith.constant 0 : i32
        %dma_start3A_29 = tpu.memref_slice %arg6[%arg0, %dma_start3A, %dma_start3A_28] : memref<2x100000x16xf32, #tpu.memory_space<hbm>> -> memref<1x6160x16xf32, #tpu.memory_space<hbm>>
        %dma_start3A_30 = tpu.memref_squeeze %dma_start3A_29 : memref<1x6160x16xf32, #tpu.memory_space<hbm>> -> memref<6160x16xf32, #tpu.memory_space<hbm>>
        %dma_start3A_31 = arith.constant 93840 : i32
        %dma_start3A_32 = arith.constant 0 : i32
        %dma_start3A_33 = tpu.memref_slice %arg24[%dma_start3A_31, %dma_start3A_32] : memref<100000x16xf32, #tpu.memory_space<vmem_shared>> -> memref<6160x16xf32, #tpu.memory_space<vmem_shared>>
        tpu.enqueue_dma source(%dma_start3A_33 : memref<6160x16xf32, #tpu.memory_space<vmem_shared>>) target(%dma_start3A_30 : memref<6160x16xf32, #tpu.memory_space<hbm>>) target_semaphore(%run_scoped3A : memref<!tpu.dma_semaphore, #tpu.memory_space<semaphore_mem>>)
        %dma_wait3A = arith.constant 93840 : i32
        %dma_wait3A_34 = arith.constant 0 : i32
        %dma_wait3A_35 = tpu.memref_slice %arg6[%arg0, %dma_wait3A, %dma_wait3A_34] : memref<2x100000x16xf32, #tpu.memory_space<hbm>> -> memref<1x6160x16xf32, #tpu.memory_space<hbm>>
        %dma_wait3A_36 = tpu.memref_squeeze %dma_wait3A_35 : memref<1x6160x16xf32, #tpu.memory_space<hbm>> -> memref<6160x16xf32, #tpu.memory_space<hbm>>
        %dma_wait3A_37 = arith.constant 93840 : i32
        %dma_wait3A_38 = arith.constant 0 : i32
        %dma_wait3A_39 = tpu.memref_slice %arg24[%dma_wait3A_37, %dma_wait3A_38] : memref<100000x16xf32, #tpu.memory_space<vmem_shared>> -> memref<6160x16xf32, #tpu.memory_space<vmem_shared>>
        tpu.wait_dma2 semaphore(%run_scoped3A : memref<!tpu.dma_semaphore, #tpu.memory_space<semaphore_mem>>) src(%dma_wait3A_39 : memref<6160x16xf32, #tpu.memory_space<vmem_shared>>) dst(%dma_wait3A_36 : memref<6160x16xf32, #tpu.memory_space<hbm>>)
        tpu.yield
      }) : () -> ()
    } else {
    }
    return
  }
}

module attributes {stable_mosaic.version = 14 : i64} {
  func.func @_d1_body(%arg0: i32, %arg1: memref<2x4000x1xf32, #tpu.memory_space<vmem>>, %arg2: memref<4000x12xf32, #tpu.memory_space<vmem>>, %arg3: memref<12x16xf32, #tpu.memory_space<vmem>>, %arg4: memref<4000x16xf32, #tpu.memory_space<vmem>>, %arg5: memref<4000x1xf32, #tpu.memory_space<vmem>>) attributes {dimension_semantics = [#tpu.dimension_semantics<arbitrary>], iteration_bounds = array<i64: 25>, scalar_prefetch = 0 : i64, scratch_operands = 0 : i64, tpu.core_type = #tpu.core_type<tc>, window_params = [{transform_indices = @transform_0, window_bounds = array<i64: 2, 4000, 1>}, {transform_indices = @transform_1, window_bounds = array<i64: 4000, 12>}, {pipeline_mode = #tpu.pipeline_mode<synchronous>, transform_indices = @transform_2, window_bounds = array<i64: 12, 16>}, {transform_indices = @transform_3, window_bounds = array<i64: 4000, 16>}, {transform_indices = @transform_4, window_bounds = array<i64: 4000, 1>}]} {
    %get3A = arith.constant 0 : index
    %get3A_0 = arith.constant 0 : index
    %get3A_1 = arith.constant 0 : index
    %get3A_2 = vector.load %arg1[%get3A, %get3A_0, %get3A_1] : memref<2x4000x1xf32, #tpu.memory_space<vmem>>, vector<1x4000x1xf32>
    %get3A_3 = vector.shape_cast %get3A_2 : vector<1x4000x1xf32> to vector<4000x1xf32>
    %get3A_4 = arith.constant 1 : index
    %get3A_5 = arith.constant 0 : index
    %get3A_6 = arith.constant 0 : index
    %get3A_7 = vector.load %arg1[%get3A_4, %get3A_5, %get3A_6] : memref<2x4000x1xf32, #tpu.memory_space<vmem>>, vector<1x4000x1xf32>
    %get3A_8 = vector.shape_cast %get3A_7 : vector<1x4000x1xf32> to vector<4000x1xf32>
    %add3A = arith.addf %get3A_3, %get3A_8 : vector<4000x1xf32>
    %add3A_9 = arith.constant 1.000000e+00 : f32
    %add3A_10 = vector.broadcast %add3A_9 : f32 to vector<4000x1xf32>
    %add3A_11 = arith.addf %add3A, %add3A_10 : vector<4000x1xf32>
    %rsqrt3A = math.rsqrt %add3A_11 : vector<4000x1xf32>
    %get3A_12 = arith.constant 0 : index
    %get3A_13 = arith.constant 0 : index
    %get3A_14 = vector.load %arg2[%get3A_12, %get3A_13] : memref<4000x12xf32, #tpu.memory_space<vmem>>, vector<4000x12xf32>
    %get3A_15 = arith.constant 0 : index
    %get3A_16 = arith.constant 0 : index
    %get3A_17 = vector.load %arg3[%get3A_15, %get3A_16] : memref<12x16xf32, #tpu.memory_space<vmem>>, vector<12x16xf32>
    %dot_general3A = arith.constant dense<0.000000e+00> : vector<4000x16xf32>
    %dot_general3A_18 = tpu.matmul %get3A_14, %get3A_17, %dot_general3A {dimension_numbers = #tpu.dot_dimension_numbers<[1], [0], [0], [1], [0, 0, 1, 1], [], []>, transpose_lhs_hint = false} : vector<4000x12xf32>, vector<12x16xf32>, vector<4000x16xf32> -> vector<4000x16xf32>
    %mul3A = vector.broadcast %rsqrt3A : vector<4000x1xf32> to vector<4000x16xf32>
    %mul3A_19 = arith.mulf %dot_general3A_18, %mul3A : vector<4000x16xf32>
    %swap3A = arith.constant 0 : index
    %swap3A_20 = arith.constant 0 : index
    %swap3A_21 = vector.load %arg4[%swap3A, %swap3A_20] : memref<4000x16xf32, #tpu.memory_space<vmem>>, vector<4000x16xf32>
    tpu.vector_store %arg4[%swap3A, %swap3A_20], %mul3A_19 {strides = array<i32>} : memref<4000x16xf32, #tpu.memory_space<vmem>>, vector<4000x16xf32>,
    %swap3A_22 = arith.constant 0 : index
    %swap3A_23 = arith.constant 0 : index
    %swap3A_24 = vector.load %arg5[%swap3A_22, %swap3A_23] : memref<4000x1xf32, #tpu.memory_space<vmem>>, vector<4000x1xf32>
    tpu.vector_store %arg5[%swap3A_22, %swap3A_23], %rsqrt3A {strides = array<i32>} : memref<4000x1xf32, #tpu.memory_space<vmem>>, vector<4000x1xf32>,
    return
  }
  func.func @transform_0(%arg0: i32) -> (i32, i32, i32) {
    %c0_i32 = arith.constant 0 : i32
    %c0_i32_0 = arith.constant 0 : i32
    %c0_i32_1 = arith.constant 0 : i32
    return %c0_i32, %arg0, %c0_i32_0 : i32, i32, i32
  }
  func.func @transform_1(%arg0: i32) -> (i32, i32) {
    %c0_i32 = arith.constant 0 : i32
    %c0_i32_0 = arith.constant 0 : i32
    return %arg0, %c0_i32 : i32, i32
  }
  func.func @transform_2(%arg0: i32) -> (i32, i32) {
    %c0_i32 = arith.constant 0 : i32
    %c0_i32_0 = arith.constant 0 : i32
    %c0_i32_1 = arith.constant 0 : i32
    return %c0_i32, %c0_i32_0 : i32, i32
  }
  func.func @transform_3(%arg0: i32) -> (i32, i32) {
    %c0_i32 = arith.constant 0 : i32
    %c0_i32_0 = arith.constant 0 : i32
    return %arg0, %c0_i32 : i32, i32
  }
  func.func @transform_4(%arg0: i32) -> (i32, i32) {
    %c0_i32 = arith.constant 0 : i32
    %c0_i32_0 = arith.constant 0 : i32
    return %arg0, %c0_i32 : i32, i32
  }
}

module attributes {stable_mosaic.version = 14 : i64} {
  func.func @_d2_body(%arg0: i32, %arg1: memref<2x4000x16xf32, #tpu.memory_space<vmem>>, %arg2: memref<4000x16xf32, #tpu.memory_space<vmem>>, %arg3: memref<4000x1xf32, #tpu.memory_space<vmem>>, %arg4: memref<16x8xf32, #tpu.memory_space<vmem>>, %arg5: memref<1x16xf32, #tpu.memory_space<vmem>>, %arg6: memref<4000x8xf32, #tpu.memory_space<vmem>>) attributes {dimension_semantics = [#tpu.dimension_semantics<arbitrary>], iteration_bounds = array<i64: 25>, scalar_prefetch = 0 : i64, scratch_operands = 0 : i64, tpu.core_type = #tpu.core_type<tc>, window_params = [{transform_indices = @transform_0, window_bounds = array<i64: 2, 4000, 16>}, {transform_indices = @transform_1, window_bounds = array<i64: 4000, 16>}, {transform_indices = @transform_2, window_bounds = array<i64: 4000, 1>}, {pipeline_mode = #tpu.pipeline_mode<synchronous>, transform_indices = @transform_3, window_bounds = array<i64: 16, 8>}, {pipeline_mode = #tpu.pipeline_mode<synchronous>, transform_indices = @transform_4, window_bounds = array<i64: 1, 16>}, {transform_indices = @transform_5, window_bounds = array<i64: 4000, 8>}]} {
    %get3A = arith.constant 0 : index
    %get3A_0 = arith.constant 0 : index
    %get3A_1 = vector.load %arg3[%get3A, %get3A_0] : memref<4000x1xf32, #tpu.memory_space<vmem>>, vector<4000x1xf32>
    %get3A_2 = arith.constant 0 : index
    %get3A_3 = arith.constant 0 : index
    %get3A_4 = arith.constant 0 : index
    %get3A_5 = vector.load %arg1[%get3A_2, %get3A_3, %get3A_4] : memref<2x4000x16xf32, #tpu.memory_space<vmem>>, vector<1x4000x16xf32>
    %get3A_6 = vector.shape_cast %get3A_5 : vector<1x4000x16xf32> to vector<4000x16xf32>
    %get3A_7 = arith.constant 1 : index
    %get3A_8 = arith.constant 0 : index
    %get3A_9 = arith.constant 0 : index
    %get3A_10 = vector.load %arg1[%get3A_7, %get3A_8, %get3A_9] : memref<2x4000x16xf32, #tpu.memory_space<vmem>>, vector<1x4000x16xf32>
    %get3A_11 = vector.shape_cast %get3A_10 : vector<1x4000x16xf32> to vector<4000x16xf32>
    %add3A = arith.addf %get3A_6, %get3A_11 : vector<4000x16xf32>
    %get3A_12 = arith.constant 0 : index
    %get3A_13 = arith.constant 0 : index
    %get3A_14 = vector.load %arg2[%get3A_12, %get3A_13] : memref<4000x16xf32, #tpu.memory_space<vmem>>, vector<4000x16xf32>
    %add3A_15 = arith.addf %add3A, %get3A_14 : vector<4000x16xf32>
    %mul3A = vector.broadcast %get3A_1 : vector<4000x1xf32> to vector<4000x16xf32>
    %mul3A_16 = arith.mulf %add3A_15, %mul3A : vector<4000x16xf32>
    %get3A_17 = arith.constant 0 : index
    %get3A_18 = arith.constant 0 : index
    %get3A_19 = vector.load %arg5[%get3A_17, %get3A_18] : memref<1x16xf32, #tpu.memory_space<vmem>>, vector<1x16xf32>
    %add3A_20 = vector.broadcast %get3A_19 : vector<1x16xf32> to vector<4000x16xf32>
    %add3A_21 = arith.addf %mul3A_16, %add3A_20 : vector<4000x16xf32>
    %max3A = arith.constant 0.000000e+00 : f32
    %max3A_22 = vector.broadcast %max3A : f32 to vector<4000x16xf32>
    %max3A_23 = arith.maximumf %add3A_21, %max3A_22 : vector<4000x16xf32>
    %get3A_24 = arith.constant 0 : index
    %get3A_25 = arith.constant 0 : index
    %get3A_26 = vector.load %arg4[%get3A_24, %get3A_25] : memref<16x8xf32, #tpu.memory_space<vmem>>, vector<16x8xf32>
    %dot_general3A = arith.constant dense<0.000000e+00> : vector<4000x8xf32>
    %dot_general3A_27 = tpu.matmul %max3A_23, %get3A_26, %dot_general3A {dimension_numbers = #tpu.dot_dimension_numbers<[1], [0], [0], [1], [0, 0, 1, 1], [], []>, transpose_lhs_hint = false} : vector<4000x16xf32>, vector<16x8xf32>, vector<4000x8xf32> -> vector<4000x8xf32>
    %mul3A_28 = vector.broadcast %get3A_1 : vector<4000x1xf32> to vector<4000x8xf32>
    %mul3A_29 = arith.mulf %dot_general3A_27, %mul3A_28 : vector<4000x8xf32>
    %swap3A = arith.constant 0 : index
    %swap3A_30 = arith.constant 0 : index
    %swap3A_31 = vector.load %arg6[%swap3A, %swap3A_30] : memref<4000x8xf32, #tpu.memory_space<vmem>>, vector<4000x8xf32>
    tpu.vector_store %arg6[%swap3A, %swap3A_30], %mul3A_29 {strides = array<i32>} : memref<4000x8xf32, #tpu.memory_space<vmem>>, vector<4000x8xf32>,
    return
  }
  func.func @transform_0(%arg0: i32) -> (i32, i32, i32) {
    %c0_i32 = arith.constant 0 : i32
    %c0_i32_0 = arith.constant 0 : i32
    %c0_i32_1 = arith.constant 0 : i32
    return %c0_i32, %arg0, %c0_i32_0 : i32, i32, i32
  }
  func.func @transform_1(%arg0: i32) -> (i32, i32) {
    %c0_i32 = arith.constant 0 : i32
    %c0_i32_0 = arith.constant 0 : i32
    return %arg0, %c0_i32 : i32, i32
  }
  func.func @transform_2(%arg0: i32) -> (i32, i32) {
    %c0_i32 = arith.constant 0 : i32
    %c0_i32_0 = arith.constant 0 : i32
    return %arg0, %c0_i32 : i32, i32
  }
  func.func @transform_3(%arg0: i32) -> (i32, i32) {
    %c0_i32 = arith.constant 0 : i32
    %c0_i32_0 = arith.constant 0 : i32
    %c0_i32_1 = arith.constant 0 : i32
    return %c0_i32, %c0_i32_0 : i32, i32
  }
  func.func @transform_4(%arg0: i32) -> (i32, i32) {
    %c0_i32 = arith.constant 0 : i32
    %c0_i32_0 = arith.constant 0 : i32
    %c0_i32_1 = arith.constant 0 : i32
    return %c0_i32, %c0_i32_0 : i32, i32
  }
  func.func @transform_5(%arg0: i32) -> (i32, i32) {
    %c0_i32 = arith.constant 0 : i32
    %c0_i32_0 = arith.constant 0 : i32
    return %arg0, %c0_i32 : i32, i32
  }
}

module attributes {stable_mosaic.version = 14 : i64} {
  func.func @_d3_body(%arg0: i32, %arg1: memref<2x4000x8xf32, #tpu.memory_space<vmem>>, %arg2: memref<4000x8xf32, #tpu.memory_space<vmem>>, %arg3: memref<4000x1xf32, #tpu.memory_space<vmem>>, %arg4: memref<1x8xf32, #tpu.memory_space<vmem>>, %arg5: memref<8x1xf32, #tpu.memory_space<vmem>>, %arg6: memref<1x1xf32, #tpu.memory_space<vmem>>, %arg7: memref<4000x1xf32, #tpu.memory_space<vmem>>) attributes {dimension_semantics = [#tpu.dimension_semantics<arbitrary>], iteration_bounds = array<i64: 25>, scalar_prefetch = 0 : i64, scratch_operands = 0 : i64, tpu.core_type = #tpu.core_type<tc>, window_params = [{transform_indices = @transform_0, window_bounds = array<i64: 2, 4000, 8>}, {transform_indices = @transform_1, window_bounds = array<i64: 4000, 8>}, {transform_indices = @transform_2, window_bounds = array<i64: 4000, 1>}, {pipeline_mode = #tpu.pipeline_mode<synchronous>, transform_indices = @transform_3, window_bounds = array<i64: 1, 8>}, {pipeline_mode = #tpu.pipeline_mode<synchronous>, transform_indices = @transform_4, window_bounds = array<i64: 8, 1>}, {pipeline_mode = #tpu.pipeline_mode<synchronous>, transform_indices = @transform_5, window_bounds = array<i64: 1, 1>}, {transform_indices = @transform_6, window_bounds = array<i64: 4000, 1>}]} {
    %get3A = arith.constant 0 : index
    %get3A_0 = arith.constant 0 : index
    %get3A_1 = vector.load %arg3[%get3A, %get3A_0] : memref<4000x1xf32, #tpu.memory_space<vmem>>, vector<4000x1xf32>
    %get3A_2 = arith.constant 0 : index
    %get3A_3 = arith.constant 0 : index
    %get3A_4 = arith.constant 0 : index
    %get3A_5 = vector.load %arg1[%get3A_2, %get3A_3, %get3A_4] : memref<2x4000x8xf32, #tpu.memory_space<vmem>>, vector<1x4000x8xf32>
    %get3A_6 = vector.shape_cast %get3A_5 : vector<1x4000x8xf32> to vector<4000x8xf32>
    %get3A_7 = arith.constant 1 : index
    %get3A_8 = arith.constant 0 : index
    %get3A_9 = arith.constant 0 : index
    %get3A_10 = vector.load %arg1[%get3A_7, %get3A_8, %get3A_9] : memref<2x4000x8xf32, #tpu.memory_space<vmem>>, vector<1x4000x8xf32>
    %get3A_11 = vector.shape_cast %get3A_10 : vector<1x4000x8xf32> to vector<4000x8xf32>
    %add3A = arith.addf %get3A_6, %get3A_11 : vector<4000x8xf32>
    %get3A_12 = arith.constant 0 : index
    %get3A_13 = arith.constant 0 : index
    %get3A_14 = vector.load %arg2[%get3A_12, %get3A_13] : memref<4000x8xf32, #tpu.memory_space<vmem>>, vector<4000x8xf32>
    %add3A_15 = arith.addf %add3A, %get3A_14 : vector<4000x8xf32>
    %mul3A = vector.broadcast %get3A_1 : vector<4000x1xf32> to vector<4000x8xf32>
    %mul3A_16 = arith.mulf %add3A_15, %mul3A : vector<4000x8xf32>
    %get3A_17 = arith.constant 0 : index
    %get3A_18 = arith.constant 0 : index
    %get3A_19 = vector.load %arg4[%get3A_17, %get3A_18] : memref<1x8xf32, #tpu.memory_space<vmem>>, vector<1x8xf32>
    %add3A_20 = vector.broadcast %get3A_19 : vector<1x8xf32> to vector<4000x8xf32>
    %add3A_21 = arith.addf %mul3A_16, %add3A_20 : vector<4000x8xf32>
    %max3A = arith.constant 0.000000e+00 : f32
    %max3A_22 = vector.broadcast %max3A : f32 to vector<4000x8xf32>
    %max3A_23 = arith.maximumf %add3A_21, %max3A_22 : vector<4000x8xf32>
    %get3A_24 = arith.constant 0 : index
    %get3A_25 = arith.constant 0 : index
    %get3A_26 = vector.load %arg5[%get3A_24, %get3A_25] : memref<8x1xf32, #tpu.memory_space<vmem>>, vector<8x1xf32>
    %dot_general3A = arith.constant dense<0.000000e+00> : vector<4000x1xf32>
    %dot_general3A_27 = tpu.matmul %max3A_23, %get3A_26, %dot_general3A {dimension_numbers = #tpu.dot_dimension_numbers<[1], [0], [0], [1], [0, 0, 1, 1], [], []>, transpose_lhs_hint = false} : vector<4000x8xf32>, vector<8x1xf32>, vector<4000x1xf32> -> vector<4000x1xf32>
    %get3A_28 = arith.constant 0 : index
    %get3A_29 = arith.constant 0 : index
    %get3A_30 = vector.load %arg6[%get3A_28, %get3A_29] : memref<1x1xf32, #tpu.memory_space<vmem>>, vector<1x1xf32>
    %add3A_31 = vector.broadcast %get3A_30 : vector<1x1xf32> to vector<4000x1xf32>
    %add3A_32 = arith.addf %dot_general3A_27, %add3A_31 : vector<4000x1xf32>
    %logistic3A = arith.negf %add3A_32 : vector<4000x1xf32>
    %logistic3A_33 = math.exp %logistic3A : vector<4000x1xf32>
    %logistic3A_34 = arith.constant 1.000000e+00 : f32
    %logistic3A_35 = vector.broadcast %logistic3A_34 : f32 to vector<4000x1xf32>
    %logistic3A_36 = arith.addf %logistic3A_35, %logistic3A_33 : vector<4000x1xf32>
    %logistic3A_37 = arith.divf %logistic3A_35, %logistic3A_36 : vector<4000x1xf32>
    %swap3A = arith.constant 0 : index
    %swap3A_38 = arith.constant 0 : index
    %swap3A_39 = vector.load %arg7[%swap3A, %swap3A_38] : memref<4000x1xf32, #tpu.memory_space<vmem>>, vector<4000x1xf32>
    tpu.vector_store %arg7[%swap3A, %swap3A_38], %logistic3A_37 {strides = array<i32>} : memref<4000x1xf32, #tpu.memory_space<vmem>>, vector<4000x1xf32>,
    return
  }
  func.func @transform_0(%arg0: i32) -> (i32, i32, i32) {
    %c0_i32 = arith.constant 0 : i32
    %c0_i32_0 = arith.constant 0 : i32
    %c0_i32_1 = arith.constant 0 : i32
    return %c0_i32, %arg0, %c0_i32_0 : i32, i32, i32
  }
  func.func @transform_1(%arg0: i32) -> (i32, i32) {
    %c0_i32 = arith.constant 0 : i32
    %c0_i32_0 = arith.constant 0 : i32
    return %arg0, %c0_i32 : i32, i32
  }
  func.func @transform_2(%arg0: i32) -> (i32, i32) {
    %c0_i32 = arith.constant 0 : i32
    %c0_i32_0 = arith.constant 0 : i32
    return %arg0, %c0_i32 : i32, i32
  }
  func.func @transform_3(%arg0: i32) -> (i32, i32) {
    %c0_i32 = arith.constant 0 : i32
    %c0_i32_0 = arith.constant 0 : i32
    %c0_i32_1 = arith.constant 0 : i32
    return %c0_i32, %c0_i32_0 : i32, i32
  }
  func.func @transform_4(%arg0: i32) -> (i32, i32) {
    %c0_i32 = arith.constant 0 : i32
    %c0_i32_0 = arith.constant 0 : i32
    %c0_i32_1 = arith.constant 0 : i32
    return %c0_i32, %c0_i32_0 : i32, i32
  }
  func.func @transform_5(%arg0: i32) -> (i32, i32) {
    %c0_i32 = arith.constant 0 : i32
    %c0_i32_0 = arith.constant 0 : i32
    %c0_i32_1 = arith.constant 0 : i32
    return %c0_i32, %c0_i32_0 : i32, i32
  }
  func.func @transform_6(%arg0: i32) -> (i32, i32) {
    %c0_i32 = arith.constant 0 : i32
    %c0_i32_0 = arith.constant 0 : i32
    return %arg0, %c0_i32 : i32, i32
  }
}

</mosaic_0001>

<sc_bundles>
// kernel: kernel.11.cloned.1.call-start
scs
__scs_entry_jumppad:
0x0: {  	(pc) =	sbr.rel $0x88, $3  }
0x1: {  	(tag) =	ssettag $0x0;
	lr =	simm.s32 $0x1  }
0x2: {  	[smem:$0x3F99] =	sst lr;
	_ =	strace $0xD0000000  }
0x3: {  	_ = 	snop  }
0x4: {  	_ = 	snop  }
0x5: {  	_ = 	snop  }
0x6: {  	_ = 	snop  }
0x7: {  	_ = 	snop  }
__scs_overlays_trampoline_lowered:
0x8: {  	[smem:$0x3FA8] =	sst s0  }
0x9: {  	[smem:$0x3FA9] =	sst s1  }
0xa: {  	[smem:$0x3FAA] =	sst s2  }
0xb: {  	[smem:$0x3FAB] =	sst s3  }
0xc: {  	[smem:$0x3FAC] =	sst s4  }
0xd: {  	[smem:$0x3FAD] =	sst s5  }
0xe: {  	[smem:$0x3FAE] =	sst s6  }
0xf: {  	[smem:$0x3FAF] =	sst s7  }
0x10: {  	[smem:$0x3FB0] =	sst s8  }
0x11: {  	[smem:$0x3FB1] =	sst s9;
	s0 =	simm.s32 @!p0 $0x0  }
0x12: {  	s1 =	sld [smem:$0x3F97];
	s0 =	simm.s32 @p0 $0x1  }
0x13: {  	[smem:$0x3FB2] =	sst s0;
	s0 =	simm.s32 @!p1 $0x0  }
0x14: {  	s2 =	sld [smem:$0x3F96];
	s0 =	simm.s32 @p1 $0x1  }
0x15: {  	[smem:$0x3FB3] =	sst s0;
	s0 =	simm.s32 @!p2 $0x0  }
0x16: {  	s3 =	sld [smem:$0x3FDB];
	s0 =	simm.s32 @p2 $0x1  }
0x17: {  	s4 =	simm.s32 $0x1BF5;
	[smem:$0x3FB5] =	sst s0  }
0x18: {  	s0 =	sld [smem:$0x3F98];
	_ =	swait.ge [sflag:s4], $0x0  }
0x19: {  	s7 =	sld [smem:$0x3F99]  }
0x1a: {  	s8 =	sadd.s32 $0xFFFFE003, lr  }
0x1b: {  	s9 =	sadd.s32 $0xFFFFFEF7, lr;
	s5 =	simm.s32 $0xFFFFFFFF;
	p2 =	slt.u32 s8, $0xFFFFF086  }
0x1c: {  	p1 =	slt.u32 s9, $0xF7A;
	s5 =	simm.s32 @!p2 $0x0  }
0x1d: {  	s5 =	simm.s32 @p1 $0x1;
	p0 =	seq.s32 s7, s2  }
0x1e: {  	s7 =	smul.u32 @!p0 $0xF7A, s2;
	p2 =	seq.s32 @!p0 s5, $0x0  }
0x1f: {  	s9 =	smul.u32 $0xF7A, s1;
	s8 =	simm.s32 @!p0 $0x1BF5;
	p2 =	por !p2, p0  }
0x20: {  	[sflag:s8] =	ssyncset.s32 @!p0 $0xFFFFF086;
	s6 =	sadd.s32 @!p0 s3, s7;
	s7 =	simm.s32 @!p0 $0x108  }
0x21: {  	s3 =	sadd.s32 s3, s9;
	s6 =	sadd.s32 @!p0 $0x88, s6;
	s7 =	simm.s32 @p2 $0x1082  }
0x22: {  	[simem:s7], [sflag:s8] =	dma.local @!p0 [hbm:s6], $0xF7A  }
0x23: {  	s9 =	sor.u32 $0xD0000000, s2;
	s6 =	simm.s32 $0x108;
	_ =	swait.ge @!p0 [sflag:s8], $0x0  }
0x24: {  	s3 =	sadd.s32 $0x88, s3;
	s6 =	simm.s32 @!p1 $0x1082;
	[sflag:s4] =	ssyncset.s32 $0xFFFFF086  }
0x25: {  	[simem:s6], [sflag:s4] =	dma.local [hbm:s3], $0xF7A  }
0x26: {  	[smem:$0x3F99] =	sst s1;
	(tag) =	ssettag s2;
	_ =	strace s9  }
0x27: {  	s1 =	sld [smem:$0x3FA9]  }
0x28: {  	s2 =	sld [smem:$0x3FAA]  }
0x29: {  	s4 =	sld [smem:$0x3FAC]  }
0x2a: {  	p0 =	seq.s32 s5, $0x0;
	s5 =	sld [smem:$0x3FAD]  }
0x2b: {  	s6 =	sld [smem:$0x3FAE]  }
0x2c: {  	s7 =	sld [smem:$0x3FAF]  }
0x2d: {  	s3 =	simm.s32 $0x108;
	s8 =	sld [smem:$0x3FB0]  }
0x2e: {  	s3 =	simm.s32 @!p0 $0x1082;
	s9 =	sld [smem:$0x3FB1]  }
0x2f: {  	lr =	sadd.s32 s0, s3;
	s0 =	sld [smem:$0x3FA8]  }
0x30: {  	s3 =	sld [smem:$0x3FAB]  }
0x31: {  	[smem:$0x3FB4] =	sst s10  }
0x32: {  	s10 =	sld [smem:$0x3FB2];
	_ =	sdelay $0x3  }
0x33: {  	p0 =	seq.s32 s10, $0x1;
	s10 =	sld [smem:$0x3FB4];
	_ =	sdelay $0x3  }
0x34: {  	[smem:$0x3FB4] =	sst s10  }
0x35: {  	s10 =	sld [smem:$0x3FB3];
	_ =	sdelay $0x3  }
0x36: {  	p1 =	seq.s32 s10, $0x1;
	s10 =	sld [smem:$0x3FB4];
	_ =	sdelay $0x3  }
0x37: {  	[smem:$0x3FB4] =	sst s10  }
0x38: {  	s10 =	sld [smem:$0x3FB5]  }
0x39: {  	_ = 	snop;
	(pc) =	sbr.ind lr, $3  }
0x3a: {  	_ = 	snop  }
0x3b: {  	_ = 	snop  }
0x3c: {  	p2 =	seq.s32 s10, $0x1;
	s10 =	sld [smem:$0x3FB4]  }
0x3d: {  	_ =	shalt  }
0x3e: {  	_ =	shalt  }
0x3f: {  	_ =	shalt  }
0x40: {  	_ =	shalt  }
0x41: {  	_ =	shalt  }
0x42: {  	_ =	shalt  }
0x43: {  	_ =	shalt  }
0x44: {  	_ =	shalt  }
0x45: {  	_ =	shalt  }
0x46: {  	_ =	shalt  }
0x47: {  	_ =	shalt  }
0x48: {  	_ =	shalt  }
0x49: {  	_ =	shalt  }
0x4a: {  	_ =	shalt  }
0x4b: {  	_ =	shalt  }
0x4c: {  	_ =	shalt  }
0x4d: {  	_ =	shalt  }
0x4e: {  	_ =	shalt  }
0x4f: {  	_ =	shalt  }
0x50: {  	_ =	shalt  }
0x51: {  	_ =	shalt  }
0x52: {  	_ =	shalt  }
0x53: {  	_ =	shalt  }
0x54: {  	_ =	shalt  }
0x55: {  	_ =	shalt  }
0x56: {  	_ =	shalt  }
0x57: {  	_ =	shalt  }
0x58: {  	_ =	shalt  }
0x59: {  	_ =	shalt  }
0x5a: {  	_ =	shalt  }
0x5b: {  	_ =	shalt  }
0x5c: {  	_ =	shalt  }
0x5d: {  	_ =	shalt  }
0x5e: {  	_ =	shalt  }
0x5f: {  	_ =	shalt  }
0x60: {  	_ =	shalt  }
0x61: {  	_ =	shalt  }
0x62: {  	_ =	shalt  }
0x63: {  	_ =	shalt  }
0x64: {  	_ =	shalt  }
0x65: {  	_ =	shalt  }
0x66: {  	_ =	shalt  }
0x67: {  	_ =	shalt  }
0x68: {  	_ =	shalt  }
0x69: {  	_ =	shalt  }
0x6a: {  	_ =	shalt  }
0x6b: {  	_ =	shalt  }
0x6c: {  	_ =	shalt  }
0x6d: {  	_ =	shalt  }
0x6e: {  	_ =	shalt  }
0x6f: {  	_ =	shalt  }
0x70: {  	_ =	shalt  }
0x71: {  	_ =	shalt  }
0x72: {  	_ =	shalt  }
0x73: {  	_ =	shalt  }
0x74: {  	_ =	shalt  }
0x75: {  	_ =	shalt  }
0x76: {  	_ =	shalt  }
0x77: {  	_ =	shalt  }
0x78: {  	_ =	shalt  }
0x79: {  	_ =	shalt  }
0x7a: {  	_ =	shalt  }
0x7b: {  	_ =	shalt  }
0x7c: {  	_ =	shalt  }
0x7d: {  	_ =	shalt  }
0x7e: {  	_ =	shalt  }
0x7f: {  	_ =	shalt  }
0x80: {  	_ =	shalt  }
0x81: {  	_ =	shalt  }
0x82: {  	_ =	shalt  }
0x83: {  	_ =	shalt  }
0x84: {  	_ =	shalt  }
0x85: {  	_ =	shalt  }
0x86: {  	_ =	shalt  }
0x87: {  	_ =	shalt  }
.Lfunc_end0:
.L_simem_size_0:
called_computation.1_lowered:
.L_overlay_start_0:
0x88: {  	s2 =	sld [smem:$0x3FD9]  }
0x89: {  	s3 =	sld [smem:$0x3FFE];
	_ =	sdelay $0x1  }
0x8a: {  	s1 =	srdreg.scid  }
0x8b: {  	s0 =	sand.u32 $0x1, s1  }
0x8c: {  	s16 =	sshll.u32 s0, $0xA;
	s2 =	sadd.s32 s3, s2  }
0x8d: {  	s2 =	sadd.s32 s2, s16  }
0x8e: {  	[smem:$0x3FC0] =	sst s2  }
0x8f: {  	_ = 	snop  }
0x90: {  	(tm) =	ssettm $0x1  }
0x91: {  	s17 =	sld [smem:$0x3FFB];
	_ =	sdelay $0x3  }
0x92: {  	_ =	strace s17  }
0x93: {  	s2 =	sld [smem:$0x3FFC];
	_ =	sdelay $0x3  }
0x94: {  	_ =	strace s2  }
0x95: {  	s2 =	sld [smem:$0x3FFD];
	_ =	sdelay $0x3  }
0x96: {  	_ =	strace s2  }
0x97: {  	_ =	strace $0x8FFFFFFF  }
0x98: {  	s18 =	sld [smem:$0x3FDB];
	_ =	sdelay $0x1  }
0x99: {  	s19 =	simm.s32 $_scs_section_size  }
0x9a: {  	s4 =	simm.s32 $_size__tile_overlayer_lowered;
	s5 =	simm.s32 $_tile_overlayer_lowered  }
0x9b: {  	s22 =	simm.s32 $0x1BFF;
	s21 =	sshll.u32 s5, $0x1;
	s2 =	sadd.s32 s19, s18  }
0x9c: {  	s6 =	simm.s32 $0x0;
	s20 =	sshll.u32 s4, $0x1;
	s4 =	sadd.s32 s21, s2  }
0x9d: {  	[timem:s6], [sflag:s22] =	dma.local [hbm:s4], s20  }
0x9e: {  	_ =	swait.ge [sflag:s22], s20  }
0x9f: {  	s3 =	ssub.s32 $0x0, s20;
	[sflag:s22] =	ssyncset.done $0x0  }
0xa0: {  	[sflag:s22] =	ssyncadd.s32 s3;
	_ =	sdelay $0x1  }
0xa1: {  	s23 =	simm.s32 $0x1B8B  }
0xa2: {  	_ =	swait.ge [sflag:s23], $0x1  }
0xa3: {  	[sflag:s23] =	ssyncset.done $0x0  }
0xa4: {  	s25 =	simm.s32 $0x1B8E;
	s24 =	sld [smem:$0x3FFE];
	[sflag:s23] =	ssyncadd.s32 $0xFFFFFFFF  }
0xa5: {  	s26 =	simm.s32 $execute0_lowered;
	[smem:$0x3FD2] =	sst s25  }
0xa6: {  	s4 =	sshll.u32 s26, $0x1;
	_ =	strace $0x80000049;
	[dreg:$0x1] =	wrdreg $0xFFFFFFFF  }
0xa7: {  	s28 =	simm.s32 $_size_execute0_lowered;
	s2 =	sadd.s32 s2, s4;
	[dreg:$0x0] =	wrdreg $0x0  }
0xa8: {  	s4 =	sshll.u32 s28, $0x1;
	[dreg:$0x2] =	wrdreg s2  }
0xa9: {  	[dreg:$0x3] =	wrdreg s4  }
0xaa: {  	[dreg:$0x4] =	wrdreg $0xC0  }
0xab: {  	_ =	task [dreg:s6], $0x5FFFF  }
0xac: {  	[dreg:$0x1] =	wrdreg $0xFFFFFFFF  }
0xad: {  	[dreg:$0x0] =	wrdreg $0x60  }
0xae: {  	[dreg:$0x2] =	wrdreg s24  }
0xaf: {  	[dreg:$0x3] =	wrdreg $0x48000  }
0xb0: {  	[dreg:$0x4] =	wrdreg $0x9  }
0xb1: {  	_ =	task.clear_ibuf [dreg:s6], $0x5FFFF;
	_ =	strace $0x90000049  }
0xb2: {  	s29 =	simm.s32 $0x9;
	_ =	strace $0x8000004B  }
0xb3: {  	_ =	swait.ge [sflag:s29], $0x1  }
0xb4: {  	[sflag:s29] =	ssyncadd.s32 $0xFFFFFFFF  }
0xb5: {  	_ =	strace $0x9000004B  }
0xb6: {  	_ =	sfence  }
0xb7: {  	s30 =	sld [smem:$0x0];
	_ =	sdelay $0x2  }
0xb8: {  	s31 =	sshll.u32 s1, $0xD;
	s1 =	sshrl.u32 s1, $0x2  }
0xb9: {  	s3 =	sand.u32 $0x4000, s31;
	s1 =	sadd.s32 s1, s30  }
0xba: {  	s0 =	sor.u32 s3, s0;
	s1 =	sshll.u32 s1, $0x11  }
0xbb: {  	s0 =	sor.u32 s1, s0  }
0xbc: {  	s0 =	sadd.s32 $0x8F2B, s0  }
0xbd: {  	[sflag:s0] =	ssyncadd.remote.s32 $0x1  }
0xbe: {  	_ =	sfence.sel $0xFFFF  }
0xbf: {  	[dreg:$0x0] =	wrdreg $0xFFFFFFFF;
	(pc) =	sbr.abs _section_cstart, $3  }
0xc0: {  	[dreg:$0x1] =	wrdreg $0xFFFFFFFF  }
0xc1: {  	_ =	task.clear_ibuf [dreg:s6], $0x2FFFF;
	_ =	strace $0x9FFFFFFF  }
0xc2: {  	(tm) =	ssettm $0x7FFFFFFF  }
0xc3: {  	_ =	shalt  }
tec
execute0_lowered:
.L_overlay_start_1:
0x0: {  	(tag) =	ssettag $0x1  }
0x1: {  	s0 =	rddreg [dreg:$0x0]  }
0x2: {  	s2 =	rddreg [dreg:$0x1];
	s3 =	simm.s32 $0x0  }
0x3: {  	s12 =	stileid.u32;
	s5 =	srdreg.scid;
	s17 =	simm.s32 $0x80  }
0x4: {  	s13 =	simm.s32 $0x4000;
	s14 =	simm.s32 $0x1;
	s15 =	simm.s32 $0x4  }
0x5: {  	s31 =	simm.s32 $0x0;
	s28 =	simm.s32 $0x500;
	s30 =	simm.s32 $0x580  }
0x6: {  	[smem:$0x7FF] =	sst s3;
	s1 =	smul.u32 $0x18700, s12;
	s4 =	sadd.s32 $0x30F800, s0  }
0x7: {  	s6 =	sshll.u32 s12, $0x8;
	s5 =	sand.u32 $0x1, s5;
	s9 =	sadd.s32 $0x371400, s0  }
0x8: {  	s20 =	sshll.u32 s12, $0x1;
	p0 =	seq.s32 s12, $0xF;
	_ =	strace $0x8000004A  }
0x9: {  	s6 =	sadd.s32 s6, s0;
	s8 =	ssub.s32 $0x2, s5;
	[dreg:$0x3] =	wrdreg s20  }
0xa: {  	s21 =	smul.u32 $0x186A00, s5;
	s5 =	sshll.u32 s5, $0x7;
	[dreg:$0xb] =	wrdreg s31  }
0xb: {  	s7 =	sshrl.u32 s1, $0x3;
	s10 =	sshrl.u32 s8, $0x1;
	s11 =	sadd.s32 s1, s2  }
0xc: {  	s25 =	sadd.s32 s5, s6;
	s6 =	simm.s32 $0x680;
	s7 =	sadd.s32 s7, s0  }
0xd: {  	s8 =	ssub.s32 s8, s10;
	s0 =	sadd.s32 $0x36E320, s0;
	s22 =	sadd.s32 s1, s21  }
0xe: {  	s23 =	sshrl.u32 s21, $0x3;
	s29 =	sadd.s32 $0x2200, s25;
	s20 =	sshrl.u32 @!p0 s11, $0x3  }
0xf: {  	s11 =	simm.s32 $0x3;
	s10 =	simm.s32 $0x1800;
	[dreg:$0x5] =	wrdreg s0  }
0x10: {  	s7 =	sadd.s32 $0x340600, s7;
	s0 =	sshrl.u32 s22, $0x3;
	[dreg:$0x9] =	wrdreg s29  }
0x11: {  	s1 =	sadd.s32 s9, s23;
	s26 =	smax.u32 s8, $0x1;
	[dreg:$0x4] =	wrdreg s7  }
0x12: {  	s8 =	simm.s32 $0x700;
	s0 =	sadd.s32 s9, s0;
	[dreg:$0x8] =	wrdreg s26  }
.Ltmp0:
0x13: {  	s24 =	sadd.s32 $0x2DD20, s1;
	[dreg:$0x6] =	wrdreg s0;
	(pc) =	sbr.rel .LBB2_1-.Ltmp0, $4  }
0x14: {  	s7 =	sadd.s32 $0x16E900, s2;
	s9 =	simm.s32 $0x1000;
	[dreg:$0x7] =	wrdreg s24  }
0x15: {  	s0 =	sadd.s32 $0xC5800, s25;
	s18 =	sshrl.u32 @p0 s7, $0x3;
	s24 =	simm.s32 $0x400  }
0x16: {  	s25 =	simm.s32 $0x480;
	[dreg:$0xa] =	wrdreg s0;
	s0 =	sshll.u32 @!p0 s12, $0x6  }
0x17: {  	s7 =	simm.s32 $0x300;
	s19 =	sor.u32 @!p0 $0x1C03, s0;
	s0 =	simm.s32 $0x2  }
.LBB2_5:
0x18: {  	[bflag:$0x0] =	sbarrier.arrive $0xFFFF  }
0x19: {  	s12 =	simm.s32 @p0 $0x1FC3;
	s16 =	rddreg [dreg:$0x7]  }
0x1a: {  	[hbm:s16], [sflag:s12] =	dma.local @p0 [spmem:s18], $0x3020  }
0x1b: {  	s12 =	simm.s32 @p0 $0x3  }
0x1c: {  	_ =	swait.ge @p0 [sflag:s12], $0x3020  }
0x1d: {  	[sflag:s12] =	ssyncset.done @p0 $0x0  }
0x1e: {  	[sflag:s12] =	ssyncadd.s32 @p0 $0xFFFFCFE0;
	s12 =	rddreg [dreg:$0x6]  }
0x1f: {  	[hbm:s12], [sflag:s19] =	dma.local @!p0 [spmem:s20], $0x30E0  }
0x20: {  	s12 =	simm.s32 @!p0 $0x3  }
0x21: {  	_ =	swait.ge @!p0 [sflag:s12], $0x30E0  }
0x22: {  	s1 =	rddreg [dreg:$0xb]  }
0x23: {  	s31 =	rddreg [dreg:$0x8];
	s1 =	sadd.s32 $0x1, s1  }
0x24: {  	p1 =	sne.s32 s1, s31  }
.Ltmp1:
0x25: {  	_ = 	snop;
	(pc) =	sbr.rel @!p1 .LBB2_6-.Ltmp1, $3  }
0x26: {  	_ =	sdelay $0x1  }
0x27: {  	[sflag:s12] =	ssyncset.done @!p0 $0x0  }
0x28: {  	[sflag:s12] =	ssyncadd.s32 @!p0 $0xFFFFCF20;
	[dreg:$0xb] =	wrdreg s1  }
.LBB2_1:
0x29: {  	s12 =	simm.s32 @p0 $0x1FC3;
	s16 =	rddreg [dreg:$0x5]  }
0x2a: {  	[spmem:s18], [sflag:s12] =	dma.local @p0 [hbm:s16], $0x3020  }
0x2b: {  	s12 =	simm.s32 @p0 $0x3  }
0x2c: {  	_ =	swait.ge @p0 [sflag:s12], $0x3020  }
0x2d: {  	[sflag:s12] =	ssyncset.done @p0 $0x0  }
0x2e: {  	[sflag:s12] =	ssyncadd.s32 @p0 $0xFFFFCFE0;
	s12 =	rddreg [dreg:$0x4]  }
0x2f: {  	[spmem:s20], [sflag:s19] =	dma.local @!p0 [hbm:s12], $0x30E0  }
0x30: {  	s12 =	simm.s32 @!p0 $0x3  }
.Ltmp2:
0x31: {  	_ =	swait.ge @!p0 [sflag:s12], $0x30E0;
	(pc) =	sbr.rel .LBB2_2-.Ltmp2, $4  }
0x32: {  	[sflag:s12] =	ssyncset.done @!p0 $0x0  }
0x33: {  	[sflag:s12] =	ssyncadd.s32 @!p0 $0xFFFFCF20  }
0x34: {  	[bflag:$0x0] =	sbarrier.arrive $0xFFFF  }
0x35: {  	s16 =	simm.s32 $0x0;
	s12 =	rddreg [dreg:$0x3]  }
.LBB2_4:
0x36: {  	s16 =	sadd.s32 $0x1000, s16  }
0x37: {  	p1 =	sne.s32 s16, $0xC4000  }
.Ltmp3:
0x38: {  	_ = 	snop;
	(pc) =	sbr.rel @!p1 .LBB2_5-.Ltmp3, $2  }
0x39: {  	_ =	sdelay $0x2  }
0x3a: {  	s12 =	sadd.s32 $0x20, s12  }
.LBB2_2:
0x3b: {  	p1 =	sgt.u32 s12, $0x1869  }
.Ltmp4:
0x3c: {  	_ = 	snop;
	(pc) =	sbr.rel @p1 .LBB2_4-.Ltmp4, $1  }
0x3d: {  	_ =	sdelay $0x3  }
0x3e: {  	s22 =	rddreg [dreg:$0x9]  }
0x3f: {  	s21 =	smov.u32 s18;
	s23 =	rddreg [dreg:$0xa];
	s18 =	sadd.s32 s16, s22  }
0x40: {  	[tilespmem:s3], [sflag:$0x2] =	stream.linear.gather [hbm4b:s18+s3], $0x80, $0x38;
	[tilespmem:$0x1CEA0] =	vst v63  }
0x41: {  	s22 =	smov.u32 s19;
	s19 =	sadd.s32 s16, s23  }
0x42: {  	[tilespmem:s24], [sflag:$0x2] =	stream.linear.gather [hbm4b:s19+s3], $0x80, $0x38;
	[tilespmem:$0x1CEA0] =	vst v63  }
0x43: {  	s26 =	sadd.s32 $0x10, s18  }
0x44: {  	[tilespmem:s17], [sflag:$0x2] =	stream.linear.gather [hbm4b:s26+s3], $0x80, $0x38;
	[tilespmem:$0x1CEA0] =	vst v63  }
0x45: {  	s29 =	sadd.s32 $0x10, s19  }
0x46: {  	[tilespmem:s25], [sflag:$0x2] =	stream.linear.gather [hbm4b:s29+s3], $0x80, $0x38;
	[tilespmem:$0x1CEA0] =	vst v63  }
0x47: {  	s31 =	sadd.s32 $0x20, s18;
	s26 =	simm.s32 $0x100  }
0x48: {  	[tilespmem:s26], [sflag:$0x2] =	stream.linear.gather [hbm4b:s31+s3], $0x80, $0x38;
	[tilespmem:$0x1CEA0] =	vst v63  }
0x49: {  	s1 =	sadd.s32 $0x20, s19  }
0x4a: {  	[tilespmem:s28], [sflag:$0x2] =	stream.linear.gather [hbm4b:s1+s3], $0x80, $0x38;
	[tilespmem:$0x1CEA0] =	vst v63  }
0x4b: {  	s5 =	sadd.s32 $0x30, s18;
	s29 =	simm.s32 $0x180  }
0x4c: {  	[tilespmem:s29], [sflag:$0x2] =	stream.linear.gather [hbm4b:s5+s3], $0x80, $0x38;
	[tilespmem:$0x1CEA0] =	vst v63  }
0x4d: {  	s31 =	sadd.s32 $0x30, s19  }
0x4e: {  	[tilespmem:s30], [sflag:$0x2] =	stream.linear.gather [hbm4b:s31+s3], $0x80, $0x38;
	[tilespmem:$0x1CEA0] =	vst v63  }
0x4f: {  	s1 =	sadd.s32 $0x40, s18;
	s31 =	simm.s32 $0x200  }
0x50: {  	[tilespmem:s31], [sflag:$0x2] =	stream.linear.gather [hbm4b:s1+s3], $0x80, $0x38;
	[tilespmem:$0x1CEA0] =	vst v63  }
0x51: {  	s5 =	sadd.s32 $0x40, s19;
	s1 =	simm.s32 $0x600  }
0x52: {  	[tilespmem:s1], [sflag:$0x2] =	stream.linear.gather [hbm4b:s5+s3], $0x80, $0x38;
	[tilespmem:$0x1CEA0] =	vst v63  }
0x53: {  	s23 =	smov.u32 s20;
	s20 =	sadd.s32 $0x50, s18;
	s5 =	simm.s32 $0x280  }
0x54: {  	[tilespmem:s5], [sflag:$0x2] =	stream.linear.gather [hbm4b:s20+s3], $0x80, $0x38;
	[tilespmem:$0x1CEA0] =	vst v63  }
0x55: {  	s20 =	sadd.s32 $0x50, s19  }
0x56: {  	[tilespmem:s6], [sflag:$0x2] =	stream.linear.gather [hbm4b:s20+s3], $0x80, $0x38;
	[tilespmem:$0x1CEA0] =	vst v63  }
0x57: {  	s20 =	sadd.s32 $0x60, s18  }
0x58: {  	[tilespmem:s7], [sflag:$0x2] =	stream.linear.gather [hbm4b:s20+s3], $0x80, $0x38;
	[tilespmem:$0x1CEA0] =	vst v63  }
0x59: {  	s20 =	sadd.s32 $0x60, s19  }
0x5a: {  	[tilespmem:s8], [sflag:$0x2] =	stream.linear.gather [hbm4b:s20+s3], $0x80, $0x38;
	[tilespmem:$0x1CEA0] =	vst v63  }
0x5b: {  	s18 =	sadd.s32 $0x70, s18;
	s20 =	smov.u32 s23;
	s23 =	simm.s32 $0x380  }
0x5c: {  	[tilespmem:s23], [sflag:$0x2] =	stream.linear.gather [hbm4b:s18+s3], $0x80, $0x38;
	[tilespmem:$0x1CEA0] =	vst v63  }
0x5d: {  	s18 =	sadd.s32 $0x70, s19;
	s19 =	smov.u32 s22;
	s22 =	simm.s32 $0x780  }
0x5e: {  	[tilespmem:s22], [sflag:$0x2] =	stream.linear.gather [hbm4b:s18+s3], $0x80, $0x38;
	[tilespmem:$0x1CEA0] =	vst v63  }
0x5f: {  	_ =	swait.ge [sflag:s0], $0x80  }
0x60: {  	[sflag:s0] =	ssyncset.done $0x0  }
0x61: {  	[sflag:s0] =	ssyncadd.s32 $0xFFFFFF80  }
0x62: {  	_ =	swait.ge [sflag:s0], $0x80  }
0x63: {  	[sflag:s0] =	ssyncset.done $0x0  }
0x64: {  	[sflag:s0] =	ssyncadd.s32 $0xFFFFFF80  }
0x65: {  	_ =	swait.ge [sflag:s0], $0x80  }
0x66: {  	[sflag:s0] =	ssyncset.done $0x0  }
0x67: {  	[sflag:s0] =	ssyncadd.s32 $0xFFFFFF80  }
0x68: {  	_ =	swait.ge [sflag:s0], $0x80  }
0x69: {  	[sflag:s0] =	ssyncset.done $0x0  }
0x6a: {  	[sflag:s0] =	ssyncadd.s32 $0xFFFFFF80  }
0x6b: {  	_ =	swait.ge [sflag:s0], $0x80  }
0x6c: {  	[sflag:s0] =	ssyncset.done $0x0  }
0x6d: {  	[sflag:s0] =	ssyncadd.s32 $0xFFFFFF80  }
0x6e: {  	_ =	swait.ge [sflag:s0], $0x80  }
0x6f: {  	[sflag:s0] =	ssyncset.done $0x0  }
0x70: {  	[sflag:s0] =	ssyncadd.s32 $0xFFFFFF80  }
0x71: {  	_ =	swait.ge [sflag:s0], $0x80  }
0x72: {  	[sflag:s0] =	ssyncset.done $0x0  }
0x73: {  	[sflag:s0] =	ssyncadd.s32 $0xFFFFFF80  }
0x74: {  	_ =	swait.ge [sflag:s0], $0x80  }
0x75: {  	[sflag:s0] =	ssyncset.done $0x0  }
0x76: {  	[sflag:s0] =	ssyncadd.s32 $0xFFFFFF80  }
0x77: {  	_ =	swait.ge [sflag:s0], $0x80  }
0x78: {  	[sflag:s0] =	ssyncset.done $0x0  }
0x79: {  	[sflag:s0] =	ssyncadd.s32 $0xFFFFFF80  }
0x7a: {  	_ =	swait.ge [sflag:s0], $0x80  }
0x7b: {  	[sflag:s0] =	ssyncset.done $0x0  }
0x7c: {  	[sflag:s0] =	ssyncadd.s32 $0xFFFFFF80  }
0x7d: {  	_ =	swait.ge [sflag:s0], $0x80  }
0x7e: {  	[sflag:s0] =	ssyncset.done $0x0  }
0x7f: {  	[sflag:s0] =	ssyncadd.s32 $0xFFFFFF80  }
0x80: {  	_ =	swait.ge [sflag:s0], $0x80  }
0x81: {  	[sflag:s0] =	ssyncset.done $0x0  }
0x82: {  	[sflag:s0] =	ssyncadd.s32 $0xFFFFFF80  }
0x83: {  	_ =	swait.ge [sflag:s0], $0x80  }
0x84: {  	[sflag:s0] =	ssyncset.done $0x0  }
0x85: {  	[sflag:s0] =	ssyncadd.s32 $0xFFFFFF80  }
0x86: {  	_ =	swait.ge [sflag:s0], $0x80  }
0x87: {  	[sflag:s0] =	ssyncset.done $0x0  }
0x88: {  	[sflag:s0] =	ssyncadd.s32 $0xFFFFFF80  }
0x89: {  	_ =	swait.ge [sflag:s0], $0x80  }
0x8a: {  	[sflag:s0] =	ssyncset.done $0x0  }
0x8b: {  	[sflag:s0] =	ssyncadd.s32 $0xFFFFFF80  }
0x8c: {  	_ =	swait.ge [sflag:s0], $0x80  }
0x8d: {  	[sflag:s0] =	ssyncset.done $0x0  }
0x8e: {  	s18 =	smov.u32 s21;
	s21 =	simm.s32 $0x800;
	[sflag:s0] =	ssyncadd.s32 $0xFFFFFF80  }
0x8f: {  	[tilespmem:s21], [sflag:$0x1] =	stream.indirect.gather [hbm4b:s4+s17], $0x10, s3, s17, $0xb8;
	[tilespmem:$0x1CEA0] =	vst v63  }
0x90: {  	_ = 	snop  }
0x91: {  	[tilespmem:s9], [sflag:$0x1] =	stream.indirect.gather [hbm4b:s4+s17], $0x10, s17, s17, $0xb8;
	[tilespmem:$0x1CEA0] =	vst v63  }
0x92: {  	_ = 	snop  }
0x93: {  	[tilespmem:s10], [sflag:$0x1] =	stream.indirect.gather [hbm4b:s4+s17], $0x10, s26, s17, $0xb8;
	[tilespmem:$0x1CEA0] =	vst v63  }
0x94: {  	s26 =	simm.s32 $0x2000  }
0x95: {  	[tilespmem:s26], [sflag:$0x1] =	stream.indirect.gather [hbm4b:s4+s17], $0x10, s29, s17, $0xb8;
	[tilespmem:$0x1CEA0] =	vst v63  }
0x96: {  	s29 =	simm.s32 $0x2800  }
0x97: {  	[tilespmem:s29], [sflag:$0x1] =	stream.indirect.gather [hbm4b:s4+s17], $0x10, s31, s17, $0xb8;
	[tilespmem:$0x1CEA0] =	vst v63  }
0x98: {  	s31 =	simm.s32 $0x3000  }
0x99: {  	[tilespmem:s31], [sflag:$0x1] =	stream.indirect.gather [hbm4b:s4+s17], $0x10, s5, s17, $0xb8;
	[tilespmem:$0x1CEA0] =	vst v63  }
0x9a: {  	s5 =	simm.s32 $0x3800  }
0x9b: {  	[tilespmem:s5], [sflag:$0x1] =	stream.indirect.gather [hbm4b:s4+s17], $0x10, s7, s17, $0xb8;
	[tilespmem:$0x1CEA0] =	vst v63  }
0x9c: {  	_ = 	snop  }
0x9d: {  	[tilespmem:s13], [sflag:$0x1] =	stream.indirect.gather [hbm4b:s4+s17], $0x10, s23, s17, $0xb8;
	[tilespmem:$0x1CEA0] =	vst v63  }
0x9e: {  	_ =	swait.ge [sflag:s14], $0x800  }
0x9f: {  	[sflag:s14] =	ssyncset.done $0x0  }
0xa0: {  	[sflag:s14] =	ssyncadd.s32 $0xFFFFF800  }
0xa1: {  	_ =	swait.ge [sflag:s14], $0x800  }
0xa2: {  	[sflag:s14] =	ssyncset.done $0x0  }
0xa3: {  	[sflag:s14] =	ssyncadd.s32 $0xFFFFF800  }
0xa4: {  	_ =	swait.ge [sflag:s14], $0x800  }
0xa5: {  	[sflag:s14] =	ssyncset.done $0x0  }
0xa6: {  	[sflag:s14] =	ssyncadd.s32 $0xFFFFF800  }
0xa7: {  	_ =	swait.ge [sflag:s14], $0x800  }
0xa8: {  	[sflag:s14] =	ssyncset.done $0x0  }
0xa9: {  	[sflag:s14] =	ssyncadd.s32 $0xFFFFF800  }
0xaa: {  	_ =	swait.ge [sflag:s14], $0x800  }
0xab: {  	[sflag:s14] =	ssyncset.done $0x0  }
0xac: {  	[sflag:s14] =	ssyncadd.s32 $0xFFFFF800  }
0xad: {  	_ =	swait.ge [sflag:s14], $0x800  }
0xae: {  	[sflag:s14] =	ssyncset.done $0x0  }
0xaf: {  	[sflag:s14] =	ssyncadd.s32 $0xFFFFF800  }
0xb0: {  	_ =	swait.ge [sflag:s14], $0x800  }
0xb1: {  	[sflag:s14] =	ssyncset.done $0x0  }
0xb2: {  	[sflag:s14] =	ssyncadd.s32 $0xFFFFF800  }
0xb3: {  	_ =	swait.ge [sflag:s14], $0x800  }
0xb4: {  	[sflag:s14] =	ssyncset.done $0x0  }
0xb5: {  	[sflag:s14] =	ssyncadd.s32 $0xFFFFF800  }
0xb6: {  	[spmem:s2] =	stream.indirect.scatter.add.f32 [tilespmem:s21], [sflag:$0x4], $0x10, s24, s17, $0xb8;
	[tilespmem:$0x1CEA0] =	vst v63  }
0xb7: {  	_ =	swait.ge [sflag:s15], $0x800  }
0xb8: {  	[sflag:s15] =	ssyncset.done $0x0  }
0xb9: {  	[sflag:s15] =	ssyncadd.s32 $0xFFFFF800  }
0xba: {  	[spmem:s2] =	stream.indirect.scatter.add.f32 [tilespmem:s9], [sflag:$0x4], $0x10, s25, s17, $0xb8;
	[tilespmem:$0x1CEA0] =	vst v63  }
0xbb: {  	_ =	swait.ge [sflag:s15], $0x800  }
0xbc: {  	[sflag:s15] =	ssyncset.done $0x0  }
0xbd: {  	[sflag:s15] =	ssyncadd.s32 $0xFFFFF800  }
0xbe: {  	[spmem:s2] =	stream.indirect.scatter.add.f32 [tilespmem:s10], [sflag:$0x4], $0x10, s28, s17, $0xb8;
	[tilespmem:$0x1CEA0] =	vst v63  }
0xbf: {  	_ =	swait.ge [sflag:s15], $0x800  }
0xc0: {  	[sflag:s15] =	ssyncset.done $0x0  }
0xc1: {  	[sflag:s15] =	ssyncadd.s32 $0xFFFFF800  }
0xc2: {  	[spmem:s2] =	stream.indirect.scatter.add.f32 [tilespmem:s26], [sflag:$0x4], $0x10, s30, s17, $0xb8;
	[tilespmem:$0x1CEA0] =	vst v63  }
0xc3: {  	_ =	swait.ge [sflag:s15], $0x800  }
0xc4: {  	[sflag:s15] =	ssyncset.done $0x0  }
0xc5: {  	[sflag:s15] =	ssyncadd.s32 $0xFFFFF800  }
0xc6: {  	[spmem:s2] =	stream.indirect.scatter.add.f32 [tilespmem:s29], [sflag:$0x4], $0x10, s1, s17, $0xb8;
	[tilespmem:$0x1CEA0] =	vst v63  }
0xc7: {  	_ =	swait.ge [sflag:s15], $0x800  }
0xc8: {  	[sflag:s15] =	ssyncset.done $0x0  }
0xc9: {  	[sflag:s15] =	ssyncadd.s32 $0xFFFFF800  }
0xca: {  	[spmem:s2] =	stream.indirect.scatter.add.f32 [tilespmem:s31], [sflag:$0x4], $0x10, s6, s17, $0xb8;
	[tilespmem:$0x1CEA0] =	vst v63  }
0xcb: {  	_ =	swait.ge [sflag:s15], $0x800  }
0xcc: {  	[sflag:s15] =	ssyncset.done $0x0  }
0xcd: {  	[sflag:s15] =	ssyncadd.s32 $0xFFFFF800  }
0xce: {  	[spmem:s2] =	stream.indirect.scatter.add.f32 [tilespmem:s5], [sflag:$0x4], $0x10, s8, s17, $0xb8;
	[tilespmem:$0x1CEA0] =	vst v63  }
0xcf: {  	_ =	swait.ge [sflag:s15], $0x800  }
0xd0: {  	[sflag:s15] =	ssyncset.done $0x0  }
.Ltmp5:
0xd1: {  	[sflag:s15] =	ssyncadd.s32 $0xFFFFF800;
	(pc) =	sbr.rel .LBB2_4-.Ltmp5, $4  }
0xd2: {  	[spmem:s2] =	stream.indirect.scatter.add.f32 [tilespmem:s13], [sflag:$0x3], $0x10, s22, s17, $0xb8;
	[tilespmem:$0x1CEA0] =	vst v63  }
0xd3: {  	_ =	swait.ge [sflag:s11], $0x800  }
0xd4: {  	[sflag:s11] =	ssyncset.done $0x0  }
0xd5: {  	[sflag:s11] =	ssyncadd.s32 $0xFFFFF800  }
.LBB2_6:
0xd6: {  	_ =	sfence.sel $0x180000  }
0xd7: {  	[bflag:$0x0] =	sbarrier.arrive $0xFFFF  }
0xd8: {  	_ =	strace $0x9000004A  }
0xd9: {  	s0 =	stileid.u32;
	[bflag:$0x2] =	sbarrier.arrive $0xFFFF  }
0xda: {  	p0 =	sne.s32 s0, $0x0;
	s0 =	rddreg [dreg:$0x2]  }
0xdb: {  	s0 =	sadd.s32 @!p0 $0x100000, s0  }
0xdc: {  	[sflag:s0] =	ssyncadd.tile.s32 @!p0 $0x1;
	_ =	shalt  }
.Lfunc_end2:
_tile_overlayer_lowered:
.L_overlay_start_2:
0xdd: {  	(tag) =	ssettag $0x2  }
0xde: {  	s0 =	rddreg [dreg:$0x0];
	s2 =	stileid.u32  }
0xdf: {  	s1 =	rddreg [dreg:$0x1];
	p0 =	sne.s32 s2, $0x0  }
0xe0: {  	s3 =	rddreg [dreg:$0x2];
	[bflag:$0x3] =	sbarrier.arrive $0xFFFF;
	s2 =	simm.s32 @!p0 $0x1C03  }
0xe1: {  	[timem:s3], [sflag:s2] =	dma.local @!p0 [hbm:s0], s1  }
0xe2: {  	s0 =	simm.s32 @!p0 $0x3  }
0xe3: {  	_ =	swait.ge @!p0 [sflag:s0], s1  }
0xe4: {  	s1 =	ssub.s32 @!p0 $0x0, s1;
	[sflag:s0] =	ssyncset.done @!p0 $0x0  }
0xe5: {  	[sflag:s0] =	ssyncadd.s32 @!p0 s1  }
0xe6: {  	[bflag:$0x3] =	sbarrier.arrive $0xFFFF  }
0xe7: {  	_ =	shalt  }

// kernel: kernel.14.cloned.1.call-start
scs
__scs_entry_jumppad:
0x0: {  	(pc) =	sbr.rel $0x88, $3  }
0x1: {  	(tag) =	ssettag $0x0;
	lr =	simm.s32 $0x1  }
0x2: {  	[smem:$0x3F99] =	sst lr;
	_ =	strace $0xD0000000  }
0x3: {  	_ = 	snop  }
0x4: {  	_ = 	snop  }
0x5: {  	_ = 	snop  }
0x6: {  	_ = 	snop  }
0x7: {  	_ = 	snop  }
__scs_overlays_trampoline_lowered:
0x8: {  	[smem:$0x3FA8] =	sst s0  }
0x9: {  	[smem:$0x3FA9] =	sst s1  }
0xa: {  	[smem:$0x3FAA] =	sst s2  }
0xb: {  	[smem:$0x3FAB] =	sst s3  }
0xc: {  	[smem:$0x3FAC] =	sst s4  }
0xd: {  	[smem:$0x3FAD] =	sst s5  }
0xe: {  	[smem:$0x3FAE] =	sst s6  }
0xf: {  	[smem:$0x3FAF] =	sst s7  }
0x10: {  	[smem:$0x3FB0] =	sst s8  }
0x11: {  	[smem:$0x3FB1] =	sst s9;
	s0 =	simm.s32 @!p0 $0x0  }
0x12: {  	s1 =	sld [smem:$0x3F97];
	s0 =	simm.s32 @p0 $0x1  }
0x13: {  	[smem:$0x3FB2] =	sst s0;
	s0 =	simm.s32 @!p1 $0x0  }
0x14: {  	s2 =	sld [smem:$0x3F96];
	s0 =	simm.s32 @p1 $0x1  }
0x15: {  	[smem:$0x3FB3] =	sst s0;
	s0 =	simm.s32 @!p2 $0x0  }
0x16: {  	s3 =	sld [smem:$0x3FDB];
	s0 =	simm.s32 @p2 $0x1  }
0x17: {  	s4 =	simm.s32 $0x1BF5;
	[smem:$0x3FB5] =	sst s0  }
0x18: {  	s0 =	sld [smem:$0x3F98];
	_ =	swait.ge [sflag:s4], $0x0  }
0x19: {  	s7 =	sld [smem:$0x3F99]  }
0x1a: {  	s8 =	sadd.s32 $0xFFFFE003, lr  }
0x1b: {  	s9 =	sadd.s32 $0xFFFFFEF7, lr;
	s5 =	simm.s32 $0xFFFFFFFF;
	p2 =	slt.u32 s8, $0xFFFFF086  }
0x1c: {  	p1 =	slt.u32 s9, $0xF7A;
	s5 =	simm.s32 @!p2 $0x0  }
0x1d: {  	s5 =	simm.s32 @p1 $0x1;
	p0 =	seq.s32 s7, s2  }
0x1e: {  	s7 =	smul.u32 @!p0 $0xF7A, s2;
	p2 =	seq.s32 @!p0 s5, $0x0  }
0x1f: {  	s9 =	smul.u32 $0xF7A, s1;
	s8 =	simm.s32 @!p0 $0x1BF5;
	p2 =	por !p2, p0  }
0x20: {  	[sflag:s8] =	ssyncset.s32 @!p0 $0xFFFFF086;
	s6 =	sadd.s32 @!p0 s3, s7;
	s7 =	simm.s32 @!p0 $0x108  }
0x21: {  	s3 =	sadd.s32 s3, s9;
	s6 =	sadd.s32 @!p0 $0x88, s6;
	s7 =	simm.s32 @p2 $0x1082  }
0x22: {  	[simem:s7], [sflag:s8] =	dma.local @!p0 [hbm:s6], $0xF7A  }
0x23: {  	s9 =	sor.u32 $0xD0000000, s2;
	s6 =	simm.s32 $0x108;
	_ =	swait.ge @!p0 [sflag:s8], $0x0  }
0x24: {  	s3 =	sadd.s32 $0x88, s3;
	s6 =	simm.s32 @!p1 $0x1082;
	[sflag:s4] =	ssyncset.s32 $0xFFFFF086  }
0x25: {  	[simem:s6], [sflag:s4] =	dma.local [hbm:s3], $0xF7A  }
0x26: {  	[smem:$0x3F99] =	sst s1;
	(tag) =	ssettag s2;
	_ =	strace s9  }
0x27: {  	s1 =	sld [smem:$0x3FA9]  }
0x28: {  	s2 =	sld [smem:$0x3FAA]  }
0x29: {  	s4 =	sld [smem:$0x3FAC]  }
0x2a: {  	p0 =	seq.s32 s5, $0x0;
	s5 =	sld [smem:$0x3FAD]  }
0x2b: {  	s6 =	sld [smem:$0x3FAE]  }
0x2c: {  	s7 =	sld [smem:$0x3FAF]  }
0x2d: {  	s3 =	simm.s32 $0x108;
	s8 =	sld [smem:$0x3FB0]  }
0x2e: {  	s3 =	simm.s32 @!p0 $0x1082;
	s9 =	sld [smem:$0x3FB1]  }
0x2f: {  	lr =	sadd.s32 s0, s3;
	s0 =	sld [smem:$0x3FA8]  }
0x30: {  	s3 =	sld [smem:$0x3FAB]  }
0x31: {  	[smem:$0x3FB4] =	sst s10  }
0x32: {  	s10 =	sld [smem:$0x3FB2];
	_ =	sdelay $0x3  }
0x33: {  	p0 =	seq.s32 s10, $0x1;
	s10 =	sld [smem:$0x3FB4];
	_ =	sdelay $0x3  }
0x34: {  	[smem:$0x3FB4] =	sst s10  }
0x35: {  	s10 =	sld [smem:$0x3FB3];
	_ =	sdelay $0x3  }
0x36: {  	p1 =	seq.s32 s10, $0x1;
	s10 =	sld [smem:$0x3FB4];
	_ =	sdelay $0x3  }
0x37: {  	[smem:$0x3FB4] =	sst s10  }
0x38: {  	s10 =	sld [smem:$0x3FB5]  }
0x39: {  	_ = 	snop;
	(pc) =	sbr.ind lr, $3  }
0x3a: {  	_ = 	snop  }
0x3b: {  	_ = 	snop  }
0x3c: {  	p2 =	seq.s32 s10, $0x1;
	s10 =	sld [smem:$0x3FB4]  }
0x3d: {  	_ =	shalt  }
0x3e: {  	_ =	shalt  }
0x3f: {  	_ =	shalt  }
0x40: {  	_ =	shalt  }
0x41: {  	_ =	shalt  }
0x42: {  	_ =	shalt  }
0x43: {  	_ =	shalt  }
0x44: {  	_ =	shalt  }
0x45: {  	_ =	shalt  }
0x46: {  	_ =	shalt  }
0x47: {  	_ =	shalt  }
0x48: {  	_ =	shalt  }
0x49: {  	_ =	shalt  }
0x4a: {  	_ =	shalt  }
0x4b: {  	_ =	shalt  }
0x4c: {  	_ =	shalt  }
0x4d: {  	_ =	shalt  }
0x4e: {  	_ =	shalt  }
0x4f: {  	_ =	shalt  }
0x50: {  	_ =	shalt  }
0x51: {  	_ =	shalt  }
0x52: {  	_ =	shalt  }
0x53: {  	_ =	shalt  }
0x54: {  	_ =	shalt  }
0x55: {  	_ =	shalt  }
0x56: {  	_ =	shalt  }
0x57: {  	_ =	shalt  }
0x58: {  	_ =	shalt  }
0x59: {  	_ =	shalt  }
0x5a: {  	_ =	shalt  }
0x5b: {  	_ =	shalt  }
0x5c: {  	_ =	shalt  }
0x5d: {  	_ =	shalt  }
0x5e: {  	_ =	shalt  }
0x5f: {  	_ =	shalt  }
0x60: {  	_ =	shalt  }
0x61: {  	_ =	shalt  }
0x62: {  	_ =	shalt  }
0x63: {  	_ =	shalt  }
0x64: {  	_ =	shalt  }
0x65: {  	_ =	shalt  }
0x66: {  	_ =	shalt  }
0x67: {  	_ =	shalt  }
0x68: {  	_ =	shalt  }
0x69: {  	_ =	shalt  }
0x6a: {  	_ =	shalt  }
0x6b: {  	_ =	shalt  }
0x6c: {  	_ =	shalt  }
0x6d: {  	_ =	shalt  }
0x6e: {  	_ =	shalt  }
0x6f: {  	_ =	shalt  }
0x70: {  	_ =	shalt  }
0x71: {  	_ =	shalt  }
0x72: {  	_ =	shalt  }
0x73: {  	_ =	shalt  }
0x74: {  	_ =	shalt  }
0x75: {  	_ =	shalt  }
0x76: {  	_ =	shalt  }
0x77: {  	_ =	shalt  }
0x78: {  	_ =	shalt  }
0x79: {  	_ =	shalt  }
0x7a: {  	_ =	shalt  }
0x7b: {  	_ =	shalt  }
0x7c: {  	_ =	shalt  }
0x7d: {  	_ =	shalt  }
0x7e: {  	_ =	shalt  }
0x7f: {  	_ =	shalt  }
0x80: {  	_ =	shalt  }
0x81: {  	_ =	shalt  }
0x82: {  	_ =	shalt  }
0x83: {  	_ =	shalt  }
0x84: {  	_ =	shalt  }
0x85: {  	_ =	shalt  }
0x86: {  	_ =	shalt  }
0x87: {  	_ =	shalt  }
.Lfunc_end0:
.L_simem_size_0:
called_computation.2_lowered:
.L_overlay_start_0:
0x88: {  	s2 =	sld [smem:$0x3FD9]  }
0x89: {  	s3 =	sld [smem:$0x3FFE];
	_ =	sdelay $0x1  }
0x8a: {  	s1 =	srdreg.scid  }
0x8b: {  	s0 =	sand.u32 $0x1, s1  }
0x8c: {  	s16 =	sshll.u32 s0, $0xA;
	s2 =	sadd.s32 s3, s2  }
0x8d: {  	s2 =	sadd.s32 s2, s16  }
0x8e: {  	[smem:$0x3FC0] =	sst s2  }
0x8f: {  	_ = 	snop  }
0x90: {  	(tm) =	ssettm $0x1  }
0x91: {  	s17 =	sld [smem:$0x3FFB];
	_ =	sdelay $0x3  }
0x92: {  	_ =	strace s17  }
0x93: {  	s2 =	sld [smem:$0x3FFC];
	_ =	sdelay $0x3  }
0x94: {  	_ =	strace s2  }
0x95: {  	s2 =	sld [smem:$0x3FFD];
	_ =	sdelay $0x3  }
0x96: {  	_ =	strace s2  }
0x97: {  	_ =	strace $0x8FFFFFFF  }
0x98: {  	s18 =	sld [smem:$0x3FDB];
	_ =	sdelay $0x1  }
0x99: {  	s19 =	simm.s32 $_scs_section_size  }
0x9a: {  	s4 =	simm.s32 $_size__tile_overlayer_lowered;
	s5 =	simm.s32 $_tile_overlayer_lowered  }
0x9b: {  	s22 =	simm.s32 $0x1BFF;
	s21 =	sshll.u32 s5, $0x1;
	s2 =	sadd.s32 s19, s18  }
0x9c: {  	s6 =	simm.s32 $0x0;
	s20 =	sshll.u32 s4, $0x1;
	s4 =	sadd.s32 s21, s2  }
0x9d: {  	[timem:s6], [sflag:s22] =	dma.local [hbm:s4], s20  }
0x9e: {  	_ =	swait.ge [sflag:s22], s20  }
0x9f: {  	s3 =	ssub.s32 $0x0, s20;
	[sflag:s22] =	ssyncset.done $0x0  }
0xa0: {  	[sflag:s22] =	ssyncadd.s32 s3;
	_ =	sdelay $0x1  }
0xa1: {  	s23 =	simm.s32 $0x1B8B  }
0xa2: {  	_ =	swait.ge [sflag:s23], $0x1  }
0xa3: {  	[sflag:s23] =	ssyncset.done $0x0  }
0xa4: {  	s25 =	simm.s32 $0x1B8E;
	s24 =	sld [smem:$0x3FFE];
	[sflag:s23] =	ssyncadd.s32 $0xFFFFFFFF  }
0xa5: {  	s26 =	simm.s32 $execute0_lowered;
	[smem:$0x3FD2] =	sst s25  }
0xa6: {  	s4 =	sshll.u32 s26, $0x1;
	_ =	strace $0x8000004C;
	[dreg:$0x1] =	wrdreg $0xFFFFFFFF  }
0xa7: {  	s28 =	simm.s32 $_size_execute0_lowered;
	s2 =	sadd.s32 s2, s4;
	[dreg:$0x0] =	wrdreg $0x0  }
0xa8: {  	s4 =	sshll.u32 s28, $0x1;
	[dreg:$0x2] =	wrdreg s2  }
0xa9: {  	[dreg:$0x3] =	wrdreg s4  }
0xaa: {  	[dreg:$0x4] =	wrdreg $0xC0  }
0xab: {  	_ =	task [dreg:s6], $0x5FFFF  }
0xac: {  	[dreg:$0x1] =	wrdreg $0xFFFFFFFF  }
0xad: {  	[dreg:$0x0] =	wrdreg $0x60  }
0xae: {  	[dreg:$0x2] =	wrdreg s24  }
0xaf: {  	[dreg:$0x3] =	wrdreg $0x28000  }
0xb0: {  	[dreg:$0x4] =	wrdreg $0x9  }
0xb1: {  	_ =	task.clear_ibuf [dreg:s6], $0x5FFFF;
	_ =	strace $0x9000004C  }
0xb2: {  	s29 =	simm.s32 $0x9;
	_ =	strace $0x8000004E  }
0xb3: {  	_ =	swait.ge [sflag:s29], $0x1  }
0xb4: {  	[sflag:s29] =	ssyncadd.s32 $0xFFFFFFFF  }
0xb5: {  	_ =	strace $0x9000004E  }
0xb6: {  	_ =	sfence  }
0xb7: {  	s30 =	sld [smem:$0x0];
	_ =	sdelay $0x2  }
0xb8: {  	s31 =	sshll.u32 s1, $0xD;
	s1 =	sshrl.u32 s1, $0x2  }
0xb9: {  	s3 =	sand.u32 $0x4000, s31;
	s1 =	sadd.s32 s1, s30  }
0xba: {  	s0 =	sor.u32 s3, s0;
	s1 =	sshll.u32 s1, $0x11  }
0xbb: {  	s0 =	sor.u32 s1, s0  }
0xbc: {  	s0 =	sadd.s32 $0x8F2B, s0  }
0xbd: {  	[sflag:s0] =	ssyncadd.remote.s32 $0x1  }
0xbe: {  	_ =	sfence.sel $0xFFFF  }
0xbf: {  	[dreg:$0x0] =	wrdreg $0xFFFFFFFF;
	(pc) =	sbr.abs _section_cstart, $3  }
0xc0: {  	[dreg:$0x1] =	wrdreg $0xFFFFFFFF  }
0xc1: {  	_ =	task.clear_ibuf [dreg:s6], $0x2FFFF;
	_ =	strace $0x9FFFFFFF  }
0xc2: {  	(tm) =	ssettm $0x7FFFFFFF  }
0xc3: {  	_ =	shalt  }
tec
execute0_lowered:
.L_overlay_start_1:
0x0: {  	(tag) =	ssettag $0x1  }
0x1: {  	s0 =	rddreg [dreg:$0x0]  }
0x2: {  	s2 =	rddreg [dreg:$0x1];
	s3 =	simm.s32 $0x0  }
0x3: {  	s12 =	stileid.u32;
	s5 =	srdreg.scid;
	s17 =	simm.s32 $0x80  }
0x4: {  	s13 =	simm.s32 $0x2400;
	s14 =	simm.s32 $0x1;
	s15 =	simm.s32 $0x4  }
0x5: {  	s31 =	simm.s32 $0x0;
	s28 =	simm.s32 $0x500;
	s30 =	simm.s32 $0x580  }
0x6: {  	[smem:$0x7FF] =	sst s3;
	s1 =	smul.u32 $0xC380, s12;
	s4 =	sadd.s32 $0x188E00, s0  }
0x7: {  	s6 =	sshll.u32 s12, $0x8;
	s5 =	sand.u32 $0x1, s5;
	s9 =	sadd.s32 $0x1B9E00, s0  }
0x8: {  	s20 =	sshll.u32 s12, $0x1;
	p0 =	seq.s32 s12, $0xF;
	_ =	strace $0x8000004D  }
0x9: {  	s6 =	sadd.s32 s6, s0;
	s8 =	ssub.s32 $0x2, s5;
	[dreg:$0x3] =	wrdreg s20  }
0xa: {  	s21 =	smul.u32 $0xC3500, s5;
	s5 =	sshll.u32 s5, $0x7;
	[dreg:$0xb] =	wrdreg s31  }
0xb: {  	s7 =	sshrl.u32 s1, $0x3;
	s10 =	sshrl.u32 s8, $0x1;
	s11 =	sadd.s32 s1, s2  }
0xc: {  	s25 =	sadd.s32 s5, s6;
	s6 =	simm.s32 $0x680;
	s7 =	sadd.s32 s7, s0  }
0xd: {  	s8 =	ssub.s32 s8, s10;
	s0 =	sadd.s32 $0x1B8490, s0;
	s22 =	sadd.s32 s1, s21  }
0xe: {  	s23 =	sshrl.u32 s21, $0x3;
	s29 =	sadd.s32 $0x2200, s25;
	s20 =	sshrl.u32 @!p0 s11, $0x3  }
0xf: {  	s11 =	simm.s32 $0x3;
	s10 =	simm.s32 $0x1000;
	[dreg:$0x5] =	wrdreg s0  }
0x10: {  	s7 =	sadd.s32 $0x1A1600, s7;
	s0 =	sshrl.u32 s22, $0x3;
	[dreg:$0x9] =	wrdreg s29  }
0x11: {  	s1 =	sadd.s32 s9, s23;
	s26 =	smax.u32 s8, $0x1;
	[dreg:$0x4] =	wrdreg s7  }
0x12: {  	s8 =	simm.s32 $0x700;
	s0 =	sadd.s32 s9, s0;
	[dreg:$0x8] =	wrdreg s26  }
.Ltmp0:
0x13: {  	s24 =	sadd.s32 $0x16E90, s1;
	[dreg:$0x6] =	wrdreg s0;
	(pc) =	sbr.rel .LBB2_1-.Ltmp0, $4  }
0x14: {  	s7 =	sadd.s32 $0xB7480, s2;
	s9 =	simm.s32 $0xC00;
	[dreg:$0x7] =	wrdreg s24  }
0x15: {  	s0 =	sadd.s32 $0xC5800, s25;
	s18 =	sshrl.u32 @p0 s7, $0x3;
	s24 =	simm.s32 $0x400  }
0x16: {  	s25 =	simm.s32 $0x480;
	[dreg:$0xa] =	wrdreg s0;
	s0 =	sshll.u32 @!p0 s12, $0x6  }
0x17: {  	s7 =	simm.s32 $0x300;
	s19 =	sor.u32 @!p0 $0x1C03, s0;
	s0 =	simm.s32 $0x2  }
.LBB2_5:
0x18: {  	[bflag:$0x0] =	sbarrier.arrive $0xFFFF  }
0x19: {  	s12 =	simm.s32 @p0 $0x1FC3;
	s16 =	rddreg [dreg:$0x7]  }
0x1a: {  	[hbm:s16], [sflag:s12] =	dma.local @p0 [spmem:s18], $0x1810  }
0x1b: {  	s12 =	simm.s32 @p0 $0x3  }
0x1c: {  	_ =	swait.ge @p0 [sflag:s12], $0x1810  }
0x1d: {  	[sflag:s12] =	ssyncset.done @p0 $0x0  }
0x1e: {  	[sflag:s12] =	ssyncadd.s32 @p0 $0xFFFFE7F0;
	s12 =	rddreg [dreg:$0x6]  }
0x1f: {  	[hbm:s12], [sflag:s19] =	dma.local @!p0 [spmem:s20], $0x1870  }
0x20: {  	s12 =	simm.s32 @!p0 $0x3  }
0x21: {  	_ =	swait.ge @!p0 [sflag:s12], $0x1870  }
0x22: {  	s1 =	rddreg [dreg:$0xb]  }
0x23: {  	s31 =	rddreg [dreg:$0x8];
	s1 =	sadd.s32 $0x1, s1  }
0x24: {  	p1 =	sne.s32 s1, s31  }
.Ltmp1:
0x25: {  	_ = 	snop;
	(pc) =	sbr.rel @!p1 .LBB2_6-.Ltmp1, $3  }
0x26: {  	_ =	sdelay $0x1  }
0x27: {  	[sflag:s12] =	ssyncset.done @!p0 $0x0  }
0x28: {  	[sflag:s12] =	ssyncadd.s32 @!p0 $0xFFFFE790;
	[dreg:$0xb] =	wrdreg s1  }
.LBB2_1:
0x29: {  	s12 =	simm.s32 @p0 $0x1FC3;
	s16 =	rddreg [dreg:$0x5]  }
0x2a: {  	[spmem:s18], [sflag:s12] =	dma.local @p0 [hbm:s16], $0x1810  }
0x2b: {  	s12 =	simm.s32 @p0 $0x3  }
0x2c: {  	_ =	swait.ge @p0 [sflag:s12], $0x1810  }
0x2d: {  	[sflag:s12] =	ssyncset.done @p0 $0x0  }
0x2e: {  	[sflag:s12] =	ssyncadd.s32 @p0 $0xFFFFE7F0;
	s12 =	rddreg [dreg:$0x4]  }
0x2f: {  	[spmem:s20], [sflag:s19] =	dma.local @!p0 [hbm:s12], $0x1870  }
0x30: {  	s12 =	simm.s32 @!p0 $0x3  }
.Ltmp2:
0x31: {  	_ =	swait.ge @!p0 [sflag:s12], $0x1870;
	(pc) =	sbr.rel .LBB2_2-.Ltmp2, $4  }
0x32: {  	[sflag:s12] =	ssyncset.done @!p0 $0x0  }
0x33: {  	[sflag:s12] =	ssyncadd.s32 @!p0 $0xFFFFE790  }
0x34: {  	[bflag:$0x0] =	sbarrier.arrive $0xFFFF  }
0x35: {  	s16 =	simm.s32 $0x0;
	s12 =	rddreg [dreg:$0x3]  }
.LBB2_4:
0x36: {  	s16 =	sadd.s32 $0x1000, s16  }
0x37: {  	p1 =	sne.s32 s16, $0xC4000  }
.Ltmp3:
0x38: {  	_ = 	snop;
	(pc) =	sbr.rel @!p1 .LBB2_5-.Ltmp3, $2  }
0x39: {  	_ =	sdelay $0x2  }
0x3a: {  	s12 =	sadd.s32 $0x20, s12  }
.LBB2_2:
0x3b: {  	p1 =	sgt.u32 s12, $0x1869  }
.Ltmp4:
0x3c: {  	_ = 	snop;
	(pc) =	sbr.rel @p1 .LBB2_4-.Ltmp4, $1  }
0x3d: {  	_ =	sdelay $0x3  }
0x3e: {  	s22 =	rddreg [dreg:$0x9]  }
0x3f: {  	s21 =	smov.u32 s18;
	s23 =	rddreg [dreg:$0xa];
	s18 =	sadd.s32 s16, s22  }
0x40: {  	[tilespmem:s3], [sflag:$0x2] =	stream.linear.gather [hbm4b:s18+s3], $0x80, $0x38;
	[tilespmem:$0xEB50] =	vst v63  }
0x41: {  	s22 =	smov.u32 s19;
	s19 =	sadd.s32 s16, s23  }
0x42: {  	[tilespmem:s24], [sflag:$0x2] =	stream.linear.gather [hbm4b:s19+s3], $0x80, $0x38;
	[tilespmem:$0xEB50] =	vst v63  }
0x43: {  	s26 =	sadd.s32 $0x10, s18  }
0x44: {  	[tilespmem:s17], [sflag:$0x2] =	stream.linear.gather [hbm4b:s26+s3], $0x80, $0x38;
	[tilespmem:$0xEB50] =	vst v63  }
0x45: {  	s29 =	sadd.s32 $0x10, s19  }
0x46: {  	[tilespmem:s25], [sflag:$0x2] =	stream.linear.gather [hbm4b:s29+s3], $0x80, $0x38;
	[tilespmem:$0xEB50] =	vst v63  }
0x47: {  	s31 =	sadd.s32 $0x20, s18;
	s26 =	simm.s32 $0x100  }
0x48: {  	[tilespmem:s26], [sflag:$0x2] =	stream.linear.gather [hbm4b:s31+s3], $0x80, $0x38;
	[tilespmem:$0xEB50] =	vst v63  }
0x49: {  	s1 =	sadd.s32 $0x20, s19  }
0x4a: {  	[tilespmem:s28], [sflag:$0x2] =	stream.linear.gather [hbm4b:s1+s3], $0x80, $0x38;
	[tilespmem:$0xEB50] =	vst v63  }
0x4b: {  	s5 =	sadd.s32 $0x30, s18;
	s29 =	simm.s32 $0x180  }
0x4c: {  	[tilespmem:s29], [sflag:$0x2] =	stream.linear.gather [hbm4b:s5+s3], $0x80, $0x38;
	[tilespmem:$0xEB50] =	vst v63  }
0x4d: {  	s31 =	sadd.s32 $0x30, s19  }
0x4e: {  	[tilespmem:s30], [sflag:$0x2] =	stream.linear.gather [hbm4b:s31+s3], $0x80, $0x38;
	[tilespmem:$0xEB50] =	vst v63  }
0x4f: {  	s1 =	sadd.s32 $0x40, s18;
	s31 =	simm.s32 $0x200  }
0x50: {  	[tilespmem:s31], [sflag:$0x2] =	stream.linear.gather [hbm4b:s1+s3], $0x80, $0x38;
	[tilespmem:$0xEB50] =	vst v63  }
0x51: {  	s5 =	sadd.s32 $0x40, s19;
	s1 =	simm.s32 $0x600  }
0x52: {  	[tilespmem:s1], [sflag:$0x2] =	stream.linear.gather [hbm4b:s5+s3], $0x80, $0x38;
	[tilespmem:$0xEB50] =	vst v63  }
0x53: {  	s23 =	smov.u32 s20;
	s20 =	sadd.s32 $0x50, s18;
	s5 =	simm.s32 $0x280  }
0x54: {  	[tilespmem:s5], [sflag:$0x2] =	stream.linear.gather [hbm4b:s20+s3], $0x80, $0x38;
	[tilespmem:$0xEB50] =	vst v63  }
0x55: {  	s20 =	sadd.s32 $0x50, s19  }
0x56: {  	[tilespmem:s6], [sflag:$0x2] =	stream.linear.gather [hbm4b:s20+s3], $0x80, $0x38;
	[tilespmem:$0xEB50] =	vst v63  }
0x57: {  	s20 =	sadd.s32 $0x60, s18  }
0x58: {  	[tilespmem:s7], [sflag:$0x2] =	stream.linear.gather [hbm4b:s20+s3], $0x80, $0x38;
	[tilespmem:$0xEB50] =	vst v63  }
0x59: {  	s20 =	sadd.s32 $0x60, s19  }
0x5a: {  	[tilespmem:s8], [sflag:$0x2] =	stream.linear.gather [hbm4b:s20+s3], $0x80, $0x38;
	[tilespmem:$0xEB50] =	vst v63  }
0x5b: {  	s18 =	sadd.s32 $0x70, s18;
	s20 =	smov.u32 s23;
	s23 =	simm.s32 $0x380  }
0x5c: {  	[tilespmem:s23], [sflag:$0x2] =	stream.linear.gather [hbm4b:s18+s3], $0x80, $0x38;
	[tilespmem:$0xEB50] =	vst v63  }
0x5d: {  	s18 =	sadd.s32 $0x70, s19;
	s19 =	smov.u32 s22;
	s22 =	simm.s32 $0x780  }
0x5e: {  	[tilespmem:s22], [sflag:$0x2] =	stream.linear.gather [hbm4b:s18+s3], $0x80, $0x38;
	[tilespmem:$0xEB50] =	vst v63  }
0x5f: {  	_ =	swait.ge [sflag:s0], $0x80  }
0x60: {  	[sflag:s0] =	ssyncset.done $0x0  }
0x61: {  	[sflag:s0] =	ssyncadd.s32 $0xFFFFFF80  }
0x62: {  	_ =	swait.ge [sflag:s0], $0x80  }
0x63: {  	[sflag:s0] =	ssyncset.done $0x0  }
0x64: {  	[sflag:s0] =	ssyncadd.s32 $0xFFFFFF80  }
0x65: {  	_ =	swait.ge [sflag:s0], $0x80  }
0x66: {  	[sflag:s0] =	ssyncset.done $0x0  }
0x67: {  	[sflag:s0] =	ssyncadd.s32 $0xFFFFFF80  }
0x68: {  	_ =	swait.ge [sflag:s0], $0x80  }
0x69: {  	[sflag:s0] =	ssyncset.done $0x0  }
0x6a: {  	[sflag:s0] =	ssyncadd.s32 $0xFFFFFF80  }
0x6b: {  	_ =	swait.ge [sflag:s0], $0x80  }
0x6c: {  	[sflag:s0] =	ssyncset.done $0x0  }
0x6d: {  	[sflag:s0] =	ssyncadd.s32 $0xFFFFFF80  }
0x6e: {  	_ =	swait.ge [sflag:s0], $0x80  }
0x6f: {  	[sflag:s0] =	ssyncset.done $0x0  }
0x70: {  	[sflag:s0] =	ssyncadd.s32 $0xFFFFFF80  }
0x71: {  	_ =	swait.ge [sflag:s0], $0x80  }
0x72: {  	[sflag:s0] =	ssyncset.done $0x0  }
0x73: {  	[sflag:s0] =	ssyncadd.s32 $0xFFFFFF80  }
0x74: {  	_ =	swait.ge [sflag:s0], $0x80  }
0x75: {  	[sflag:s0] =	ssyncset.done $0x0  }
0x76: {  	[sflag:s0] =	ssyncadd.s32 $0xFFFFFF80  }
0x77: {  	_ =	swait.ge [sflag:s0], $0x80  }
0x78: {  	[sflag:s0] =	ssyncset.done $0x0  }
0x79: {  	[sflag:s0] =	ssyncadd.s32 $0xFFFFFF80  }
0x7a: {  	_ =	swait.ge [sflag:s0], $0x80  }
0x7b: {  	[sflag:s0] =	ssyncset.done $0x0  }
0x7c: {  	[sflag:s0] =	ssyncadd.s32 $0xFFFFFF80  }
0x7d: {  	_ =	swait.ge [sflag:s0], $0x80  }
0x7e: {  	[sflag:s0] =	ssyncset.done $0x0  }
0x7f: {  	[sflag:s0] =	ssyncadd.s32 $0xFFFFFF80  }
0x80: {  	_ =	swait.ge [sflag:s0], $0x80  }
0x81: {  	[sflag:s0] =	ssyncset.done $0x0  }
0x82: {  	[sflag:s0] =	ssyncadd.s32 $0xFFFFFF80  }
0x83: {  	_ =	swait.ge [sflag:s0], $0x80  }
0x84: {  	[sflag:s0] =	ssyncset.done $0x0  }
0x85: {  	[sflag:s0] =	ssyncadd.s32 $0xFFFFFF80  }
0x86: {  	_ =	swait.ge [sflag:s0], $0x80  }
0x87: {  	[sflag:s0] =	ssyncset.done $0x0  }
0x88: {  	[sflag:s0] =	ssyncadd.s32 $0xFFFFFF80  }
0x89: {  	_ =	swait.ge [sflag:s0], $0x80  }
0x8a: {  	[sflag:s0] =	ssyncset.done $0x0  }
0x8b: {  	[sflag:s0] =	ssyncadd.s32 $0xFFFFFF80  }
0x8c: {  	_ =	swait.ge [sflag:s0], $0x80  }
0x8d: {  	[sflag:s0] =	ssyncset.done $0x0  }
0x8e: {  	s18 =	smov.u32 s21;
	s21 =	simm.s32 $0x800;
	[sflag:s0] =	ssyncadd.s32 $0xFFFFFF80  }
0x8f: {  	[tilespmem:s21], [sflag:$0x1] =	stream.indirect.gather [hbm4b:s4+s17], $0x8, s3, s17, $0xb8;
	[tilespmem:$0xEB50] =	vst v63  }
0x90: {  	_ = 	snop  }
0x91: {  	[tilespmem:s9], [sflag:$0x1] =	stream.indirect.gather [hbm4b:s4+s17], $0x8, s17, s17, $0xb8;
	[tilespmem:$0xEB50] =	vst v63  }
0x92: {  	_ = 	snop  }
0x93: {  	[tilespmem:s10], [sflag:$0x1] =	stream.indirect.gather [hbm4b:s4+s17], $0x8, s26, s17, $0xb8;
	[tilespmem:$0xEB50] =	vst v63  }
0x94: {  	s26 =	simm.s32 $0x1400  }
0x95: {  	[tilespmem:s26], [sflag:$0x1] =	stream.indirect.gather [hbm4b:s4+s17], $0x8, s29, s17, $0xb8;
	[tilespmem:$0xEB50] =	vst v63  }
0x96: {  	s29 =	simm.s32 $0x1800  }
0x97: {  	[tilespmem:s29], [sflag:$0x1] =	stream.indirect.gather [hbm4b:s4+s17], $0x8, s31, s17, $0xb8;
	[tilespmem:$0xEB50] =	vst v63  }
0x98: {  	s31 =	simm.s32 $0x1C00  }
0x99: {  	[tilespmem:s31], [sflag:$0x1] =	stream.indirect.gather [hbm4b:s4+s17], $0x8, s5, s17, $0xb8;
	[tilespmem:$0xEB50] =	vst v63  }
0x9a: {  	s5 =	simm.s32 $0x2000  }
0x9b: {  	[tilespmem:s5], [sflag:$0x1] =	stream.indirect.gather [hbm4b:s4+s17], $0x8, s7, s17, $0xb8;
	[tilespmem:$0xEB50] =	vst v63  }
0x9c: {  	_ = 	snop  }
0x9d: {  	[tilespmem:s13], [sflag:$0x1] =	stream.indirect.gather [hbm4b:s4+s17], $0x8, s23, s17, $0xb8;
	[tilespmem:$0xEB50] =	vst v63  }
0x9e: {  	_ =	swait.ge [sflag:s14], $0x400  }
0x9f: {  	[sflag:s14] =	ssyncset.done $0x0  }
0xa0: {  	[sflag:s14] =	ssyncadd.s32 $0xFFFFFC00  }
0xa1: {  	_ =	swait.ge [sflag:s14], $0x400  }
0xa2: {  	[sflag:s14] =	ssyncset.done $0x0  }
0xa3: {  	[sflag:s14] =	ssyncadd.s32 $0xFFFFFC00  }
0xa4: {  	_ =	swait.ge [sflag:s14], $0x400  }
0xa5: {  	[sflag:s14] =	ssyncset.done $0x0  }
0xa6: {  	[sflag:s14] =	ssyncadd.s32 $0xFFFFFC00  }
0xa7: {  	_ =	swait.ge [sflag:s14], $0x400  }
0xa8: {  	[sflag:s14] =	ssyncset.done $0x0  }
0xa9: {  	[sflag:s14] =	ssyncadd.s32 $0xFFFFFC00  }
0xaa: {  	_ =	swait.ge [sflag:s14], $0x400  }
0xab: {  	[sflag:s14] =	ssyncset.done $0x0  }
0xac: {  	[sflag:s14] =	ssyncadd.s32 $0xFFFFFC00  }
0xad: {  	_ =	swait.ge [sflag:s14], $0x400  }
0xae: {  	[sflag:s14] =	ssyncset.done $0x0  }
0xaf: {  	[sflag:s14] =	ssyncadd.s32 $0xFFFFFC00  }
0xb0: {  	_ =	swait.ge [sflag:s14], $0x400  }
0xb1: {  	[sflag:s14] =	ssyncset.done $0x0  }
0xb2: {  	[sflag:s14] =	ssyncadd.s32 $0xFFFFFC00  }
0xb3: {  	_ =	swait.ge [sflag:s14], $0x400  }
0xb4: {  	[sflag:s14] =	ssyncset.done $0x0  }
0xb5: {  	[sflag:s14] =	ssyncadd.s32 $0xFFFFFC00  }
0xb6: {  	[spmem:s2] =	stream.indirect.scatter.add.f32 [tilespmem:s21], [sflag:$0x4], $0x8, s24, s17, $0xb8;
	[tilespmem:$0xEB50] =	vst v63  }
0xb7: {  	_ =	swait.ge [sflag:s15], $0x400  }
0xb8: {  	[sflag:s15] =	ssyncset.done $0x0  }
0xb9: {  	[sflag:s15] =	ssyncadd.s32 $0xFFFFFC00  }
0xba: {  	[spmem:s2] =	stream.indirect.scatter.add.f32 [tilespmem:s9], [sflag:$0x4], $0x8, s25, s17, $0xb8;
	[tilespmem:$0xEB50] =	vst v63  }
0xbb: {  	_ =	swait.ge [sflag:s15], $0x400  }
0xbc: {  	[sflag:s15] =	ssyncset.done $0x0  }
0xbd: {  	[sflag:s15] =	ssyncadd.s32 $0xFFFFFC00  }
0xbe: {  	[spmem:s2] =	stream.indirect.scatter.add.f32 [tilespmem:s10], [sflag:$0x4], $0x8, s28, s17, $0xb8;
	[tilespmem:$0xEB50] =	vst v63  }
0xbf: {  	_ =	swait.ge [sflag:s15], $0x400  }
0xc0: {  	[sflag:s15] =	ssyncset.done $0x0  }
0xc1: {  	[sflag:s15] =	ssyncadd.s32 $0xFFFFFC00  }
0xc2: {  	[spmem:s2] =	stream.indirect.scatter.add.f32 [tilespmem:s26], [sflag:$0x4], $0x8, s30, s17, $0xb8;
	[tilespmem:$0xEB50] =	vst v63  }
0xc3: {  	_ =	swait.ge [sflag:s15], $0x400  }
0xc4: {  	[sflag:s15] =	ssyncset.done $0x0  }
0xc5: {  	[sflag:s15] =	ssyncadd.s32 $0xFFFFFC00  }
0xc6: {  	[spmem:s2] =	stream.indirect.scatter.add.f32 [tilespmem:s29], [sflag:$0x4], $0x8, s1, s17, $0xb8;
	[tilespmem:$0xEB50] =	vst v63  }
0xc7: {  	_ =	swait.ge [sflag:s15], $0x400  }
0xc8: {  	[sflag:s15] =	ssyncset.done $0x0  }
0xc9: {  	[sflag:s15] =	ssyncadd.s32 $0xFFFFFC00  }
0xca: {  	[spmem:s2] =	stream.indirect.scatter.add.f32 [tilespmem:s31], [sflag:$0x4], $0x8, s6, s17, $0xb8;
	[tilespmem:$0xEB50] =	vst v63  }
0xcb: {  	_ =	swait.ge [sflag:s15], $0x400  }
0xcc: {  	[sflag:s15] =	ssyncset.done $0x0  }
0xcd: {  	[sflag:s15] =	ssyncadd.s32 $0xFFFFFC00  }
0xce: {  	[spmem:s2] =	stream.indirect.scatter.add.f32 [tilespmem:s5], [sflag:$0x4], $0x8, s8, s17, $0xb8;
	[tilespmem:$0xEB50] =	vst v63  }
0xcf: {  	_ =	swait.ge [sflag:s15], $0x400  }
0xd0: {  	[sflag:s15] =	ssyncset.done $0x0  }
.Ltmp5:
0xd1: {  	[sflag:s15] =	ssyncadd.s32 $0xFFFFFC00;
	(pc) =	sbr.rel .LBB2_4-.Ltmp5, $4  }
0xd2: {  	[spmem:s2] =	stream.indirect.scatter.add.f32 [tilespmem:s13], [sflag:$0x3], $0x8, s22, s17, $0xb8;
	[tilespmem:$0xEB50] =	vst v63  }
0xd3: {  	_ =	swait.ge [sflag:s11], $0x400  }
0xd4: {  	[sflag:s11] =	ssyncset.done $0x0  }
0xd5: {  	[sflag:s11] =	ssyncadd.s32 $0xFFFFFC00  }
.LBB2_6:
0xd6: {  	_ =	sfence.sel $0x180000  }
0xd7: {  	[bflag:$0x0] =	sbarrier.arrive $0xFFFF  }
0xd8: {  	_ =	strace $0x9000004D  }
0xd9: {  	s0 =	stileid.u32;
	[bflag:$0x2] =	sbarrier.arrive $0xFFFF  }
0xda: {  	p0 =	sne.s32 s0, $0x0;
	s0 =	rddreg [dreg:$0x2]  }
0xdb: {  	s0 =	sadd.s32 @!p0 $0x100000, s0  }
0xdc: {  	[sflag:s0] =	ssyncadd.tile.s32 @!p0 $0x1;
	_ =	shalt  }
.Lfunc_end2:
_tile_overlayer_lowered:
.L_overlay_start_2:
0xdd: {  	(tag) =	ssettag $0x2  }
0xde: {  	s0 =	rddreg [dreg:$0x0];
	s2 =	stileid.u32  }
0xdf: {  	s1 =	rddreg [dreg:$0x1];
	p0 =	sne.s32 s2, $0x0  }
0xe0: {  	s3 =	rddreg [dreg:$0x2];
	[bflag:$0x3] =	sbarrier.arrive $0xFFFF;
	s2 =	simm.s32 @!p0 $0x1C03  }
0xe1: {  	[timem:s3], [sflag:s2] =	dma.local @!p0 [hbm:s0], s1  }
0xe2: {  	s0 =	simm.s32 @!p0 $0x3  }
0xe3: {  	_ =	swait.ge @!p0 [sflag:s0], s1  }
0xe4: {  	s1 =	ssub.s32 @!p0 $0x0, s1;
	[sflag:s0] =	ssyncset.done @!p0 $0x0  }
0xe5: {  	[sflag:s0] =	ssyncadd.s32 @!p0 s1  }
0xe6: {  	[bflag:$0x3] =	sbarrier.arrive $0xFFFF  }
0xe7: {  	_ =	shalt  }

// kernel: kernel.8.cloned.1.call-start
scs
__scs_entry_jumppad:
0x0: {  	(pc) =	sbr.rel $0x88, $3  }
0x1: {  	(tag) =	ssettag $0x0;
	lr =	simm.s32 $0x1  }
0x2: {  	[smem:$0x3F99] =	sst lr;
	_ =	strace $0xD0000000  }
0x3: {  	_ = 	snop  }
0x4: {  	_ = 	snop  }
0x5: {  	_ = 	snop  }
0x6: {  	_ = 	snop  }
0x7: {  	_ = 	snop  }
__scs_overlays_trampoline_lowered:
0x8: {  	[smem:$0x3FA8] =	sst s0  }
0x9: {  	[smem:$0x3FA9] =	sst s1  }
0xa: {  	[smem:$0x3FAA] =	sst s2  }
0xb: {  	[smem:$0x3FAB] =	sst s3  }
0xc: {  	[smem:$0x3FAC] =	sst s4  }
0xd: {  	[smem:$0x3FAD] =	sst s5  }
0xe: {  	[smem:$0x3FAE] =	sst s6  }
0xf: {  	[smem:$0x3FAF] =	sst s7  }
0x10: {  	[smem:$0x3FB0] =	sst s8  }
0x11: {  	[smem:$0x3FB1] =	sst s9;
	s0 =	simm.s32 @!p0 $0x0  }
0x12: {  	s1 =	sld [smem:$0x3F97];
	s0 =	simm.s32 @p0 $0x1  }
0x13: {  	[smem:$0x3FB2] =	sst s0;
	s0 =	simm.s32 @!p1 $0x0  }
0x14: {  	s2 =	sld [smem:$0x3F96];
	s0 =	simm.s32 @p1 $0x1  }
0x15: {  	[smem:$0x3FB3] =	sst s0;
	s0 =	simm.s32 @!p2 $0x0  }
0x16: {  	s3 =	sld [smem:$0x3FDB];
	s0 =	simm.s32 @p2 $0x1  }
0x17: {  	s4 =	simm.s32 $0x1BF5;
	[smem:$0x3FB5] =	sst s0  }
0x18: {  	s0 =	sld [smem:$0x3F98];
	_ =	swait.ge [sflag:s4], $0x0  }
0x19: {  	s7 =	sld [smem:$0x3F99]  }
0x1a: {  	s8 =	sadd.s32 $0xFFFFE003, lr  }
0x1b: {  	s9 =	sadd.s32 $0xFFFFFEF7, lr;
	s5 =	simm.s32 $0xFFFFFFFF;
	p2 =	slt.u32 s8, $0xFFFFF086  }
0x1c: {  	p1 =	slt.u32 s9, $0xF7A;
	s5 =	simm.s32 @!p2 $0x0  }
0x1d: {  	s5 =	simm.s32 @p1 $0x1;
	p0 =	seq.s32 s7, s2  }
0x1e: {  	s7 =	smul.u32 @!p0 $0xF7A, s2;
	p2 =	seq.s32 @!p0 s5, $0x0  }
0x1f: {  	s9 =	smul.u32 $0xF7A, s1;
	s8 =	simm.s32 @!p0 $0x1BF5;
	p2 =	por !p2, p0  }
0x20: {  	[sflag:s8] =	ssyncset.s32 @!p0 $0xFFFFF086;
	s6 =	sadd.s32 @!p0 s3, s7;
	s7 =	simm.s32 @!p0 $0x108  }
0x21: {  	s3 =	sadd.s32 s3, s9;
	s6 =	sadd.s32 @!p0 $0x88, s6;
	s7 =	simm.s32 @p2 $0x1082  }
0x22: {  	[simem:s7], [sflag:s8] =	dma.local @!p0 [hbm:s6], $0xF7A  }
0x23: {  	s9 =	sor.u32 $0xD0000000, s2;
	s6 =	simm.s32 $0x108;
	_ =	swait.ge @!p0 [sflag:s8], $0x0  }
0x24: {  	s3 =	sadd.s32 $0x88, s3;
	s6 =	simm.s32 @!p1 $0x1082;
	[sflag:s4] =	ssyncset.s32 $0xFFFFF086  }
0x25: {  	[simem:s6], [sflag:s4] =	dma.local [hbm:s3], $0xF7A  }
0x26: {  	[smem:$0x3F99] =	sst s1;
	(tag) =	ssettag s2;
	_ =	strace s9  }
0x27: {  	s1 =	sld [smem:$0x3FA9]  }
0x28: {  	s2 =	sld [smem:$0x3FAA]  }
0x29: {  	s4 =	sld [smem:$0x3FAC]  }
0x2a: {  	p0 =	seq.s32 s5, $0x0;
	s5 =	sld [smem:$0x3FAD]  }
0x2b: {  	s6 =	sld [smem:$0x3FAE]  }
0x2c: {  	s7 =	sld [smem:$0x3FAF]  }
0x2d: {  	s3 =	simm.s32 $0x108;
	s8 =	sld [smem:$0x3FB0]  }
0x2e: {  	s3 =	simm.s32 @!p0 $0x1082;
	s9 =	sld [smem:$0x3FB1]  }
0x2f: {  	lr =	sadd.s32 s0, s3;
	s0 =	sld [smem:$0x3FA8]  }
0x30: {  	s3 =	sld [smem:$0x3FAB]  }
0x31: {  	[smem:$0x3FB4] =	sst s10  }
0x32: {  	s10 =	sld [smem:$0x3FB2];
	_ =	sdelay $0x3  }
0x33: {  	p0 =	seq.s32 s10, $0x1;
	s10 =	sld [smem:$0x3FB4];
	_ =	sdelay $0x3  }
0x34: {  	[smem:$0x3FB4] =	sst s10  }
0x35: {  	s10 =	sld [smem:$0x3FB3];
	_ =	sdelay $0x3  }
0x36: {  	p1 =	seq.s32 s10, $0x1;
	s10 =	sld [smem:$0x3FB4];
	_ =	sdelay $0x3  }
0x37: {  	[smem:$0x3FB4] =	sst s10  }
0x38: {  	s10 =	sld [smem:$0x3FB5]  }
0x39: {  	_ = 	snop;
	(pc) =	sbr.ind lr, $3  }
0x3a: {  	_ = 	snop  }
0x3b: {  	_ = 	snop  }
0x3c: {  	p2 =	seq.s32 s10, $0x1;
	s10 =	sld [smem:$0x3FB4]  }
0x3d: {  	_ =	shalt  }
0x3e: {  	_ =	shalt  }
0x3f: {  	_ =	shalt  }
0x40: {  	_ =	shalt  }
0x41: {  	_ =	shalt  }
0x42: {  	_ =	shalt  }
0x43: {  	_ =	shalt  }
0x44: {  	_ =	shalt  }
0x45: {  	_ =	shalt  }
0x46: {  	_ =	shalt  }
0x47: {  	_ =	shalt  }
0x48: {  	_ =	shalt  }
0x49: {  	_ =	shalt  }
0x4a: {  	_ =	shalt  }
0x4b: {  	_ =	shalt  }
0x4c: {  	_ =	shalt  }
0x4d: {  	_ =	shalt  }
0x4e: {  	_ =	shalt  }
0x4f: {  	_ =	shalt  }
0x50: {  	_ =	shalt  }
0x51: {  	_ =	shalt  }
0x52: {  	_ =	shalt  }
0x53: {  	_ =	shalt  }
0x54: {  	_ =	shalt  }
0x55: {  	_ =	shalt  }
0x56: {  	_ =	shalt  }
0x57: {  	_ =	shalt  }
0x58: {  	_ =	shalt  }
0x59: {  	_ =	shalt  }
0x5a: {  	_ =	shalt  }
0x5b: {  	_ =	shalt  }
0x5c: {  	_ =	shalt  }
0x5d: {  	_ =	shalt  }
0x5e: {  	_ =	shalt  }
0x5f: {  	_ =	shalt  }
0x60: {  	_ =	shalt  }
0x61: {  	_ =	shalt  }
0x62: {  	_ =	shalt  }
0x63: {  	_ =	shalt  }
0x64: {  	_ =	shalt  }
0x65: {  	_ =	shalt  }
0x66: {  	_ =	shalt  }
0x67: {  	_ =	shalt  }
0x68: {  	_ =	shalt  }
0x69: {  	_ =	shalt  }
0x6a: {  	_ =	shalt  }
0x6b: {  	_ =	shalt  }
0x6c: {  	_ =	shalt  }
0x6d: {  	_ =	shalt  }
0x6e: {  	_ =	shalt  }
0x6f: {  	_ =	shalt  }
0x70: {  	_ =	shalt  }
0x71: {  	_ =	shalt  }
0x72: {  	_ =	shalt  }
0x73: {  	_ =	shalt  }
0x74: {  	_ =	shalt  }
0x75: {  	_ =	shalt  }
0x76: {  	_ =	shalt  }
0x77: {  	_ =	shalt  }
0x78: {  	_ =	shalt  }
0x79: {  	_ =	shalt  }
0x7a: {  	_ =	shalt  }
0x7b: {  	_ =	shalt  }
0x7c: {  	_ =	shalt  }
0x7d: {  	_ =	shalt  }
0x7e: {  	_ =	shalt  }
0x7f: {  	_ =	shalt  }
0x80: {  	_ =	shalt  }
0x81: {  	_ =	shalt  }
0x82: {  	_ =	shalt  }
0x83: {  	_ =	shalt  }
0x84: {  	_ =	shalt  }
0x85: {  	_ =	shalt  }
0x86: {  	_ =	shalt  }
0x87: {  	_ =	shalt  }
.Lfunc_end0:
.L_simem_size_0:
called_computation_lowered:
.L_overlay_start_0:
0x88: {  	s2 =	sld [smem:$0x3FD9]  }
0x89: {  	s3 =	sld [smem:$0x3FFE];
	_ =	sdelay $0x1  }
0x8a: {  	s1 =	srdreg.scid  }
0x8b: {  	s0 =	sand.u32 $0x1, s1  }
0x8c: {  	s17 =	sshll.u32 s0, $0xA;
	s2 =	sadd.s32 s3, s2  }
0x8d: {  	s2 =	sadd.s32 s2, s17  }
0x8e: {  	[smem:$0x3FC0] =	sst s2  }
0x8f: {  	_ = 	snop  }
0x90: {  	s2 =	sld [smem:$0x3FD0];
	(tm) =	ssettm $0x1  }
0x91: {  	s18 =	sld [smem:$0x3FFB];
	_ =	sdelay $0x3  }
0x92: {  	_ =	strace s18  }
0x93: {  	s3 =	sld [smem:$0x3FFC];
	_ =	sdelay $0x3  }
0x94: {  	_ =	strace s3  }
0x95: {  	s3 =	sld [smem:$0x3FFD];
	_ =	sdelay $0x3  }
0x96: {  	_ =	strace s3  }
0x97: {  	_ =	strace $0x8FFFFFFF  }
0x98: {  	s19 =	sld [smem:$0x3FDB];
	_ =	sdelay $0x1  }
0x99: {  	s4 =	simm.s32 $_scs_section_size  }
0x9a: {  	s5 =	simm.s32 $_size__tile_overlayer_lowered;
	s6 =	simm.s32 $_tile_overlayer_lowered  }
0x9b: {  	s22 =	simm.s32 $0x1BFF;
	s21 =	sshll.u32 s6, $0x1;
	s3 =	sadd.s32 s4, s19  }
0x9c: {  	s7 =	simm.s32 $0x0;
	s20 =	sshll.u32 s5, $0x1;
	s5 =	sadd.s32 s21, s3  }
0x9d: {  	[timem:s7], [sflag:s22] =	dma.local [hbm:s5], s20  }
0x9e: {  	_ =	swait.ge [sflag:s22], s20  }
0x9f: {  	s4 =	ssub.s32 $0x0, s20;
	[sflag:s22] =	ssyncset.done $0x0  }
0xa0: {  	[sflag:s22] =	ssyncadd.s32 s4;
	_ =	sdelay $0x1  }
0xa1: {  	s23 =	simm.s32 $0x1B8B  }
0xa2: {  	_ =	swait.ge [sflag:s23], $0x1  }
0xa3: {  	[sflag:s23] =	ssyncset.done $0x0  }
0xa4: {  	s25 =	simm.s32 $0x1B8E;
	s24 =	sld [smem:$0x3FFE];
	[sflag:s23] =	ssyncadd.s32 $0xFFFFFFFF  }
0xa5: {  	s26 =	simm.s32 $execute0_lowered;
	[smem:$0x3FD2] =	sst s25  }
0xa6: {  	s5 =	sshll.u32 s26, $0x1;
	_ =	strace $0x80000046;
	[dreg:$0x1] =	wrdreg $0xFFFFFFFF  }
0xa7: {  	s28 =	simm.s32 $_size_execute0_lowered;
	s3 =	sadd.s32 s3, s5;
	[dreg:$0x0] =	wrdreg $0x0  }
0xa8: {  	s5 =	sshll.u32 s28, $0x1;
	[dreg:$0x2] =	wrdreg s3  }
0xa9: {  	[dreg:$0x3] =	wrdreg s5  }
0xaa: {  	[dreg:$0x4] =	wrdreg $0xC0  }
0xab: {  	_ =	task [dreg:s7], $0x5FFFF  }
0xac: {  	[dreg:$0x1] =	wrdreg $0xFFFFFFFF  }
0xad: {  	[dreg:$0x0] =	wrdreg $0x60  }
0xae: {  	[dreg:$0x2] =	wrdreg s24  }
0xaf: {  	[dreg:$0x3] =	wrdreg s2  }
0xb0: {  	[dreg:$0x4] =	wrdreg $0x24000  }
0xb1: {  	[dreg:$0x5] =	wrdreg $0x9  }
0xb2: {  	_ =	task.clear_ibuf [dreg:s7], $0x6FFFF;
	_ =	strace $0x90000046  }
0xb3: {  	s29 =	simm.s32 $0x9;
	_ =	strace $0x80000048  }
0xb4: {  	_ =	swait.ge [sflag:s29], $0x1  }
0xb5: {  	[sflag:s29] =	ssyncadd.s32 $0xFFFFFFFF  }
0xb6: {  	_ =	strace $0x90000048  }
0xb7: {  	_ =	sfence  }
0xb8: {  	s30 =	sld [smem:$0x0];
	_ =	sdelay $0x2  }
0xb9: {  	s31 =	sshll.u32 s1, $0xD;
	s1 =	sshrl.u32 s1, $0x2  }
0xba: {  	s3 =	sand.u32 $0x4000, s31;
	s1 =	sadd.s32 s1, s30  }
0xbb: {  	s0 =	sor.u32 s3, s0;
	s1 =	sshll.u32 s1, $0x11  }
0xbc: {  	s0 =	sor.u32 s1, s0  }
0xbd: {  	s0 =	sadd.s32 $0x8F2B, s0  }
0xbe: {  	[sflag:s0] =	ssyncadd.remote.s32 $0x1  }
0xbf: {  	_ =	sfence.sel $0xFFFF  }
0xc0: {  	[dreg:$0x0] =	wrdreg $0xFFFFFFFF;
	(pc) =	sbr.abs _section_cstart, $3  }
0xc1: {  	[dreg:$0x1] =	wrdreg $0xFFFFFFFF  }
0xc2: {  	_ =	task.clear_ibuf [dreg:s7], $0x2FFFF;
	_ =	strace $0x9FFFFFFF  }
0xc3: {  	(tm) =	ssettm $0x7FFFFFFF  }
tec
execute0_lowered:
.L_overlay_start_1:
0x0: {  	(tag) =	ssettag $0x1  }
0x1: {  	s0 =	rddreg [dreg:$0x0]  }
0x2: {  	s3 =	rddreg [dreg:$0x2]  }
0x3: {  	s4 =	simm.s32 $0x0;
	s13 =	stileid.u32;
	s2 =	srdreg.scid  }
0x4: {  	s12 =	simm.s32 $0x400;
	s17 =	simm.s32 $0x80;
	s18 =	simm.s32 $0x100  }
0x5: {  	s19 =	simm.s32 $0x180;
	s20 =	simm.s32 $0x200;
	s28 =	simm.s32 $0xC00  }
0x6: {  	s29 =	simm.s32 $0x1000;
	s30 =	simm.s32 $0x1400;
	s31 =	simm.s32 $0x1800  }
0x7: {  	[smem:$0x7FF] =	sst s4;
	s1 =	smul.u32 $0xC380, s13;
	s2 =	sand.u32 $0x1, s2  }
0x8: {  	s5 =	sshll.u32 s13, $0x8;
	s9 =	sadd.s32 $0x188E00, s0;
	s22 =	sshll.u32 s13, $0x1  }
0x9: {  	p0 =	seq.s32 s13, $0xF;
	_ =	strace $0x80000047;
	s7 =	ssub.s32 $0x2, s2  }
0xa: {  	s5 =	sadd.s32 s5, s0;
	s21 =	smul.u32 $0xC3500, s2;
	[dreg:$0x4] =	wrdreg s22  }
0xb: {  	s26 =	sshll.u32 s2, $0x7;
	s22 =	simm.s32 $0x300;
	s2 =	simm.s32 $0x2000  }
0xc: {  	s6 =	sshrl.u32 s1, $0x3;
	s8 =	sshrl.u32 s7, $0x1;
	s16 =	sadd.s32 s1, s3  }
0xd: {  	s6 =	sadd.s32 s6, s0;
	s10 =	ssub.s32 s7, s8;
	s1 =	sadd.s32 s1, s21  }
0xe: {  	s23 =	sshrl.u32 s21, $0x3;
	s0 =	sadd.s32 $0x326690, s0;
	s16 =	sshrl.u32 @!p0 s16, $0x3  }
0xf: {  	s21 =	simm.s32 $0x280;
	s6 =	sadd.s32 $0x30F800, s6;
	[dreg:$0x6] =	wrdreg s0  }
0x10: {  	s24 =	sshrl.u32 s1, $0x3;
	s25 =	sadd.s32 s9, s23;
	s10 =	smax.u32 s10, $0x1  }
0x11: {  	s23 =	simm.s32 $0x380;
	s1 =	simm.s32 $0x0;
	[dreg:$0x5] =	wrdreg s6  }
.Ltmp0:
0x12: {  	s6 =	sadd.s32 $0xB7480, s3;
	s0 =	sadd.s32 s9, s24;
	(pc) =	sbr.rel .LBB2_1-.Ltmp0, $4  }
0x13: {  	s9 =	sadd.s32 $0x16E90, s25;
	s24 =	simm.s32 $0x1;
	s25 =	simm.s32 $0x3  }
0x14: {  	[dreg:$0x7] =	wrdreg s0;
	s0 =	sadd.s32 s26, s5;
	s14 =	sshrl.u32 @p0 s6, $0x3  }
0x15: {  	s26 =	simm.s32 $0x800;
	s11 =	sadd.s32 $0xC5800, s0;
	s0 =	sshll.u32 @!p0 s13, $0x6  }
0x16: {  	s13 =	simm.s32 $0x2;
	s15 =	sor.u32 @!p0 $0x1C02, s0;
	s0 =	simm.s32 $0x1C00  }
.LBB2_5:
0x17: {  	[bflag:$0x0] =	sbarrier.arrive $0xFFFF;
	s5 =	simm.s32 @p0 $0x1FC2  }
0x18: {  	[hbm:s9], [sflag:s5] =	dma.local @p0 [spmem:s14], $0x1810  }
0x19: {  	s5 =	simm.s32 @p0 $0x2  }
0x1a: {  	_ =	swait.ge @p0 [sflag:s5], $0x1810  }
0x1b: {  	s1 =	sadd.s32 $0x1, s1;
	[sflag:s5] =	ssyncset.done @p0 $0x0  }
0x1c: {  	p1 =	sne.s32 s1, s10;
	[sflag:s5] =	ssyncadd.s32 @p0 $0xFFFFE7F0;
	s5 =	rddreg [dreg:$0x7]  }
0x1d: {  	[hbm:s5], [sflag:s15] =	dma.local @!p0 [spmem:s16], $0x1870  }
.Ltmp1:
0x1e: {  	_ = 	snop;
	(pc) =	sbr.rel @!p1 .LBB2_6-.Ltmp1, $4  }
0x1f: {  	s5 =	simm.s32 @!p0 $0x2  }
0x20: {  	_ =	swait.ge @!p0 [sflag:s5], $0x1870  }
0x21: {  	[sflag:s5] =	ssyncset.done @!p0 $0x0  }
0x22: {  	[sflag:s5] =	ssyncadd.s32 @!p0 $0xFFFFE790  }
.LBB2_1:
0x23: {  	s5 =	rddreg [dreg:$0x1]  }
0x24: {  	[tilespmem:s12], [sflag:$0x2] =	stream.linear.gather [hbm4b:s5+s4], $0x2000, $0x38;
	[tilespmem:$0x3C70] =	vst v63  }
0x25: {  	_ =	swait.ge [sflag:s13], $0x2000  }
0x26: {  	[sflag:s13] =	ssyncset.done $0x0  }
0x27: {  	s5 =	simm.s32 @p0 $0x1FC2;
	s6 =	rddreg [dreg:$0x6];
	[sflag:s13] =	ssyncadd.s32 $0xFFFFE000  }
0x28: {  	[spmem:s14], [sflag:s5] =	dma.local @p0 [hbm:s6], $0x1810  }
0x29: {  	s5 =	simm.s32 @p0 $0x2  }
0x2a: {  	_ =	swait.ge @p0 [sflag:s5], $0x1810  }
0x2b: {  	[sflag:s5] =	ssyncset.done @p0 $0x0  }
0x2c: {  	[sflag:s5] =	ssyncadd.s32 @p0 $0xFFFFE7F0;
	s5 =	rddreg [dreg:$0x5]  }
0x2d: {  	[spmem:s16], [sflag:s15] =	dma.local @!p0 [hbm:s5], $0x1870  }
0x2e: {  	s5 =	simm.s32 @!p0 $0x2  }
.Ltmp2:
0x2f: {  	_ =	swait.ge @!p0 [sflag:s5], $0x1870;
	(pc) =	sbr.rel .LBB2_2-.Ltmp2, $4  }
0x30: {  	[sflag:s5] =	ssyncset.done @!p0 $0x0  }
0x31: {  	[sflag:s5] =	ssyncadd.s32 @!p0 $0xFFFFE790  }
0x32: {  	[bflag:$0x0] =	sbarrier.arrive $0xFFFF  }
0x33: {  	s6 =	simm.s32 $0x0;
	s5 =	rddreg [dreg:$0x4]  }
.LBB2_4:
0x34: {  	s6 =	sadd.s32 $0x1000, s6  }
0x35: {  	p1 =	sne.s32 s6, $0xC4000  }
.Ltmp3:
0x36: {  	_ = 	snop;
	(pc) =	sbr.rel @!p1 .LBB2_5-.Ltmp3, $2  }
0x37: {  	_ =	sdelay $0x2  }
0x38: {  	s5 =	sadd.s32 $0x20, s5  }
.LBB2_2:
0x39: {  	p1 =	sgt.u32 s5, $0x1869  }
.Ltmp4:
0x3a: {  	_ = 	snop;
	(pc) =	sbr.rel @p1 .LBB2_4-.Ltmp4, $1  }
0x3b: {  	_ =	sdelay $0x3  }
0x3c: {  	s7 =	sadd.s32 s6, s11  }
0x3d: {  	[tilespmem:s4], [sflag:$0x1] =	stream.linear.gather [hbm4b:s7+s4], $0x80, $0x38;
	[tilespmem:$0x3C70] =	vst v63  }
0x3e: {  	s8 =	sadd.s32 $0x10, s7  }
0x3f: {  	[tilespmem:s17], [sflag:$0x1] =	stream.linear.gather [hbm4b:s8+s4], $0x80, $0x38;
	[tilespmem:$0x3C70] =	vst v63  }
0x40: {  	s8 =	sadd.s32 $0x20, s7  }
0x41: {  	[tilespmem:s18], [sflag:$0x1] =	stream.linear.gather [hbm4b:s8+s4], $0x80, $0x38;
	[tilespmem:$0x3C70] =	vst v63  }
0x42: {  	s8 =	sadd.s32 $0x30, s7  }
0x43: {  	[tilespmem:s19], [sflag:$0x1] =	stream.linear.gather [hbm4b:s8+s4], $0x80, $0x38;
	[tilespmem:$0x3C70] =	vst v63  }
0x44: {  	s8 =	sadd.s32 $0x40, s7  }
0x45: {  	[tilespmem:s20], [sflag:$0x1] =	stream.linear.gather [hbm4b:s8+s4], $0x80, $0x38;
	[tilespmem:$0x3C70] =	vst v63  }
0x46: {  	s8 =	sadd.s32 $0x50, s7  }
0x47: {  	[tilespmem:s21], [sflag:$0x1] =	stream.linear.gather [hbm4b:s8+s4], $0x80, $0x38;
	[tilespmem:$0x3C70] =	vst v63  }
0x48: {  	s8 =	sadd.s32 $0x60, s7  }
0x49: {  	[tilespmem:s22], [sflag:$0x1] =	stream.linear.gather [hbm4b:s8+s4], $0x80, $0x38;
	[tilespmem:$0x3C70] =	vst v63  }
0x4a: {  	s7 =	sadd.s32 $0x70, s7  }
0x4b: {  	[tilespmem:s23], [sflag:$0x1] =	stream.linear.gather [hbm4b:s7+s4], $0x80, $0x38;
	[tilespmem:$0x3C70] =	vst v63  }
0x4c: {  	_ =	swait.ge [sflag:s24], $0x80  }
0x4d: {  	[sflag:s24] =	ssyncset.done $0x0  }
0x4e: {  	[sflag:s24] =	ssyncadd.s32 $0xFFFFFF80  }
0x4f: {  	_ =	swait.ge [sflag:s24], $0x80  }
0x50: {  	[sflag:s24] =	ssyncset.done $0x0  }
0x51: {  	[sflag:s24] =	ssyncadd.s32 $0xFFFFFF80  }
0x52: {  	_ =	swait.ge [sflag:s24], $0x80  }
0x53: {  	[sflag:s24] =	ssyncset.done $0x0  }
0x54: {  	[sflag:s24] =	ssyncadd.s32 $0xFFFFFF80  }
0x55: {  	_ =	swait.ge [sflag:s24], $0x80  }
0x56: {  	[sflag:s24] =	ssyncset.done $0x0  }
0x57: {  	[sflag:s24] =	ssyncadd.s32 $0xFFFFFF80  }
0x58: {  	_ =	swait.ge [sflag:s24], $0x80  }
0x59: {  	[sflag:s24] =	ssyncset.done $0x0  }
0x5a: {  	[sflag:s24] =	ssyncadd.s32 $0xFFFFFF80  }
0x5b: {  	_ =	swait.ge [sflag:s24], $0x80  }
0x5c: {  	[sflag:s24] =	ssyncset.done $0x0  }
0x5d: {  	[sflag:s24] =	ssyncadd.s32 $0xFFFFFF80  }
0x5e: {  	_ =	swait.ge [sflag:s24], $0x80  }
0x5f: {  	[sflag:s24] =	ssyncset.done $0x0  }
0x60: {  	[sflag:s24] =	ssyncadd.s32 $0xFFFFFF80  }
0x61: {  	_ =	swait.ge [sflag:s24], $0x80  }
0x62: {  	[sflag:s24] =	ssyncset.done $0x0  }
0x63: {  	[sflag:s24] =	ssyncadd.s32 $0xFFFFFF80  }
0x64: {  	[spmem:s3] =	stream.indirect.scatter.add.f32 [tilespmem:s12], [sflag:$0x3], $0x1, s4, s17, $0xb8;
	[tilespmem:$0x3C70] =	vst v63  }
0x65: {  	_ =	swait.ge [sflag:s25], $0x80  }
0x66: {  	[sflag:s25] =	ssyncset.done $0x0  }
0x67: {  	[sflag:s25] =	ssyncadd.s32 $0xFFFFFF80  }
0x68: {  	[spmem:s3] =	stream.indirect.scatter.add.f32 [tilespmem:s26], [sflag:$0x3], $0x1, s17, s17, $0xb8;
	[tilespmem:$0x3C70] =	vst v63  }
0x69: {  	_ =	swait.ge [sflag:s25], $0x80  }
0x6a: {  	[sflag:s25] =	ssyncset.done $0x0  }
0x6b: {  	[sflag:s25] =	ssyncadd.s32 $0xFFFFFF80  }
0x6c: {  	[spmem:s3] =	stream.indirect.scatter.add.f32 [tilespmem:s28], [sflag:$0x3], $0x1, s18, s17, $0xb8;
	[tilespmem:$0x3C70] =	vst v63  }
0x6d: {  	_ =	swait.ge [sflag:s25], $0x80  }
0x6e: {  	[sflag:s25] =	ssyncset.done $0x0  }
0x6f: {  	[sflag:s25] =	ssyncadd.s32 $0xFFFFFF80  }
0x70: {  	[spmem:s3] =	stream.indirect.scatter.add.f32 [tilespmem:s29], [sflag:$0x3], $0x1, s19, s17, $0xb8;
	[tilespmem:$0x3C70] =	vst v63  }
0x71: {  	_ =	swait.ge [sflag:s25], $0x80  }
0x72: {  	[sflag:s25] =	ssyncset.done $0x0  }
0x73: {  	[sflag:s25] =	ssyncadd.s32 $0xFFFFFF80  }
0x74: {  	[spmem:s3] =	stream.indirect.scatter.add.f32 [tilespmem:s30], [sflag:$0x3], $0x1, s20, s17, $0xb8;
	[tilespmem:$0x3C70] =	vst v63  }
0x75: {  	_ =	swait.ge [sflag:s25], $0x80  }
0x76: {  	[sflag:s25] =	ssyncset.done $0x0  }
0x77: {  	[sflag:s25] =	ssyncadd.s32 $0xFFFFFF80  }
0x78: {  	[spmem:s3] =	stream.indirect.scatter.add.f32 [tilespmem:s31], [sflag:$0x3], $0x1, s21, s17, $0xb8;
	[tilespmem:$0x3C70] =	vst v63  }
0x79: {  	_ =	swait.ge [sflag:s25], $0x80  }
0x7a: {  	[sflag:s25] =	ssyncset.done $0x0  }
0x7b: {  	[sflag:s25] =	ssyncadd.s32 $0xFFFFFF80  }
0x7c: {  	[spmem:s3] =	stream.indirect.scatter.add.f32 [tilespmem:s0], [sflag:$0x3], $0x1, s22, s17, $0xb8;
	[tilespmem:$0x3C70] =	vst v63  }
0x7d: {  	_ =	swait.ge [sflag:s25], $0x80  }
0x7e: {  	[sflag:s25] =	ssyncset.done $0x0  }
.Ltmp5:
0x7f: {  	[sflag:s25] =	ssyncadd.s32 $0xFFFFFF80;
	(pc) =	sbr.rel .LBB2_4-.Ltmp5, $4  }
0x80: {  	[spmem:s3] =	stream.indirect.scatter.add.f32 [tilespmem:s2], [sflag:$0x2], $0x1, s23, s17, $0xb8;
	[tilespmem:$0x3C70] =	vst v63  }
0x81: {  	_ =	swait.ge [sflag:s13], $0x80  }
0x82: {  	[sflag:s13] =	ssyncset.done $0x0  }
0x83: {  	[sflag:s13] =	ssyncadd.s32 $0xFFFFFF80  }
.LBB2_6:
0x84: {  	_ =	sfence.sel $0x180000  }
0x85: {  	[bflag:$0x0] =	sbarrier.arrive $0xFFFF  }
0x86: {  	_ =	strace $0x90000047  }
0x87: {  	s0 =	stileid.u32;
	[bflag:$0x2] =	sbarrier.arrive $0xFFFF  }
0x88: {  	p0 =	sne.s32 s0, $0x0;
	s0 =	rddreg [dreg:$0x3]  }
0x89: {  	s0 =	sadd.s32 @!p0 $0x100000, s0  }
0x8a: {  	[sflag:s0] =	ssyncadd.tile.s32 @!p0 $0x1;
	_ =	shalt  }
.Lfunc_end2:
_tile_overlayer_lowered:
.L_overlay_start_2:
0x8b: {  	(tag) =	ssettag $0x2  }
0x8c: {  	s0 =	rddreg [dreg:$0x0];
	s2 =	stileid.u32  }
0x8d: {  	s1 =	rddreg [dreg:$0x1];
	p0 =	sne.s32 s2, $0x0  }
0x8e: {  	s3 =	rddreg [dreg:$0x2];
	[bflag:$0x3] =	sbarrier.arrive $0xFFFF;
	s2 =	simm.s32 @!p0 $0x1C02  }
0x8f: {  	[timem:s3], [sflag:s2] =	dma.local @!p0 [hbm:s0], s1  }
0x90: {  	s0 =	simm.s32 @!p0 $0x2  }
0x91: {  	_ =	swait.ge @!p0 [sflag:s0], s1  }
0x92: {  	s1 =	ssub.s32 @!p0 $0x0, s1;
	[sflag:s0] =	ssyncset.done @!p0 $0x0  }
0x93: {  	[sflag:s0] =	ssyncadd.s32 @!p0 s1  }
0x94: {  	[bflag:$0x3] =	sbarrier.arrive $0xFFFF  }
0x95: {  	_ =	shalt  }

</sc_bundles>
